<compile_context>
chip_gen: v7x
topology: tpu7x:2x2x1
jax: 0.10.2.dev20260603
libtpu: 0.0.44.dev20260713+nightly
codegen_flags: <defaults>
</compile_context>

<pallas_src>
import functools

import jax
import jax.numpy as jnp
from jax import lax
from jax.experimental import pallas as pl
from jax.experimental.pallas import tpu as pltpu
from jax.experimental.pallas import tpu_sc as plsc

N = 10000
C_TC = 9472
C_SC = N - C_TC

L = 16
NG = 8
NWIN = 4
GR = N // NG
W = 144
NV = W // L
WSTEP = 128
RB = 125
NBLK = GR // RB
U = 5

BR = 400
TC_NBLK = N // BR
BIG = 2 ** 30


def _make_sc_kernel():
    mesh = plsc.VectorSubcoreMesh(core_axis_name="c", subcore_axis_name="s")

    @functools.partial(
        pl.kernel,
        out_type=(
            jax.ShapeDtypeStruct((NG, C_SC), jnp.float32),
            jax.ShapeDtypeStruct((NG, C_SC), jnp.int32),
        ),
        mesh=mesh,
        compiler_params=pltpu.CompilerParams(use_tc_tiling_on_sc=False,
                                             needs_layout_passes=False),
        scratch_types=[
            pltpu.VMEM((RB, W), jnp.float32),
            pltpu.VMEM((RB, W), jnp.float32),
            pltpu.VMEM((RB, L), jnp.float32),
            pltpu.VMEM((RB, L), jnp.float32),
            pltpu.VMEM((W,), jnp.float32),
            pltpu.VMEM((W,), jnp.int32),
            pltpu.SemaphoreType.DMA,
            pltpu.SemaphoreType.DMA,
            pltpu.SemaphoreType.DMA,
            pltpu.SemaphoreType.DMA,
        ],
    )
    def sc_kernel(e_hbm, r_hbm, out_val, out_idx,
                  buf0, buf1, ebuf0, ebuf1, val_v, idx_v,
                  sem0, sem1, esem0, esem1):
        cid = lax.axis_index("c")
        sid = lax.axis_index("s")
        wkr = sid * 2 + cid
        gi = wkr // NWIN
        wi = wkr % NWIN
        r_base = gi * GR
        rel0 = pl.multiple_of(wi * WSTEP, 8)
        c0 = pl.multiple_of(C_TC + wi * WSTEP, 8)

        for j in range(NV):
            val_v[pl.ds(j * L, L)] = jnp.zeros((L,), jnp.float32)
            idx_v[pl.ds(j * L, L)] = jnp.zeros((L,), jnp.int32)

        bufs = (buf0, buf1)
        ebufs = (ebuf0, ebuf1)
        sems = (sem0, sem1)
        esems = (esem0, esem1)

        def start(b, k):
            pltpu.async_copy(
                r_hbm.at[pl.ds(r_base + b * RB, RB), pl.ds(c0, W)],
                bufs[k], sems[k])
            pltpu.async_copy(
                e_hbm.at[pl.ds(r_base + b * RB, RB), :], ebufs[k], esems[k])

        def wait(b, k):
            pltpu.make_async_copy(
                r_hbm.at[pl.ds(r_base + b * RB, RB), pl.ds(c0, W)],
                bufs[k], sems[k]).wait()
            pltpu.make_async_copy(
                e_hbm.at[pl.ds(r_base + b * RB, RB), :], ebufs[k],
                esems[k]).wait()

        start(0, 0)
        start(1, 1)

        def process(b, buf, ebuf):
            base = r_base + b * RB
            carry = tuple(
                val_v[pl.ds(j * L, L)] for j in range(NV)
            ) + tuple(
                idx_v[pl.ds(j * L, L)] for j in range(NV)
            )

            def grp_body(g, cr, base=base, buf=buf, ebuf=ebuf):
                vals = list(cr[:NV])
                idxs = list(cr[NV:])
                r0 = g * U
                evs = [ebuf[r0 + u, :] for u in range(U)]
                ivs = [jnp.full((L,), base + u, jnp.int32) + r0
                       for u in range(U)]
                for j in range(NV):
                    vcur = [buf[r0 + u, pl.ds(j * L, L)] * evs[u]
                            for u in range(U)]
                    icur = ivs
                    while len(vcur) > 1:
                        nv2, ni2 = [], []
                        for a in range(0, len(vcur) - 1, 2):
                            m = vcur[a + 1] > vcur[a]
                            nv2.append(jnp.where(m, vcur[a + 1], vcur[a]))
                            ni2.append(jnp.where(m, icur[a + 1], icur[a]))
                        if len(vcur) % 2:
                            nv2.append(vcur[-1])
                            ni2.append(icur[-1])
                        vcur, icur = nv2, ni2
                    m = vcur[0] > vals[j]
                    vals[j] = jnp.where(m, vcur[0], vals[j])
                    idxs[j] = jnp.where(m, icur[0], idxs[j])
                return tuple(vals) + tuple(idxs)

            carry = lax.fori_loop(0, RB // U, grp_body, carry)
            for j in range(NV):
                val_v[pl.ds(j * L, L)] = carry[j]
                idx_v[pl.ds(j * L, L)] = carry[NV + j]

        def outer(g, acc):
            for k in range(2):
                b = 2 * g + k
                wait(b, k)
                process(b, bufs[k], ebufs[k])

                @pl.when(b + 2 < NBLK)
                def _(b=b, k=k):
                    start(b + 2, k)
            return acc

        lax.fori_loop(0, NBLK // 2, outer, 0)
        if NBLK % 2:
            wait(NBLK - 1, 0)
            process(NBLK - 1, bufs[0], ebufs[0])

        pltpu.sync_copy(val_v, out_val.at[gi, pl.ds(rel0, W)])
        pltpu.sync_copy(idx_v, out_idx.at[gi, pl.ds(rel0, W)])

    return sc_kernel


def _tc_body(e_ref, r_ref, val_ref, idx_ref, acc_v, acc_i):
    i = pl.program_id(0)

    @pl.when(i == 0)
    def _():
        acc_v[...] = jnp.zeros_like(acc_v)
        acc_i[...] = jnp.zeros_like(acc_i)

    def chunk(g, c):
        r8 = r_ref[pl.ds(g * 8, 8), :]
        e8 = e_ref[pl.ds(g * 8, 8), :]
        prod = r8 * e8
        rows = lax.broadcasted_iota(jnp.int32, (8, C_TC), 0) + (i * BR + g * 8)
        m = prod > acc_v[...]
        acc_v[...] = jnp.where(m, prod, acc_v[...])
        acc_i[...] = jnp.where(m, rows, acc_i[...])
        return c

    lax.fori_loop(0, BR // 8, chunk, 0)

    @pl.when(i == TC_NBLK - 1)
    def _():
        av = acc_v[...]
        bmax = jnp.max(av, axis=0, keepdims=True)
        cand = jnp.where(av == bmax, acc_i[...], BIG)
        val_ref[...] = bmax
        idx_ref[...] = jnp.min(cand, axis=0, keepdims=True)


_tc_kernel = pl.pallas_call(
    _tc_body,
    grid=(TC_NBLK,),
    in_specs=[
        pl.BlockSpec((BR, 1), lambda i: (i, 0)),
        pl.BlockSpec((BR, C_TC), lambda i: (i, 0)),
    ],
    out_specs=[
        pl.BlockSpec((1, C_TC), lambda i: (0, 0)),
        pl.BlockSpec((1, C_TC), lambda i: (0, 0)),
    ],
    out_shape=[
        jax.ShapeDtypeStruct((1, C_TC), jnp.float32),
        jax.ShapeDtypeStruct((1, C_TC), jnp.int32),
    ],
    scratch_shapes=[
        pltpu.VMEM((8, C_TC), jnp.float32),
        pltpu.VMEM((8, C_TC), jnp.int32),
    ],
)


def _merge_body(pv_ref, pi_ref, val_ref, idx_ref):
    v = pv_ref[0:1, :]
    x = pi_ref[0:1, :]
    for g in range(1, NG):
        gv = pv_ref[g:g + 1, :]
        gx = pi_ref[g:g + 1, :]
        m = gv > v
        v = jnp.where(m, gv, v)
        x = jnp.where(m, gx, x)
    val_ref[...] = v
    idx_ref[...] = x


_merge_kernel = pl.pallas_call(
    _merge_body,
    out_shape=[
        jax.ShapeDtypeStruct((1, C_SC), jnp.float32),
        jax.ShapeDtypeStruct((1, C_SC), jnp.int32),
    ],
)

_sc_kernel = _make_sc_kernel()


@jax.jit
def kernel(embedding, r_embedding):
    e_col = embedding.reshape(N, 1)
    e_exp = jnp.broadcast_to(e_col, (N, L))
    sc_pv, sc_pi = _sc_kernel(e_exp, r_embedding)
    tc_val, tc_idx = _tc_kernel(e_col, r_embedding)
    sc_val, sc_idx = _merge_kernel(sc_pv, sc_pi)
    new_embedding = jnp.concatenate([tc_val, sc_val], axis=1)
    r_argmax = jnp.concatenate([tc_idx.reshape(C_TC), sc_idx.reshape(C_SC)])
    return new_embedding, r_argmax

# --- scband reference (transcript-rebuilt; emitter-appended) ---
"""Pipeline reference for scband-kgreasoning-7962869367574 (READ-ONLY COPY).

The authoritative reference and input builder live on the scoring server;
editing this copy changes nothing except your own understanding.
"""

import jax, jax.numpy as jnp
import numpy as np

NENTITY = 10000
FRACTION = 10

def setup_inputs(seed: int = 0) -> dict:
    key = jax.random.key(seed)
    k1, k2 = jax.random.split(key)
    # query fuzzy-set embedding over entities (one query, like temp_query.unsqueeze(0))
    embedding = jax.random.uniform(k1, (1, NENTITY), dtype=jnp.float32)
    # dense materialization of the fractional sparse neural adjacency matrix for one relation
    # (softmax-normalized row-stochastic scores, so small positive values)
    r_embedding = jax.random.uniform(k2, (NENTITY, NENTITY), dtype=jnp.float32) * 0.001
    return {"embedding": embedding, "r_embedding": r_embedding}

def reference(embedding, r_embedding):
    # Faithful JAX translation of KGReasoning.relation_projection (is_neg=False).
    # Processes the relation adjacency matrix in `FRACTION` row-blocks, computing
    # new_embedding[b, t] = max_s embedding[b, s] * R[s, t] with a running max
    # and tracking the argmax source entity (r_argmax), exactly as the torch code.
    # The torch nonzero-gather is a sparsity optimization that does not change the
    # max values (zero entries contribute 0 and new_embedding starts at 0).
    nentity = r_embedding.shape[0]
    dim = nentity // FRACTION
    new_embedding = jnp.zeros_like(embedding)
    r_argmax = jnp.zeros((nentity,), dtype=jnp.int32)
    for i in range(FRACTION):
        s = i * dim
        t = (i + 1) * dim if i < FRACTION - 1 else nentity
        fraction_embedding = embedding[:, s:t]                 # [1, f]
        fraction_r_embedding = r_embedding[s:t, :][None, :, :]  # [1, f, N]
        premax = fraction_r_embedding * fraction_embedding[:, :, None]  # [1, f, N]
        fraction_max = jnp.max(premax, axis=1)                 # [1, N]
        tmp_argmax = jnp.argmax(premax, axis=1)[0].astype(jnp.int32) + s  # [N]
        new_mask = (fraction_max > new_embedding).astype(jnp.int32)[0]    # [N]
        r_argmax = new_mask * tmp_argmax + (1 - new_mask) * r_argmax
        new_embedding = jnp.maximum(new_embedding, fraction_max)
    return new_embedding, r_argmax

if __name__ == "__main__":
    import jax
    _d = setup_inputs()
    print(jax.jit(kernel)(*tuple(_d.values())))

</pallas_src>

<mosaic_0001>
#map = affine_map<(d0, d1) -> (0, 0)>
module attributes {stable_mosaic.version = 14 : i64} {
  func.func @sc_kernel(%arg0: i32, %arg1: i32, %arg2: memref<10000x16xf32, #tpu.memory_space<hbm>>, %arg3: memref<10000x10000xf32, #tpu.memory_space<hbm>>, %arg4: memref<8x528xf32, #tpu.memory_space<hbm>>, %arg5: memref<8x528xi32, #tpu.memory_space<hbm>>, %arg6: memref<125x144xf32, #tpu.memory_space<vmem>>, %arg7: memref<125x144xf32, #tpu.memory_space<vmem>>, %arg8: memref<125x16xf32, #tpu.memory_space<vmem>>, %arg9: memref<125x16xf32, #tpu.memory_space<vmem>>, %arg10: memref<144xf32, #tpu.memory_space<vmem>>, %arg11: memref<144xi32, #tpu.memory_space<vmem>>, %arg12: memref<!tpu.dma_semaphore, #tpu.memory_space<semaphore_mem>>, %arg13: memref<!tpu.dma_semaphore, #tpu.memory_space<semaphore_mem>>, %arg14: memref<!tpu.dma_semaphore, #tpu.memory_space<semaphore_mem>>, %arg15: memref<!tpu.dma_semaphore, #tpu.memory_space<semaphore_mem>>) attributes {dimension_semantics = [#tpu.dimension_semantics<core_parallel>, #tpu.dimension_semantics<subcore_parallel>], iteration_bounds = array<i64: 2, 16>, scalar_prefetch = 0 : i64, scratch_operands = 10 : i64, tpu.core_type = #tpu.core_type<sc_vector_subcore>, window_params = [{transform_indices = #map}, {transform_indices = #map}, {transform_indices = #map}, {transform_indices = #map}]} {
    %mul3A = arith.constant 2 : i32
    %mul3A_0 = arith.muli %arg1, %mul3A : i32
    %add3A = arith.addi %mul3A_0, %arg0 : i32
    %jit3A = arith.constant 4 : i32
    %div3A = arith.divsi %add3A, %jit3A : i32
    %sign3A = arith.constant 0 : i32
    %sign3A_1 = arith.cmpi sgt, %add3A, %sign3A : i32
    %sign3A_2 = arith.extui %sign3A_1 : i1 to i32
    %sign3A_3 = arith.constant 0 : i32
    %sign3A_4 = arith.cmpi slt, %add3A, %sign3A_3 : i32
    %sign3A_5 = arith.extui %sign3A_4 : i1 to i32
    %sign3A_6 = arith.subi %sign3A_2, %sign3A_5 : i32
    %sign3A_7 = arith.constant 0 : i32
    %sign3A_8 = arith.cmpi sgt, %jit3A, %sign3A_7 : i32
    %sign3A_9 = arith.extui %sign3A_8 : i1 to i32
    %sign3A_10 = arith.constant 0 : i32
    %sign3A_11 = arith.cmpi slt, %jit3A, %sign3A_10 : i32
    %sign3A_12 = arith.extui %sign3A_11 : i1 to i32
    %sign3A_13 = arith.subi %sign3A_9, %sign3A_12 : i32
    %ne3A = arith.cmpi ne, %sign3A_6, %sign3A_13 : i32
    %rem3A = arith.remsi %add3A, %jit3A : i32
    %ne3A_14 = arith.constant 0 : i32
    %ne3A_15 = arith.cmpi ne, %rem3A, %ne3A_14 : i32
    %and3A = arith.andi %ne3A, %ne3A_15 : i1
    %sub3A = arith.constant 1 : i32
    %sub3A_16 = arith.subi %div3A, %sub3A : i32
    %select_n3A = arith.select %and3A, %sub3A_16, %div3A : i32
    %jit3A_17 = arith.constant 4 : i32
    %eq3A = arith.constant 0 : i32
    %eq3A_18 = arith.cmpi eq, %jit3A_17, %eq3A : i32
    %jit3A_19 = arith.constant 1 : i32
    %select_n3A_20 = arith.select %eq3A_18, %jit3A_19, %jit3A_17 : i32
    %rem3A_21 = arith.remsi %add3A, %select_n3A_20 : i32
    %ne3A_22 = arith.constant 0 : i32
    %ne3A_23 = arith.cmpi ne, %rem3A_21, %ne3A_22 : i32
    %lt3A = arith.constant 0 : i32
    %lt3A_24 = arith.cmpi slt, %rem3A_21, %lt3A : i32
    %lt3A_25 = arith.constant 0 : i32
    %lt3A_26 = arith.cmpi slt, %select_n3A_20, %lt3A_25 : i32
    %ne3A_27 = arith.xori %lt3A_24, %lt3A_26 : i1
    %and3A_28 = arith.andi %ne3A_27, %ne3A_23 : i1
    %add3A_29 = arith.addi %rem3A_21, %select_n3A_20 : i32
    %select_n3A_30 = arith.select %and3A_28, %add3A_29, %rem3A_21 : i32
    %mul3A_31 = arith.constant 1250 : i32
    %mul3A_32 = arith.muli %select_n3A, %mul3A_31 : i32
    %mul3A_33 = arith.constant 128 : i32
    %mul3A_34 = arith.muli %select_n3A_30, %mul3A_33 : i32
    %multiple_of3A = tpu.assume_multiple %mul3A_34, 8 : i32
    %mul3A_35 = arith.constant 128 : i32
    %mul3A_36 = arith.muli %select_n3A_30, %mul3A_35 : i32
    %add3A_37 = arith.constant 9472 : i32
    %add3A_38 = arith.addi %add3A_37, %mul3A_36 : i32
    %multiple_of3A_39 = tpu.assume_multiple %add3A_38, 8 : i32
    %broadcast_in_dim3A = arith.constant 0.000000e+00 : f32
    %broadcast_in_dim3A_40 = vector.broadcast %broadcast_in_dim3A : f32 to vector<16xf32>
    %swap3A = arith.constant 0 : index
    %swap3A_41 = tpu.vector_load %arg10[%swap3A] {strides = array<i32>} : memref<144xf32, #tpu.memory_space<vmem>>, vector<16xf32>,
    tpu.vector_store %arg10[%swap3A], %broadcast_in_dim3A_40 {strides = array<i32>} : memref<144xf32, #tpu.memory_space<vmem>>, vector<16xf32>,
    %broadcast_in_dim3A_42 = arith.constant 0 : i32
    %broadcast_in_dim3A_43 = vector.broadcast %broadcast_in_dim3A_42 : i32 to vector<16xi32>
    %swap3A_44 = arith.constant 0 : index
    %swap3A_45 = tpu.vector_load %arg11[%swap3A_44] {strides = array<i32>} : memref<144xi32, #tpu.memory_space<vmem>>, vector<16xi32>,
    tpu.vector_store %arg11[%swap3A_44], %broadcast_in_dim3A_43 {strides = array<i32>} : memref<144xi32, #tpu.memory_space<vmem>>, vector<16xi32>,
    %broadcast_in_dim3A_46 = arith.constant 0.000000e+00 : f32
    %broadcast_in_dim3A_47 = vector.broadcast %broadcast_in_dim3A_46 : f32 to vector<16xf32>
    %swap3A_48 = arith.constant 16 : index
    %swap3A_49 = tpu.vector_load %arg10[%swap3A_48] {strides = array<i32>} : memref<144xf32, #tpu.memory_space<vmem>>, vector<16xf32>,
    tpu.vector_store %arg10[%swap3A_48], %broadcast_in_dim3A_47 {strides = array<i32>} : memref<144xf32, #tpu.memory_space<vmem>>, vector<16xf32>,
    %broadcast_in_dim3A_50 = arith.constant 0 : i32
    %broadcast_in_dim3A_51 = vector.broadcast %broadcast_in_dim3A_50 : i32 to vector<16xi32>
    %swap3A_52 = arith.constant 16 : index
    %swap3A_53 = tpu.vector_load %arg11[%swap3A_52] {strides = array<i32>} : memref<144xi32, #tpu.memory_space<vmem>>, vector<16xi32>,
    tpu.vector_store %arg11[%swap3A_52], %broadcast_in_dim3A_51 {strides = array<i32>} : memref<144xi32, #tpu.memory_space<vmem>>, vector<16xi32>,
    %broadcast_in_dim3A_54 = arith.constant 0.000000e+00 : f32
    %broadcast_in_dim3A_55 = vector.broadcast %broadcast_in_dim3A_54 : f32 to vector<16xf32>
    %swap3A_56 = arith.constant 32 : index
    %swap3A_57 = tpu.vector_load %arg10[%swap3A_56] {strides = array<i32>} : memref<144xf32, #tpu.memory_space<vmem>>, vector<16xf32>,
    tpu.vector_store %arg10[%swap3A_56], %broadcast_in_dim3A_55 {strides = array<i32>} : memref<144xf32, #tpu.memory_space<vmem>>, vector<16xf32>,
    %broadcast_in_dim3A_58 = arith.constant 0 : i32
    %broadcast_in_dim3A_59 = vector.broadcast %broadcast_in_dim3A_58 : i32 to vector<16xi32>
    %swap3A_60 = arith.constant 32 : index
    %swap3A_61 = tpu.vector_load %arg11[%swap3A_60] {strides = array<i32>} : memref<144xi32, #tpu.memory_space<vmem>>, vector<16xi32>,
    tpu.vector_store %arg11[%swap3A_60], %broadcast_in_dim3A_59 {strides = array<i32>} : memref<144xi32, #tpu.memory_space<vmem>>, vector<16xi32>,
    %broadcast_in_dim3A_62 = arith.constant 0.000000e+00 : f32
    %broadcast_in_dim3A_63 = vector.broadcast %broadcast_in_dim3A_62 : f32 to vector<16xf32>
    %swap3A_64 = arith.constant 48 : index
    %swap3A_65 = tpu.vector_load %arg10[%swap3A_64] {strides = array<i32>} : memref<144xf32, #tpu.memory_space<vmem>>, vector<16xf32>,
    tpu.vector_store %arg10[%swap3A_64], %broadcast_in_dim3A_63 {strides = array<i32>} : memref<144xf32, #tpu.memory_space<vmem>>, vector<16xf32>,
    %broadcast_in_dim3A_66 = arith.constant 0 : i32
    %broadcast_in_dim3A_67 = vector.broadcast %broadcast_in_dim3A_66 : i32 to vector<16xi32>
    %swap3A_68 = arith.constant 48 : index
    %swap3A_69 = tpu.vector_load %arg11[%swap3A_68] {strides = array<i32>} : memref<144xi32, #tpu.memory_space<vmem>>, vector<16xi32>,
    tpu.vector_store %arg11[%swap3A_68], %broadcast_in_dim3A_67 {strides = array<i32>} : memref<144xi32, #tpu.memory_space<vmem>>, vector<16xi32>,
    %broadcast_in_dim3A_70 = arith.constant 0.000000e+00 : f32
    %broadcast_in_dim3A_71 = vector.broadcast %broadcast_in_dim3A_70 : f32 to vector<16xf32>
    %swap3A_72 = arith.constant 64 : index
    %swap3A_73 = tpu.vector_load %arg10[%swap3A_72] {strides = array<i32>} : memref<144xf32, #tpu.memory_space<vmem>>, vector<16xf32>,
    tpu.vector_store %arg10[%swap3A_72], %broadcast_in_dim3A_71 {strides = array<i32>} : memref<144xf32, #tpu.memory_space<vmem>>, vector<16xf32>,
    %broadcast_in_dim3A_74 = arith.constant 0 : i32
    %broadcast_in_dim3A_75 = vector.broadcast %broadcast_in_dim3A_74 : i32 to vector<16xi32>
    %swap3A_76 = arith.constant 64 : index
    %swap3A_77 = tpu.vector_load %arg11[%swap3A_76] {strides = array<i32>} : memref<144xi32, #tpu.memory_space<vmem>>, vector<16xi32>,
    tpu.vector_store %arg11[%swap3A_76], %broadcast_in_dim3A_75 {strides = array<i32>} : memref<144xi32, #tpu.memory_space<vmem>>, vector<16xi32>,
    %broadcast_in_dim3A_78 = arith.constant 0.000000e+00 : f32
    %broadcast_in_dim3A_79 = vector.broadcast %broadcast_in_dim3A_78 : f32 to vector<16xf32>
    %swap3A_80 = arith.constant 80 : index
    %swap3A_81 = tpu.vector_load %arg10[%swap3A_80] {strides = array<i32>} : memref<144xf32, #tpu.memory_space<vmem>>, vector<16xf32>,
    tpu.vector_store %arg10[%swap3A_80], %broadcast_in_dim3A_79 {strides = array<i32>} : memref<144xf32, #tpu.memory_space<vmem>>, vector<16xf32>,
    %broadcast_in_dim3A_82 = arith.constant 0 : i32
    %broadcast_in_dim3A_83 = vector.broadcast %broadcast_in_dim3A_82 : i32 to vector<16xi32>
    %swap3A_84 = arith.constant 80 : index
    %swap3A_85 = tpu.vector_load %arg11[%swap3A_84] {strides = array<i32>} : memref<144xi32, #tpu.memory_space<vmem>>, vector<16xi32>,
    tpu.vector_store %arg11[%swap3A_84], %broadcast_in_dim3A_83 {strides = array<i32>} : memref<144xi32, #tpu.memory_space<vmem>>, vector<16xi32>,
    %broadcast_in_dim3A_86 = arith.constant 0.000000e+00 : f32
    %broadcast_in_dim3A_87 = vector.broadcast %broadcast_in_dim3A_86 : f32 to vector<16xf32>
    %swap3A_88 = arith.constant 96 : index
    %swap3A_89 = tpu.vector_load %arg10[%swap3A_88] {strides = array<i32>} : memref<144xf32, #tpu.memory_space<vmem>>, vector<16xf32>,
    tpu.vector_store %arg10[%swap3A_88], %broadcast_in_dim3A_87 {strides = array<i32>} : memref<144xf32, #tpu.memory_space<vmem>>, vector<16xf32>,
    %broadcast_in_dim3A_90 = arith.constant 0 : i32
    %broadcast_in_dim3A_91 = vector.broadcast %broadcast_in_dim3A_90 : i32 to vector<16xi32>
    %swap3A_92 = arith.constant 96 : index
    %swap3A_93 = tpu.vector_load %arg11[%swap3A_92] {strides = array<i32>} : memref<144xi32, #tpu.memory_space<vmem>>, vector<16xi32>,
    tpu.vector_store %arg11[%swap3A_92], %broadcast_in_dim3A_91 {strides = array<i32>} : memref<144xi32, #tpu.memory_space<vmem>>, vector<16xi32>,
    %broadcast_in_dim3A_94 = arith.constant 0.000000e+00 : f32
    %broadcast_in_dim3A_95 = vector.broadcast %broadcast_in_dim3A_94 : f32 to vector<16xf32>
    %swap3A_96 = arith.constant 112 : index
    %swap3A_97 = tpu.vector_load %arg10[%swap3A_96] {strides = array<i32>} : memref<144xf32, #tpu.memory_space<vmem>>, vector<16xf32>,
    tpu.vector_store %arg10[%swap3A_96], %broadcast_in_dim3A_95 {strides = array<i32>} : memref<144xf32, #tpu.memory_space<vmem>>, vector<16xf32>,
    %broadcast_in_dim3A_98 = arith.constant 0 : i32
    %broadcast_in_dim3A_99 = vector.broadcast %broadcast_in_dim3A_98 : i32 to vector<16xi32>
    %swap3A_100 = arith.constant 112 : index
    %swap3A_101 = tpu.vector_load %arg11[%swap3A_100] {strides = array<i32>} : memref<144xi32, #tpu.memory_space<vmem>>, vector<16xi32>,
    tpu.vector_store %arg11[%swap3A_100], %broadcast_in_dim3A_99 {strides = array<i32>} : memref<144xi32, #tpu.memory_space<vmem>>, vector<16xi32>,
    %broadcast_in_dim3A_102 = arith.constant 0.000000e+00 : f32
    %broadcast_in_dim3A_103 = vector.broadcast %broadcast_in_dim3A_102 : f32 to vector<16xf32>
    %swap3A_104 = arith.constant 128 : index
    %swap3A_105 = tpu.vector_load %arg10[%swap3A_104] {strides = array<i32>} : memref<144xf32, #tpu.memory_space<vmem>>, vector<16xf32>,
    tpu.vector_store %arg10[%swap3A_104], %broadcast_in_dim3A_103 {strides = array<i32>} : memref<144xf32, #tpu.memory_space<vmem>>, vector<16xf32>,
    %broadcast_in_dim3A_106 = arith.constant 0 : i32
    %broadcast_in_dim3A_107 = vector.broadcast %broadcast_in_dim3A_106 : i32 to vector<16xi32>
    %swap3A_108 = arith.constant 128 : index
    %swap3A_109 = tpu.vector_load %arg11[%swap3A_108] {strides = array<i32>} : memref<144xi32, #tpu.memory_space<vmem>>, vector<16xi32>,
    tpu.vector_store %arg11[%swap3A_108], %broadcast_in_dim3A_107 {strides = array<i32>} : memref<144xi32, #tpu.memory_space<vmem>>, vector<16xi32>,
    %add3A_110 = arith.constant 0 : i32
    %add3A_111 = arith.addi %mul3A_32, %add3A_110 : i32
    %dma_start3A = tpu.memref_slice %arg3[%add3A_111, %multiple_of3A_39] : memref<10000x10000xf32, #tpu.memory_space<hbm>> -> memref<125x144xf32, #tpu.memory_space<hbm>>
    %dma_start3A_112 = tpu.memref_slice %arg3[%add3A_111, %multiple_of3A_39] : memref<10000x10000xf32, #tpu.memory_space<hbm>> -> memref<125x144xf32, #tpu.memory_space<hbm>>
    tpu.enqueue_dma source(%dma_start3A_112 : memref<125x144xf32, #tpu.memory_space<hbm>>) target(%arg6 : memref<125x144xf32, #tpu.memory_space<vmem>>) target_semaphore(%arg12 : memref<!tpu.dma_semaphore, #tpu.memory_space<semaphore_mem>>)
    %add3A_113 = arith.constant 0 : i32
    %add3A_114 = arith.addi %mul3A_32, %add3A_113 : i32
    %dma_start3A_115 = arith.constant 0 : i32
    %dma_start3A_116 = tpu.memref_slice %arg2[%add3A_114, %dma_start3A_115] : memref<10000x16xf32, #tpu.memory_space<hbm>> -> memref<125x16xf32, #tpu.memory_space<hbm>>
    %dma_start3A_117 = arith.constant 0 : i32
    %dma_start3A_118 = tpu.memref_slice %arg2[%add3A_114, %dma_start3A_117] : memref<10000x16xf32, #tpu.memory_space<hbm>> -> memref<125x16xf32, #tpu.memory_space<hbm>>
    tpu.enqueue_dma source(%dma_start3A_118 : memref<125x16xf32, #tpu.memory_space<hbm>>) target(%arg8 : memref<125x16xf32, #tpu.memory_space<vmem>>) target_semaphore(%arg14 : memref<!tpu.dma_semaphore, #tpu.memory_space<semaphore_mem>>)
    %add3A_119 = arith.constant 125 : i32
    %add3A_120 = arith.addi %mul3A_32, %add3A_119 : i32
    %dma_start3A_121 = tpu.memref_slice %arg3[%add3A_120, %multiple_of3A_39] : memref<10000x10000xf32, #tpu.memory_space<hbm>> -> memref<125x144xf32, #tpu.memory_space<hbm>>
    %dma_start3A_122 = tpu.memref_slice %arg3[%add3A_120, %multiple_of3A_39] : memref<10000x10000xf32, #tpu.memory_space<hbm>> -> memref<125x144xf32, #tpu.memory_space<hbm>>
    tpu.enqueue_dma source(%dma_start3A_122 : memref<125x144xf32, #tpu.memory_space<hbm>>) target(%arg7 : memref<125x144xf32, #tpu.memory_space<vmem>>) target_semaphore(%arg13 : memref<!tpu.dma_semaphore, #tpu.memory_space<semaphore_mem>>)
    %add3A_123 = arith.constant 125 : i32
    %add3A_124 = arith.addi %mul3A_32, %add3A_123 : i32
    %dma_start3A_125 = arith.constant 0 : i32
    %dma_start3A_126 = tpu.memref_slice %arg2[%add3A_124, %dma_start3A_125] : memref<10000x16xf32, #tpu.memory_space<hbm>> -> memref<125x16xf32, #tpu.memory_space<hbm>>
    %dma_start3A_127 = arith.constant 0 : i32
    %dma_start3A_128 = tpu.memref_slice %arg2[%add3A_124, %dma_start3A_127] : memref<10000x16xf32, #tpu.memory_space<hbm>> -> memref<125x16xf32, #tpu.memory_space<hbm>>
    tpu.enqueue_dma source(%dma_start3A_128 : memref<125x16xf32, #tpu.memory_space<hbm>>) target(%arg9 : memref<125x16xf32, #tpu.memory_space<vmem>>) target_semaphore(%arg15 : memref<!tpu.dma_semaphore, #tpu.memory_space<semaphore_mem>>)
    %scan3A = arith.constant 0 : i32
    %scan3A_129 = arith.constant 0 : i32
    %scan3A_130 = arith.constant 5 : i32
    %scan3A_131 = arith.addi %scan3A_129, %scan3A_130 : i32
    %scan3A_132 = arith.constant 1 : i32
    scf.for %scan3A_134 = %scan3A_129 to %scan3A_131 step %scan3A_132  : i32 {
      %mul3A_135 = arith.constant 2 : i32
      %mul3A_136 = arith.muli %mul3A_135, %scan3A_134 : i32
      %add3A_137 = arith.constant 0 : i32
      %add3A_138 = arith.addi %mul3A_136, %add3A_137 : i32
      %mul3A_139 = arith.constant 125 : i32
      %mul3A_140 = arith.muli %add3A_138, %mul3A_139 : i32
      %add3A_141 = arith.addi %mul3A_32, %mul3A_140 : i32
      %dma_wait3A = tpu.memref_slice %arg3[%add3A_141, %multiple_of3A_39] : memref<10000x10000xf32, #tpu.memory_space<hbm>> -> memref<125x144xf32, #tpu.memory_space<hbm>>
      %dma_wait3A_142 = tpu.memref_slice %arg3[%add3A_141, %multiple_of3A_39] : memref<10000x10000xf32, #tpu.memory_space<hbm>> -> memref<125x144xf32, #tpu.memory_space<hbm>>
      tpu.wait_dma2 semaphore(%arg12 : memref<!tpu.dma_semaphore, #tpu.memory_space<semaphore_mem>>) src(%dma_wait3A_142 : memref<125x144xf32, #tpu.memory_space<hbm>>) dst(%arg6 : memref<125x144xf32, #tpu.memory_space<vmem>>)
      %mul3A_143 = arith.constant 125 : i32
      %mul3A_144 = arith.muli %add3A_138, %mul3A_143 : i32
      %add3A_145 = arith.addi %mul3A_32, %mul3A_144 : i32
      %dma_wait3A_146 = arith.constant 0 : i32
      %dma_wait3A_147 = tpu.memref_slice %arg2[%add3A_145, %dma_wait3A_146] : memref<10000x16xf32, #tpu.memory_space<hbm>> -> memref<125x16xf32, #tpu.memory_space<hbm>>
      %dma_wait3A_148 = arith.constant 0 : i32
      %dma_wait3A_149 = tpu.memref_slice %arg2[%add3A_145, %dma_wait3A_148] : memref<10000x16xf32, #tpu.memory_space<hbm>> -> memref<125x16xf32, #tpu.memory_space<hbm>>
      tpu.wait_dma2 semaphore(%arg14 : memref<!tpu.dma_semaphore, #tpu.memory_space<semaphore_mem>>) src(%dma_wait3A_149 : memref<125x16xf32, #tpu.memory_space<hbm>>) dst(%arg8 : memref<125x16xf32, #tpu.memory_space<vmem>>)
      %mul3A_150 = arith.constant 125 : i32
      %mul3A_151 = arith.muli %add3A_138, %mul3A_150 : i32
      %add3A_152 = arith.addi %mul3A_32, %mul3A_151 : i32
      %get3A = arith.constant 0 : index
      %get3A_153 = tpu.vector_load %arg10[%get3A] {strides = array<i32>} : memref<144xf32, #tpu.memory_space<vmem>>, vector<16xf32>,
      %get3A_154 = arith.constant 16 : index
      %get3A_155 = tpu.vector_load %arg10[%get3A_154] {strides = array<i32>} : memref<144xf32, #tpu.memory_space<vmem>>, vector<16xf32>,
      %get3A_156 = arith.constant 32 : index
      %get3A_157 = tpu.vector_load %arg10[%get3A_156] {strides = array<i32>} : memref<144xf32, #tpu.memory_space<vmem>>, vector<16xf32>,
      %get3A_158 = arith.constant 48 : index
      %get3A_159 = tpu.vector_load %arg10[%get3A_158] {strides = array<i32>} : memref<144xf32, #tpu.memory_space<vmem>>, vector<16xf32>,
      %get3A_160 = arith.constant 64 : index
      %get3A_161 = tpu.vector_load %arg10[%get3A_160] {strides = array<i32>} : memref<144xf32, #tpu.memory_space<vmem>>, vector<16xf32>,
      %get3A_162 = arith.constant 80 : index
      %get3A_163 = tpu.vector_load %arg10[%get3A_162] {strides = array<i32>} : memref<144xf32, #tpu.memory_space<vmem>>, vector<16xf32>,
      %get3A_164 = arith.constant 96 : index
      %get3A_165 = tpu.vector_load %arg10[%get3A_164] {strides = array<i32>} : memref<144xf32, #tpu.memory_space<vmem>>, vector<16xf32>,
      %get3A_166 = arith.constant 112 : index
      %get3A_167 = tpu.vector_load %arg10[%get3A_166] {strides = array<i32>} : memref<144xf32, #tpu.memory_space<vmem>>, vector<16xf32>,
      %get3A_168 = arith.constant 128 : index
      %get3A_169 = tpu.vector_load %arg10[%get3A_168] {strides = array<i32>} : memref<144xf32, #tpu.memory_space<vmem>>, vector<16xf32>,
      %get3A_170 = arith.constant 0 : index
      %get3A_171 = tpu.vector_load %arg11[%get3A_170] {strides = array<i32>} : memref<144xi32, #tpu.memory_space<vmem>>, vector<16xi32>,
      %get3A_172 = arith.constant 16 : index
      %get3A_173 = tpu.vector_load %arg11[%get3A_172] {strides = array<i32>} : memref<144xi32, #tpu.memory_space<vmem>>, vector<16xi32>,
      %get3A_174 = arith.constant 32 : index
      %get3A_175 = tpu.vector_load %arg11[%get3A_174] {strides = array<i32>} : memref<144xi32, #tpu.memory_space<vmem>>, vector<16xi32>,
      %get3A_176 = arith.constant 48 : index
      %get3A_177 = tpu.vector_load %arg11[%get3A_176] {strides = array<i32>} : memref<144xi32, #tpu.memory_space<vmem>>, vector<16xi32>,
      %get3A_178 = arith.constant 64 : index
      %get3A_179 = tpu.vector_load %arg11[%get3A_178] {strides = array<i32>} : memref<144xi32, #tpu.memory_space<vmem>>, vector<16xi32>,
      %get3A_180 = arith.constant 80 : index
      %get3A_181 = tpu.vector_load %arg11[%get3A_180] {strides = array<i32>} : memref<144xi32, #tpu.memory_space<vmem>>, vector<16xi32>,
      %get3A_182 = arith.constant 96 : index
      %get3A_183 = tpu.vector_load %arg11[%get3A_182] {strides = array<i32>} : memref<144xi32, #tpu.memory_space<vmem>>, vector<16xi32>,
      %get3A_184 = arith.constant 112 : index
      %get3A_185 = tpu.vector_load %arg11[%get3A_184] {strides = array<i32>} : memref<144xi32, #tpu.memory_space<vmem>>, vector<16xi32>,
      %get3A_186 = arith.constant 128 : index
      %get3A_187 = tpu.vector_load %arg11[%get3A_186] {strides = array<i32>} : memref<144xi32, #tpu.memory_space<vmem>>, vector<16xi32>,
      %scan3A_188 = arith.constant 0 : i32
      %scan3A_189 = arith.constant 25 : i32
      %scan3A_190 = arith.addi %scan3A_188, %scan3A_189 : i32
      %scan3A_191 = arith.constant 1 : i32
      %scan3A_192:18 = scf.for %scan3A_339 = %scan3A_188 to %scan3A_190 step %scan3A_191 iter_args(%scan3A_340 = %get3A_153, %scan3A_341 = %get3A_155, %scan3A_342 = %get3A_157, %scan3A_343 = %get3A_159, %scan3A_344 = %get3A_161, %scan3A_345 = %get3A_163, %scan3A_346 = %get3A_165, %scan3A_347 = %get3A_167, %scan3A_348 = %get3A_169, %scan3A_349 = %get3A_171, %scan3A_350 = %get3A_173, %scan3A_351 = %get3A_175, %scan3A_352 = %get3A_177, %scan3A_353 = %get3A_179, %scan3A_354 = %get3A_181, %scan3A_355 = %get3A_183, %scan3A_356 = %get3A_185, %scan3A_357 = %get3A_187) -> (vector<16xf32>, vector<16xf32>, vector<16xf32>, vector<16xf32>, vector<16xf32>, vector<16xf32>, vector<16xf32>, vector<16xf32>, vector<16xf32>, vector<16xi32>, vector<16xi32>, vector<16xi32>, vector<16xi32>, vector<16xi32>, vector<16xi32>, vector<16xi32>, vector<16xi32>, vector<16xi32>)  : i32 {
        %mul3A_358 = arith.constant 5 : i32
        %mul3A_359 = arith.muli %scan3A_339, %mul3A_358 : i32
        %add3A_360 = arith.constant 0 : i32
        %add3A_361 = arith.addi %mul3A_359, %add3A_360 : i32
        %get3A_362 = arith.index_cast %add3A_361 : i32 to index
        %get3A_363 = arith.constant 0 : index
        %get3A_364 = tpu.vector_load %arg8[%get3A_362, %get3A_363] {strides = array<i32>} : memref<125x16xf32, #tpu.memory_space<vmem>>, vector<16xf32>,
        %add3A_365 = arith.constant 1 : i32
        %add3A_366 = arith.addi %mul3A_359, %add3A_365 : i32
        %get3A_367 = arith.index_cast %add3A_366 : i32 to index
        %get3A_368 = arith.constant 0 : index
        %get3A_369 = tpu.vector_load %arg8[%get3A_367, %get3A_368] {strides = array<i32>} : memref<125x16xf32, #tpu.memory_space<vmem>>, vector<16xf32>,
        %add3A_370 = arith.constant 2 : i32
        %add3A_371 = arith.addi %mul3A_359, %add3A_370 : i32
        %get3A_372 = arith.index_cast %add3A_371 : i32 to index
        %get3A_373 = arith.constant 0 : index
        %get3A_374 = tpu.vector_load %arg8[%get3A_372, %get3A_373] {strides = array<i32>} : memref<125x16xf32, #tpu.memory_space<vmem>>, vector<16xf32>,
        %add3A_375 = arith.constant 3 : i32
        %add3A_376 = arith.addi %mul3A_359, %add3A_375 : i32
        %get3A_377 = arith.index_cast %add3A_376 : i32 to index
        %get3A_378 = arith.constant 0 : index
        %get3A_379 = tpu.vector_load %arg8[%get3A_377, %get3A_378] {strides = array<i32>} : memref<125x16xf32, #tpu.memory_space<vmem>>, vector<16xf32>,
        %add3A_380 = arith.constant 4 : i32
        %add3A_381 = arith.addi %mul3A_359, %add3A_380 : i32
        %get3A_382 = arith.index_cast %add3A_381 : i32 to index
        %get3A_383 = arith.constant 0 : index
        %get3A_384 = tpu.vector_load %arg8[%get3A_382, %get3A_383] {strides = array<i32>} : memref<125x16xf32, #tpu.memory_space<vmem>>, vector<16xf32>,
        %add3A_385 = arith.constant 0 : i32
        %add3A_386 = arith.addi %add3A_152, %add3A_385 : i32
        %broadcast_in_dim3A_387 = vector.broadcast %add3A_386 : i32 to vector<16xi32>
        %add3A_388 = vector.broadcast %mul3A_359 : i32 to vector<16xi32>
        %add3A_389 = arith.addi %broadcast_in_dim3A_387, %add3A_388 : vector<16xi32>
        %add3A_390 = arith.constant 1 : i32
        %add3A_391 = arith.addi %add3A_152, %add3A_390 : i32
        %broadcast_in_dim3A_392 = vector.broadcast %add3A_391 : i32 to vector<16xi32>
        %add3A_393 = vector.broadcast %mul3A_359 : i32 to vector<16xi32>
        %add3A_394 = arith.addi %broadcast_in_dim3A_392, %add3A_393 : vector<16xi32>
        %add3A_395 = arith.constant 2 : i32
        %add3A_396 = arith.addi %add3A_152, %add3A_395 : i32
        %broadcast_in_dim3A_397 = vector.broadcast %add3A_396 : i32 to vector<16xi32>
        %add3A_398 = vector.broadcast %mul3A_359 : i32 to vector<16xi32>
        %add3A_399 = arith.addi %broadcast_in_dim3A_397, %add3A_398 : vector<16xi32>
        %add3A_400 = arith.constant 3 : i32
        %add3A_401 = arith.addi %add3A_152, %add3A_400 : i32
        %broadcast_in_dim3A_402 = vector.broadcast %add3A_401 : i32 to vector<16xi32>
        %add3A_403 = vector.broadcast %mul3A_359 : i32 to vector<16xi32>
        %add3A_404 = arith.addi %broadcast_in_dim3A_402, %add3A_403 : vector<16xi32>
        %add3A_405 = arith.constant 4 : i32
        %add3A_406 = arith.addi %add3A_152, %add3A_405 : i32
        %broadcast_in_dim3A_407 = vector.broadcast %add3A_406 : i32 to vector<16xi32>
        %add3A_408 = vector.broadcast %mul3A_359 : i32 to vector<16xi32>
        %add3A_409 = arith.addi %broadcast_in_dim3A_407, %add3A_408 : vector<16xi32>
        %add3A_410 = arith.constant 0 : i32
        %add3A_411 = arith.addi %mul3A_359, %add3A_410 : i32
        %get3A_412 = arith.index_cast %add3A_411 : i32 to index
        %get3A_413 = arith.constant 0 : index
        %get3A_414 = tpu.vector_load %arg6[%get3A_412, %get3A_413] {strides = array<i32>} : memref<125x144xf32, #tpu.memory_space<vmem>>, vector<16xf32>,
        %mul3A_415 = arith.mulf %get3A_414, %get3A_364 : vector<16xf32>
        %add3A_416 = arith.constant 1 : i32
        %add3A_417 = arith.addi %mul3A_359, %add3A_416 : i32
        %get3A_418 = arith.index_cast %add3A_417 : i32 to index
        %get3A_419 = arith.constant 0 : index
        %get3A_420 = tpu.vector_load %arg6[%get3A_418, %get3A_419] {strides = array<i32>} : memref<125x144xf32, #tpu.memory_space<vmem>>, vector<16xf32>,
        %mul3A_421 = arith.mulf %get3A_420, %get3A_369 : vector<16xf32>
        %add3A_422 = arith.constant 2 : i32
        %add3A_423 = arith.addi %mul3A_359, %add3A_422 : i32
        %get3A_424 = arith.index_cast %add3A_423 : i32 to index
        %get3A_425 = arith.constant 0 : index
        %get3A_426 = tpu.vector_load %arg6[%get3A_424, %get3A_425] {strides = array<i32>} : memref<125x144xf32, #tpu.memory_space<vmem>>, vector<16xf32>,
        %mul3A_427 = arith.mulf %get3A_426, %get3A_374 : vector<16xf32>
        %add3A_428 = arith.constant 3 : i32
        %add3A_429 = arith.addi %mul3A_359, %add3A_428 : i32
        %get3A_430 = arith.index_cast %add3A_429 : i32 to index
        %get3A_431 = arith.constant 0 : index
        %get3A_432 = tpu.vector_load %arg6[%get3A_430, %get3A_431] {strides = array<i32>} : memref<125x144xf32, #tpu.memory_space<vmem>>, vector<16xf32>,
        %mul3A_433 = arith.mulf %get3A_432, %get3A_379 : vector<16xf32>
        %add3A_434 = arith.constant 4 : i32
        %add3A_435 = arith.addi %mul3A_359, %add3A_434 : i32
        %get3A_436 = arith.index_cast %add3A_435 : i32 to index
        %get3A_437 = arith.constant 0 : index
        %get3A_438 = tpu.vector_load %arg6[%get3A_436, %get3A_437] {strides = array<i32>} : memref<125x144xf32, #tpu.memory_space<vmem>>, vector<16xf32>,
        %mul3A_439 = arith.mulf %get3A_438, %get3A_384 : vector<16xf32>
        %gt3A = arith.cmpf ogt, %mul3A_421, %mul3A_415 : vector<16xf32>
        %select_n3A_440 = arith.select %gt3A, %mul3A_421, %mul3A_415 : vector<16xi1>, vector<16xf32>
        %select_n3A_441 = arith.select %gt3A, %add3A_394, %add3A_389 : vector<16xi1>, vector<16xi32>
        %gt3A_442 = arith.cmpf ogt, %mul3A_433, %mul3A_427 : vector<16xf32>
        %select_n3A_443 = arith.select %gt3A_442, %mul3A_433, %mul3A_427 : vector<16xi1>, vector<16xf32>
        %select_n3A_444 = arith.select %gt3A_442, %add3A_404, %add3A_399 : vector<16xi1>, vector<16xi32>
        %gt3A_445 = arith.cmpf ogt, %select_n3A_443, %select_n3A_440 : vector<16xf32>
        %select_n3A_446 = arith.select %gt3A_445, %select_n3A_443, %select_n3A_440 : vector<16xi1>, vector<16xf32>
        %select_n3A_447 = arith.select %gt3A_445, %select_n3A_444, %select_n3A_441 : vector<16xi1>, vector<16xi32>
        %gt3A_448 = arith.cmpf ogt, %mul3A_439, %select_n3A_446 : vector<16xf32>
        %select_n3A_449 = arith.select %gt3A_448, %mul3A_439, %select_n3A_446 : vector<16xi1>, vector<16xf32>
        %select_n3A_450 = arith.select %gt3A_448, %add3A_409, %select_n3A_447 : vector<16xi1>, vector<16xi32>
        %gt3A_451 = arith.cmpf ogt, %select_n3A_449, %scan3A_340 : vector<16xf32>
        %select_n3A_452 = arith.select %gt3A_451, %select_n3A_449, %scan3A_340 : vector<16xi1>, vector<16xf32>
        %select_n3A_453 = arith.select %gt3A_451, %select_n3A_450, %scan3A_349 : vector<16xi1>, vector<16xi32>
        %add3A_454 = arith.constant 0 : i32
        %add3A_455 = arith.addi %mul3A_359, %add3A_454 : i32
        %get3A_456 = arith.index_cast %add3A_455 : i32 to index
        %get3A_457 = arith.constant 16 : index
        %get3A_458 = tpu.vector_load %arg6[%get3A_456, %get3A_457] {strides = array<i32>} : memref<125x144xf32, #tpu.memory_space<vmem>>, vector<16xf32>,
        %mul3A_459 = arith.mulf %get3A_458, %get3A_364 : vector<16xf32>
        %add3A_460 = arith.constant 1 : i32
        %add3A_461 = arith.addi %mul3A_359, %add3A_460 : i32
        %get3A_462 = arith.index_cast %add3A_461 : i32 to index
        %get3A_463 = arith.constant 16 : index
        %get3A_464 = tpu.vector_load %arg6[%get3A_462, %get3A_463] {strides = array<i32>} : memref<125x144xf32, #tpu.memory_space<vmem>>, vector<16xf32>,
        %mul3A_465 = arith.mulf %get3A_464, %get3A_369 : vector<16xf32>
        %add3A_466 = arith.constant 2 : i32
        %add3A_467 = arith.addi %mul3A_359, %add3A_466 : i32
        %get3A_468 = arith.index_cast %add3A_467 : i32 to index
        %get3A_469 = arith.constant 16 : index
        %get3A_470 = tpu.vector_load %arg6[%get3A_468, %get3A_469] {strides = array<i32>} : memref<125x144xf32, #tpu.memory_space<vmem>>, vector<16xf32>,
        %mul3A_471 = arith.mulf %get3A_470, %get3A_374 : vector<16xf32>
        %add3A_472 = arith.constant 3 : i32
        %add3A_473 = arith.addi %mul3A_359, %add3A_472 : i32
        %get3A_474 = arith.index_cast %add3A_473 : i32 to index
        %get3A_475 = arith.constant 16 : index
        %get3A_476 = tpu.vector_load %arg6[%get3A_474, %get3A_475] {strides = array<i32>} : memref<125x144xf32, #tpu.memory_space<vmem>>, vector<16xf32>,
        %mul3A_477 = arith.mulf %get3A_476, %get3A_379 : vector<16xf32>
        %add3A_478 = arith.constant 4 : i32
        %add3A_479 = arith.addi %mul3A_359, %add3A_478 : i32
        %get3A_480 = arith.index_cast %add3A_479 : i32 to index
        %get3A_481 = arith.constant 16 : index
        %get3A_482 = tpu.vector_load %arg6[%get3A_480, %get3A_481] {strides = array<i32>} : memref<125x144xf32, #tpu.memory_space<vmem>>, vector<16xf32>,
        %mul3A_483 = arith.mulf %get3A_482, %get3A_384 : vector<16xf32>
        %gt3A_484 = arith.cmpf ogt, %mul3A_465, %mul3A_459 : vector<16xf32>
        %select_n3A_485 = arith.select %gt3A_484, %mul3A_465, %mul3A_459 : vector<16xi1>, vector<16xf32>
        %select_n3A_486 = arith.select %gt3A_484, %add3A_394, %add3A_389 : vector<16xi1>, vector<16xi32>
        %gt3A_487 = arith.cmpf ogt, %mul3A_477, %mul3A_471 : vector<16xf32>
        %select_n3A_488 = arith.select %gt3A_487, %mul3A_477, %mul3A_471 : vector<16xi1>, vector<16xf32>
        %select_n3A_489 = arith.select %gt3A_487, %add3A_404, %add3A_399 : vector<16xi1>, vector<16xi32>
        %gt3A_490 = arith.cmpf ogt, %select_n3A_488, %select_n3A_485 : vector<16xf32>
        %select_n3A_491 = arith.select %gt3A_490, %select_n3A_488, %select_n3A_485 : vector<16xi1>, vector<16xf32>
        %select_n3A_492 = arith.select %gt3A_490, %select_n3A_489, %select_n3A_486 : vector<16xi1>, vector<16xi32>
        %gt3A_493 = arith.cmpf ogt, %mul3A_483, %select_n3A_491 : vector<16xf32>
        %select_n3A_494 = arith.select %gt3A_493, %mul3A_483, %select_n3A_491 : vector<16xi1>, vector<16xf32>
        %select_n3A_495 = arith.select %gt3A_493, %add3A_409, %select_n3A_492 : vector<16xi1>, vector<16xi32>
        %gt3A_496 = arith.cmpf ogt, %select_n3A_494, %scan3A_341 : vector<16xf32>
        %select_n3A_497 = arith.select %gt3A_496, %select_n3A_494, %scan3A_341 : vector<16xi1>, vector<16xf32>
        %select_n3A_498 = arith.select %gt3A_496, %select_n3A_495, %scan3A_350 : vector<16xi1>, vector<16xi32>
        %add3A_499 = arith.constant 0 : i32
        %add3A_500 = arith.addi %mul3A_359, %add3A_499 : i32
        %get3A_501 = arith.index_cast %add3A_500 : i32 to index
        %get3A_502 = arith.constant 32 : index
        %get3A_503 = tpu.vector_load %arg6[%get3A_501, %get3A_502] {strides = array<i32>} : memref<125x144xf32, #tpu.memory_space<vmem>>, vector<16xf32>,
        %mul3A_504 = arith.mulf %get3A_503, %get3A_364 : vector<16xf32>
        %add3A_505 = arith.constant 1 : i32
        %add3A_506 = arith.addi %mul3A_359, %add3A_505 : i32
        %get3A_507 = arith.index_cast %add3A_506 : i32 to index
        %get3A_508 = arith.constant 32 : index
        %get3A_509 = tpu.vector_load %arg6[%get3A_507, %get3A_508] {strides = array<i32>} : memref<125x144xf32, #tpu.memory_space<vmem>>, vector<16xf32>,
        %mul3A_510 = arith.mulf %get3A_509, %get3A_369 : vector<16xf32>
        %add3A_511 = arith.constant 2 : i32
        %add3A_512 = arith.addi %mul3A_359, %add3A_511 : i32
        %get3A_513 = arith.index_cast %add3A_512 : i32 to index
        %get3A_514 = arith.constant 32 : index
        %get3A_515 = tpu.vector_load %arg6[%get3A_513, %get3A_514] {strides = array<i32>} : memref<125x144xf32, #tpu.memory_space<vmem>>, vector<16xf32>,
        %mul3A_516 = arith.mulf %get3A_515, %get3A_374 : vector<16xf32>
        %add3A_517 = arith.constant 3 : i32
        %add3A_518 = arith.addi %mul3A_359, %add3A_517 : i32
        %get3A_519 = arith.index_cast %add3A_518 : i32 to index
        %get3A_520 = arith.constant 32 : index
        %get3A_521 = tpu.vector_load %arg6[%get3A_519, %get3A_520] {strides = array<i32>} : memref<125x144xf32, #tpu.memory_space<vmem>>, vector<16xf32>,
        %mul3A_522 = arith.mulf %get3A_521, %get3A_379 : vector<16xf32>
        %add3A_523 = arith.constant 4 : i32
        %add3A_524 = arith.addi %mul3A_359, %add3A_523 : i32
        %get3A_525 = arith.index_cast %add3A_524 : i32 to index
        %get3A_526 = arith.constant 32 : index
        %get3A_527 = tpu.vector_load %arg6[%get3A_525, %get3A_526] {strides = array<i32>} : memref<125x144xf32, #tpu.memory_space<vmem>>, vector<16xf32>,
        %mul3A_528 = arith.mulf %get3A_527, %get3A_384 : vector<16xf32>
        %gt3A_529 = arith.cmpf ogt, %mul3A_510, %mul3A_504 : vector<16xf32>
        %select_n3A_530 = arith.select %gt3A_529, %mul3A_510, %mul3A_504 : vector<16xi1>, vector<16xf32>
        %select_n3A_531 = arith.select %gt3A_529, %add3A_394, %add3A_389 : vector<16xi1>, vector<16xi32>
        %gt3A_532 = arith.cmpf ogt, %mul3A_522, %mul3A_516 : vector<16xf32>
        %select_n3A_533 = arith.select %gt3A_532, %mul3A_522, %mul3A_516 : vector<16xi1>, vector<16xf32>
        %select_n3A_534 = arith.select %gt3A_532, %add3A_404, %add3A_399 : vector<16xi1>, vector<16xi32>
        %gt3A_535 = arith.cmpf ogt, %select_n3A_533, %select_n3A_530 : vector<16xf32>
        %select_n3A_536 = arith.select %gt3A_535, %select_n3A_533, %select_n3A_530 : vector<16xi1>, vector<16xf32>
        %select_n3A_537 = arith.select %gt3A_535, %select_n3A_534, %select_n3A_531 : vector<16xi1>, vector<16xi32>
        %gt3A_538 = arith.cmpf ogt, %mul3A_528, %select_n3A_536 : vector<16xf32>
        %select_n3A_539 = arith.select %gt3A_538, %mul3A_528, %select_n3A_536 : vector<16xi1>, vector<16xf32>
        %select_n3A_540 = arith.select %gt3A_538, %add3A_409, %select_n3A_537 : vector<16xi1>, vector<16xi32>
        %gt3A_541 = arith.cmpf ogt, %select_n3A_539, %scan3A_342 : vector<16xf32>
        %select_n3A_542 = arith.select %gt3A_541, %select_n3A_539, %scan3A_342 : vector<16xi1>, vector<16xf32>
        %select_n3A_543 = arith.select %gt3A_541, %select_n3A_540, %scan3A_351 : vector<16xi1>, vector<16xi32>
        %add3A_544 = arith.constant 0 : i32
        %add3A_545 = arith.addi %mul3A_359, %add3A_544 : i32
        %get3A_546 = arith.index_cast %add3A_545 : i32 to index
        %get3A_547 = arith.constant 48 : index
        %get3A_548 = tpu.vector_load %arg6[%get3A_546, %get3A_547] {strides = array<i32>} : memref<125x144xf32, #tpu.memory_space<vmem>>, vector<16xf32>,
        %mul3A_549 = arith.mulf %get3A_548, %get3A_364 : vector<16xf32>
        %add3A_550 = arith.constant 1 : i32
        %add3A_551 = arith.addi %mul3A_359, %add3A_550 : i32
        %get3A_552 = arith.index_cast %add3A_551 : i32 to index
        %get3A_553 = arith.constant 48 : index
        %get3A_554 = tpu.vector_load %arg6[%get3A_552, %get3A_553] {strides = array<i32>} : memref<125x144xf32, #tpu.memory_space<vmem>>, vector<16xf32>,
        %mul3A_555 = arith.mulf %get3A_554, %get3A_369 : vector<16xf32>
        %add3A_556 = arith.constant 2 : i32
        %add3A_557 = arith.addi %mul3A_359, %add3A_556 : i32
        %get3A_558 = arith.index_cast %add3A_557 : i32 to index
        %get3A_559 = arith.constant 48 : index
        %get3A_560 = tpu.vector_load %arg6[%get3A_558, %get3A_559] {strides = array<i32>} : memref<125x144xf32, #tpu.memory_space<vmem>>, vector<16xf32>,
        %mul3A_561 = arith.mulf %get3A_560, %get3A_374 : vector<16xf32>
        %add3A_562 = arith.constant 3 : i32
        %add3A_563 = arith.addi %mul3A_359, %add3A_562 : i32
        %get3A_564 = arith.index_cast %add3A_563 : i32 to index
        %get3A_565 = arith.constant 48 : index
        %get3A_566 = tpu.vector_load %arg6[%get3A_564, %get3A_565] {strides = array<i32>} : memref<125x144xf32, #tpu.memory_space<vmem>>, vector<16xf32>,
        %mul3A_567 = arith.mulf %get3A_566, %get3A_379 : vector<16xf32>
        %add3A_568 = arith.constant 4 : i32
        %add3A_569 = arith.addi %mul3A_359, %add3A_568 : i32
        %get3A_570 = arith.index_cast %add3A_569 : i32 to index
        %get3A_571 = arith.constant 48 : index
        %get3A_572 = tpu.vector_load %arg6[%get3A_570, %get3A_571] {strides = array<i32>} : memref<125x144xf32, #tpu.memory_space<vmem>>, vector<16xf32>,
        %mul3A_573 = arith.mulf %get3A_572, %get3A_384 : vector<16xf32>
        %gt3A_574 = arith.cmpf ogt, %mul3A_555, %mul3A_549 : vector<16xf32>
        %select_n3A_575 = arith.select %gt3A_574, %mul3A_555, %mul3A_549 : vector<16xi1>, vector<16xf32>
        %select_n3A_576 = arith.select %gt3A_574, %add3A_394, %add3A_389 : vector<16xi1>, vector<16xi32>
        %gt3A_577 = arith.cmpf ogt, %mul3A_567, %mul3A_561 : vector<16xf32>
        %select_n3A_578 = arith.select %gt3A_577, %mul3A_567, %mul3A_561 : vector<16xi1>, vector<16xf32>
        %select_n3A_579 = arith.select %gt3A_577, %add3A_404, %add3A_399 : vector<16xi1>, vector<16xi32>
        %gt3A_580 = arith.cmpf ogt, %select_n3A_578, %select_n3A_575 : vector<16xf32>
        %select_n3A_581 = arith.select %gt3A_580, %select_n3A_578, %select_n3A_575 : vector<16xi1>, vector<16xf32>
        %select_n3A_582 = arith.select %gt3A_580, %select_n3A_579, %select_n3A_576 : vector<16xi1>, vector<16xi32>
        %gt3A_583 = arith.cmpf ogt, %mul3A_573, %select_n3A_581 : vector<16xf32>
        %select_n3A_584 = arith.select %gt3A_583, %mul3A_573, %select_n3A_581 : vector<16xi1>, vector<16xf32>
        %select_n3A_585 = arith.select %gt3A_583, %add3A_409, %select_n3A_582 : vector<16xi1>, vector<16xi32>
        %gt3A_586 = arith.cmpf ogt, %select_n3A_584, %scan3A_343 : vector<16xf32>
        %select_n3A_587 = arith.select %gt3A_586, %select_n3A_584, %scan3A_343 : vector<16xi1>, vector<16xf32>
        %select_n3A_588 = arith.select %gt3A_586, %select_n3A_585, %scan3A_352 : vector<16xi1>, vector<16xi32>
        %add3A_589 = arith.constant 0 : i32
        %add3A_590 = arith.addi %mul3A_359, %add3A_589 : i32
        %get3A_591 = arith.index_cast %add3A_590 : i32 to index
        %get3A_592 = arith.constant 64 : index
        %get3A_593 = tpu.vector_load %arg6[%get3A_591, %get3A_592] {strides = array<i32>} : memref<125x144xf32, #tpu.memory_space<vmem>>, vector<16xf32>,
        %mul3A_594 = arith.mulf %get3A_593, %get3A_364 : vector<16xf32>
        %add3A_595 = arith.constant 1 : i32
        %add3A_596 = arith.addi %mul3A_359, %add3A_595 : i32
        %get3A_597 = arith.index_cast %add3A_596 : i32 to index
        %get3A_598 = arith.constant 64 : index
        %get3A_599 = tpu.vector_load %arg6[%get3A_597, %get3A_598] {strides = array<i32>} : memref<125x144xf32, #tpu.memory_space<vmem>>, vector<16xf32>,
        %mul3A_600 = arith.mulf %get3A_599, %get3A_369 : vector<16xf32>
        %add3A_601 = arith.constant 2 : i32
        %add3A_602 = arith.addi %mul3A_359, %add3A_601 : i32
        %get3A_603 = arith.index_cast %add3A_602 : i32 to index
        %get3A_604 = arith.constant 64 : index
        %get3A_605 = tpu.vector_load %arg6[%get3A_603, %get3A_604] {strides = array<i32>} : memref<125x144xf32, #tpu.memory_space<vmem>>, vector<16xf32>,
        %mul3A_606 = arith.mulf %get3A_605, %get3A_374 : vector<16xf32>
        %add3A_607 = arith.constant 3 : i32
        %add3A_608 = arith.addi %mul3A_359, %add3A_607 : i32
        %get3A_609 = arith.index_cast %add3A_608 : i32 to index
        %get3A_610 = arith.constant 64 : index
        %get3A_611 = tpu.vector_load %arg6[%get3A_609, %get3A_610] {strides = array<i32>} : memref<125x144xf32, #tpu.memory_space<vmem>>, vector<16xf32>,
        %mul3A_612 = arith.mulf %get3A_611, %get3A_379 : vector<16xf32>
        %add3A_613 = arith.constant 4 : i32
        %add3A_614 = arith.addi %mul3A_359, %add3A_613 : i32
        %get3A_615 = arith.index_cast %add3A_614 : i32 to index
        %get3A_616 = arith.constant 64 : index
        %get3A_617 = tpu.vector_load %arg6[%get3A_615, %get3A_616] {strides = array<i32>} : memref<125x144xf32, #tpu.memory_space<vmem>>, vector<16xf32>,
        %mul3A_618 = arith.mulf %get3A_617, %get3A_384 : vector<16xf32>
        %gt3A_619 = arith.cmpf ogt, %mul3A_600, %mul3A_594 : vector<16xf32>
        %select_n3A_620 = arith.select %gt3A_619, %mul3A_600, %mul3A_594 : vector<16xi1>, vector<16xf32>
        %select_n3A_621 = arith.select %gt3A_619, %add3A_394, %add3A_389 : vector<16xi1>, vector<16xi32>
        %gt3A_622 = arith.cmpf ogt, %mul3A_612, %mul3A_606 : vector<16xf32>
        %select_n3A_623 = arith.select %gt3A_622, %mul3A_612, %mul3A_606 : vector<16xi1>, vector<16xf32>
        %select_n3A_624 = arith.select %gt3A_622, %add3A_404, %add3A_399 : vector<16xi1>, vector<16xi32>
        %gt3A_625 = arith.cmpf ogt, %select_n3A_623, %select_n3A_620 : vector<16xf32>
        %select_n3A_626 = arith.select %gt3A_625, %select_n3A_623, %select_n3A_620 : vector<16xi1>, vector<16xf32>
        %select_n3A_627 = arith.select %gt3A_625, %select_n3A_624, %select_n3A_621 : vector<16xi1>, vector<16xi32>
        %gt3A_628 = arith.cmpf ogt, %mul3A_618, %select_n3A_626 : vector<16xf32>
        %select_n3A_629 = arith.select %gt3A_628, %mul3A_618, %select_n3A_626 : vector<16xi1>, vector<16xf32>
        %select_n3A_630 = arith.select %gt3A_628, %add3A_409, %select_n3A_627 : vector<16xi1>, vector<16xi32>
        %gt3A_631 = arith.cmpf ogt, %select_n3A_629, %scan3A_344 : vector<16xf32>
        %select_n3A_632 = arith.select %gt3A_631, %select_n3A_629, %scan3A_344 : vector<16xi1>, vector<16xf32>
        %select_n3A_633 = arith.select %gt3A_631, %select_n3A_630, %scan3A_353 : vector<16xi1>, vector<16xi32>
        %add3A_634 = arith.constant 0 : i32
        %add3A_635 = arith.addi %mul3A_359, %add3A_634 : i32
        %get3A_636 = arith.index_cast %add3A_635 : i32 to index
        %get3A_637 = arith.constant 80 : index
        %get3A_638 = tpu.vector_load %arg6[%get3A_636, %get3A_637] {strides = array<i32>} : memref<125x144xf32, #tpu.memory_space<vmem>>, vector<16xf32>,
        %mul3A_639 = arith.mulf %get3A_638, %get3A_364 : vector<16xf32>
        %add3A_640 = arith.constant 1 : i32
        %add3A_641 = arith.addi %mul3A_359, %add3A_640 : i32
        %get3A_642 = arith.index_cast %add3A_641 : i32 to index
        %get3A_643 = arith.constant 80 : index
        %get3A_644 = tpu.vector_load %arg6[%get3A_642, %get3A_643] {strides = array<i32>} : memref<125x144xf32, #tpu.memory_space<vmem>>, vector<16xf32>,
        %mul3A_645 = arith.mulf %get3A_644, %get3A_369 : vector<16xf32>
        %add3A_646 = arith.constant 2 : i32
        %add3A_647 = arith.addi %mul3A_359, %add3A_646 : i32
        %get3A_648 = arith.index_cast %add3A_647 : i32 to index
        %get3A_649 = arith.constant 80 : index
        %get3A_650 = tpu.vector_load %arg6[%get3A_648, %get3A_649] {strides = array<i32>} : memref<125x144xf32, #tpu.memory_space<vmem>>, vector<16xf32>,
        %mul3A_651 = arith.mulf %get3A_650, %get3A_374 : vector<16xf32>
        %add3A_652 = arith.constant 3 : i32
        %add3A_653 = arith.addi %mul3A_359, %add3A_652 : i32
        %get3A_654 = arith.index_cast %add3A_653 : i32 to index
        %get3A_655 = arith.constant 80 : index
        %get3A_656 = tpu.vector_load %arg6[%get3A_654, %get3A_655] {strides = array<i32>} : memref<125x144xf32, #tpu.memory_space<vmem>>, vector<16xf32>,
        %mul3A_657 = arith.mulf %get3A_656, %get3A_379 : vector<16xf32>
        %add3A_658 = arith.constant 4 : i32
        %add3A_659 = arith.addi %mul3A_359, %add3A_658 : i32
        %get3A_660 = arith.index_cast %add3A_659 : i32 to index
        %get3A_661 = arith.constant 80 : index
        %get3A_662 = tpu.vector_load %arg6[%get3A_660, %get3A_661] {strides = array<i32>} : memref<125x144xf32, #tpu.memory_space<vmem>>, vector<16xf32>,
        %mul3A_663 = arith.mulf %get3A_662, %get3A_384 : vector<16xf32>
        %gt3A_664 = arith.cmpf ogt, %mul3A_645, %mul3A_639 : vector<16xf32>
        %select_n3A_665 = arith.select %gt3A_664, %mul3A_645, %mul3A_639 : vector<16xi1>, vector<16xf32>
        %select_n3A_666 = arith.select %gt3A_664, %add3A_394, %add3A_389 : vector<16xi1>, vector<16xi32>
        %gt3A_667 = arith.cmpf ogt, %mul3A_657, %mul3A_651 : vector<16xf32>
        %select_n3A_668 = arith.select %gt3A_667, %mul3A_657, %mul3A_651 : vector<16xi1>, vector<16xf32>
        %select_n3A_669 = arith.select %gt3A_667, %add3A_404, %add3A_399 : vector<16xi1>, vector<16xi32>
        %gt3A_670 = arith.cmpf ogt, %select_n3A_668, %select_n3A_665 : vector<16xf32>
        %select_n3A_671 = arith.select %gt3A_670, %select_n3A_668, %select_n3A_665 : vector<16xi1>, vector<16xf32>
        %select_n3A_672 = arith.select %gt3A_670, %select_n3A_669, %select_n3A_666 : vector<16xi1>, vector<16xi32>
        %gt3A_673 = arith.cmpf ogt, %mul3A_663, %select_n3A_671 : vector<16xf32>
        %select_n3A_674 = arith.select %gt3A_673, %mul3A_663, %select_n3A_671 : vector<16xi1>, vector<16xf32>
        %select_n3A_675 = arith.select %gt3A_673, %add3A_409, %select_n3A_672 : vector<16xi1>, vector<16xi32>
        %gt3A_676 = arith.cmpf ogt, %select_n3A_674, %scan3A_345 : vector<16xf32>
        %select_n3A_677 = arith.select %gt3A_676, %select_n3A_674, %scan3A_345 : vector<16xi1>, vector<16xf32>
        %select_n3A_678 = arith.select %gt3A_676, %select_n3A_675, %scan3A_354 : vector<16xi1>, vector<16xi32>
        %add3A_679 = arith.constant 0 : i32
        %add3A_680 = arith.addi %mul3A_359, %add3A_679 : i32
        %get3A_681 = arith.index_cast %add3A_680 : i32 to index
        %get3A_682 = arith.constant 96 : index
        %get3A_683 = tpu.vector_load %arg6[%get3A_681, %get3A_682] {strides = array<i32>} : memref<125x144xf32, #tpu.memory_space<vmem>>, vector<16xf32>,
        %mul3A_684 = arith.mulf %get3A_683, %get3A_364 : vector<16xf32>
        %add3A_685 = arith.constant 1 : i32
        %add3A_686 = arith.addi %mul3A_359, %add3A_685 : i32
        %get3A_687 = arith.index_cast %add3A_686 : i32 to index
        %get3A_688 = arith.constant 96 : index
        %get3A_689 = tpu.vector_load %arg6[%get3A_687, %get3A_688] {strides = array<i32>} : memref<125x144xf32, #tpu.memory_space<vmem>>, vector<16xf32>,
        %mul3A_690 = arith.mulf %get3A_689, %get3A_369 : vector<16xf32>
        %add3A_691 = arith.constant 2 : i32
        %add3A_692 = arith.addi %mul3A_359, %add3A_691 : i32
        %get3A_693 = arith.index_cast %add3A_692 : i32 to index
        %get3A_694 = arith.constant 96 : index
        %get3A_695 = tpu.vector_load %arg6[%get3A_693, %get3A_694] {strides = array<i32>} : memref<125x144xf32, #tpu.memory_space<vmem>>, vector<16xf32>,
        %mul3A_696 = arith.mulf %get3A_695, %get3A_374 : vector<16xf32>
        %add3A_697 = arith.constant 3 : i32
        %add3A_698 = arith.addi %mul3A_359, %add3A_697 : i32
        %get3A_699 = arith.index_cast %add3A_698 : i32 to index
        %get3A_700 = arith.constant 96 : index
        %get3A_701 = tpu.vector_load %arg6[%get3A_699, %get3A_700] {strides = array<i32>} : memref<125x144xf32, #tpu.memory_space<vmem>>, vector<16xf32>,
        %mul3A_702 = arith.mulf %get3A_701, %get3A_379 : vector<16xf32>
        %add3A_703 = arith.constant 4 : i32
        %add3A_704 = arith.addi %mul3A_359, %add3A_703 : i32
        %get3A_705 = arith.index_cast %add3A_704 : i32 to index
        %get3A_706 = arith.constant 96 : index
        %get3A_707 = tpu.vector_load %arg6[%get3A_705, %get3A_706] {strides = array<i32>} : memref<125x144xf32, #tpu.memory_space<vmem>>, vector<16xf32>,
        %mul3A_708 = arith.mulf %get3A_707, %get3A_384 : vector<16xf32>
        %gt3A_709 = arith.cmpf ogt, %mul3A_690, %mul3A_684 : vector<16xf32>
        %select_n3A_710 = arith.select %gt3A_709, %mul3A_690, %mul3A_684 : vector<16xi1>, vector<16xf32>
        %select_n3A_711 = arith.select %gt3A_709, %add3A_394, %add3A_389 : vector<16xi1>, vector<16xi32>
        %gt3A_712 = arith.cmpf ogt, %mul3A_702, %mul3A_696 : vector<16xf32>
        %select_n3A_713 = arith.select %gt3A_712, %mul3A_702, %mul3A_696 : vector<16xi1>, vector<16xf32>
        %select_n3A_714 = arith.select %gt3A_712, %add3A_404, %add3A_399 : vector<16xi1>, vector<16xi32>
        %gt3A_715 = arith.cmpf ogt, %select_n3A_713, %select_n3A_710 : vector<16xf32>
        %select_n3A_716 = arith.select %gt3A_715, %select_n3A_713, %select_n3A_710 : vector<16xi1>, vector<16xf32>
        %select_n3A_717 = arith.select %gt3A_715, %select_n3A_714, %select_n3A_711 : vector<16xi1>, vector<16xi32>
        %gt3A_718 = arith.cmpf ogt, %mul3A_708, %select_n3A_716 : vector<16xf32>
        %select_n3A_719 = arith.select %gt3A_718, %mul3A_708, %select_n3A_716 : vector<16xi1>, vector<16xf32>
        %select_n3A_720 = arith.select %gt3A_718, %add3A_409, %select_n3A_717 : vector<16xi1>, vector<16xi32>
        %gt3A_721 = arith.cmpf ogt, %select_n3A_719, %scan3A_346 : vector<16xf32>
        %select_n3A_722 = arith.select %gt3A_721, %select_n3A_719, %scan3A_346 : vector<16xi1>, vector<16xf32>
        %select_n3A_723 = arith.select %gt3A_721, %select_n3A_720, %scan3A_355 : vector<16xi1>, vector<16xi32>
        %add3A_724 = arith.constant 0 : i32
        %add3A_725 = arith.addi %mul3A_359, %add3A_724 : i32
        %get3A_726 = arith.index_cast %add3A_725 : i32 to index
        %get3A_727 = arith.constant 112 : index
        %get3A_728 = tpu.vector_load %arg6[%get3A_726, %get3A_727] {strides = array<i32>} : memref<125x144xf32, #tpu.memory_space<vmem>>, vector<16xf32>,
        %mul3A_729 = arith.mulf %get3A_728, %get3A_364 : vector<16xf32>
        %add3A_730 = arith.constant 1 : i32
        %add3A_731 = arith.addi %mul3A_359, %add3A_730 : i32
        %get3A_732 = arith.index_cast %add3A_731 : i32 to index
        %get3A_733 = arith.constant 112 : index
        %get3A_734 = tpu.vector_load %arg6[%get3A_732, %get3A_733] {strides = array<i32>} : memref<125x144xf32, #tpu.memory_space<vmem>>, vector<16xf32>,
        %mul3A_735 = arith.mulf %get3A_734, %get3A_369 : vector<16xf32>
        %add3A_736 = arith.constant 2 : i32
        %add3A_737 = arith.addi %mul3A_359, %add3A_736 : i32
        %get3A_738 = arith.index_cast %add3A_737 : i32 to index
        %get3A_739 = arith.constant 112 : index
        %get3A_740 = tpu.vector_load %arg6[%get3A_738, %get3A_739] {strides = array<i32>} : memref<125x144xf32, #tpu.memory_space<vmem>>, vector<16xf32>,
        %mul3A_741 = arith.mulf %get3A_740, %get3A_374 : vector<16xf32>
        %add3A_742 = arith.constant 3 : i32
        %add3A_743 = arith.addi %mul3A_359, %add3A_742 : i32
        %get3A_744 = arith.index_cast %add3A_743 : i32 to index
        %get3A_745 = arith.constant 112 : index
        %get3A_746 = tpu.vector_load %arg6[%get3A_744, %get3A_745] {strides = array<i32>} : memref<125x144xf32, #tpu.memory_space<vmem>>, vector<16xf32>,
        %mul3A_747 = arith.mulf %get3A_746, %get3A_379 : vector<16xf32>
        %add3A_748 = arith.constant 4 : i32
        %add3A_749 = arith.addi %mul3A_359, %add3A_748 : i32
        %get3A_750 = arith.index_cast %add3A_749 : i32 to index
        %get3A_751 = arith.constant 112 : index
        %get3A_752 = tpu.vector_load %arg6[%get3A_750, %get3A_751] {strides = array<i32>} : memref<125x144xf32, #tpu.memory_space<vmem>>, vector<16xf32>,
        %mul3A_753 = arith.mulf %get3A_752, %get3A_384 : vector<16xf32>
        %gt3A_754 = arith.cmpf ogt, %mul3A_735, %mul3A_729 : vector<16xf32>
        %select_n3A_755 = arith.select %gt3A_754, %mul3A_735, %mul3A_729 : vector<16xi1>, vector<16xf32>
        %select_n3A_756 = arith.select %gt3A_754, %add3A_394, %add3A_389 : vector<16xi1>, vector<16xi32>
        %gt3A_757 = arith.cmpf ogt, %mul3A_747, %mul3A_741 : vector<16xf32>
        %select_n3A_758 = arith.select %gt3A_757, %mul3A_747, %mul3A_741 : vector<16xi1>, vector<16xf32>
        %select_n3A_759 = arith.select %gt3A_757, %add3A_404, %add3A_399 : vector<16xi1>, vector<16xi32>
        %gt3A_760 = arith.cmpf ogt, %select_n3A_758, %select_n3A_755 : vector<16xf32>
        %select_n3A_761 = arith.select %gt3A_760, %select_n3A_758, %select_n3A_755 : vector<16xi1>, vector<16xf32>
        %select_n3A_762 = arith.select %gt3A_760, %select_n3A_759, %select_n3A_756 : vector<16xi1>, vector<16xi32>
        %gt3A_763 = arith.cmpf ogt, %mul3A_753, %select_n3A_761 : vector<16xf32>
        %select_n3A_764 = arith.select %gt3A_763, %mul3A_753, %select_n3A_761 : vector<16xi1>, vector<16xf32>
        %select_n3A_765 = arith.select %gt3A_763, %add3A_409, %select_n3A_762 : vector<16xi1>, vector<16xi32>
        %gt3A_766 = arith.cmpf ogt, %select_n3A_764, %scan3A_347 : vector<16xf32>
        %select_n3A_767 = arith.select %gt3A_766, %select_n3A_764, %scan3A_347 : vector<16xi1>, vector<16xf32>
        %select_n3A_768 = arith.select %gt3A_766, %select_n3A_765, %scan3A_356 : vector<16xi1>, vector<16xi32>
        %add3A_769 = arith.constant 0 : i32
        %add3A_770 = arith.addi %mul3A_359, %add3A_769 : i32
        %get3A_771 = arith.index_cast %add3A_770 : i32 to index
        %get3A_772 = arith.constant 128 : index
        %get3A_773 = tpu.vector_load %arg6[%get3A_771, %get3A_772] {strides = array<i32>} : memref<125x144xf32, #tpu.memory_space<vmem>>, vector<16xf32>,
        %mul3A_774 = arith.mulf %get3A_773, %get3A_364 : vector<16xf32>
        %add3A_775 = arith.constant 1 : i32
        %add3A_776 = arith.addi %mul3A_359, %add3A_775 : i32
        %get3A_777 = arith.index_cast %add3A_776 : i32 to index
        %get3A_778 = arith.constant 128 : index
        %get3A_779 = tpu.vector_load %arg6[%get3A_777, %get3A_778] {strides = array<i32>} : memref<125x144xf32, #tpu.memory_space<vmem>>, vector<16xf32>,
        %mul3A_780 = arith.mulf %get3A_779, %get3A_369 : vector<16xf32>
        %add3A_781 = arith.constant 2 : i32
        %add3A_782 = arith.addi %mul3A_359, %add3A_781 : i32
        %get3A_783 = arith.index_cast %add3A_782 : i32 to index
        %get3A_784 = arith.constant 128 : index
        %get3A_785 = tpu.vector_load %arg6[%get3A_783, %get3A_784] {strides = array<i32>} : memref<125x144xf32, #tpu.memory_space<vmem>>, vector<16xf32>,
        %mul3A_786 = arith.mulf %get3A_785, %get3A_374 : vector<16xf32>
        %add3A_787 = arith.constant 3 : i32
        %add3A_788 = arith.addi %mul3A_359, %add3A_787 : i32
        %get3A_789 = arith.index_cast %add3A_788 : i32 to index
        %get3A_790 = arith.constant 128 : index
        %get3A_791 = tpu.vector_load %arg6[%get3A_789, %get3A_790] {strides = array<i32>} : memref<125x144xf32, #tpu.memory_space<vmem>>, vector<16xf32>,
        %mul3A_792 = arith.mulf %get3A_791, %get3A_379 : vector<16xf32>
        %add3A_793 = arith.constant 4 : i32
        %add3A_794 = arith.addi %mul3A_359, %add3A_793 : i32
        %get3A_795 = arith.index_cast %add3A_794 : i32 to index
        %get3A_796 = arith.constant 128 : index
        %get3A_797 = tpu.vector_load %arg6[%get3A_795, %get3A_796] {strides = array<i32>} : memref<125x144xf32, #tpu.memory_space<vmem>>, vector<16xf32>,
        %mul3A_798 = arith.mulf %get3A_797, %get3A_384 : vector<16xf32>
        %gt3A_799 = arith.cmpf ogt, %mul3A_780, %mul3A_774 : vector<16xf32>
        %select_n3A_800 = arith.select %gt3A_799, %mul3A_780, %mul3A_774 : vector<16xi1>, vector<16xf32>
        %select_n3A_801 = arith.select %gt3A_799, %add3A_394, %add3A_389 : vector<16xi1>, vector<16xi32>
        %gt3A_802 = arith.cmpf ogt, %mul3A_792, %mul3A_786 : vector<16xf32>
        %select_n3A_803 = arith.select %gt3A_802, %mul3A_792, %mul3A_786 : vector<16xi1>, vector<16xf32>
        %select_n3A_804 = arith.select %gt3A_802, %add3A_404, %add3A_399 : vector<16xi1>, vector<16xi32>
        %gt3A_805 = arith.cmpf ogt, %select_n3A_803, %select_n3A_800 : vector<16xf32>
        %select_n3A_806 = arith.select %gt3A_805, %select_n3A_803, %select_n3A_800 : vector<16xi1>, vector<16xf32>
        %select_n3A_807 = arith.select %gt3A_805, %select_n3A_804, %select_n3A_801 : vector<16xi1>, vector<16xi32>
        %gt3A_808 = arith.cmpf ogt, %mul3A_798, %select_n3A_806 : vector<16xf32>
        %select_n3A_809 = arith.select %gt3A_808, %mul3A_798, %select_n3A_806 : vector<16xi1>, vector<16xf32>
        %select_n3A_810 = arith.select %gt3A_808, %add3A_409, %select_n3A_807 : vector<16xi1>, vector<16xi32>
        %gt3A_811 = arith.cmpf ogt, %select_n3A_809, %scan3A_348 : vector<16xf32>
        %select_n3A_812 = arith.select %gt3A_811, %select_n3A_809, %scan3A_348 : vector<16xi1>, vector<16xf32>
        %select_n3A_813 = arith.select %gt3A_811, %select_n3A_810, %scan3A_357 : vector<16xi1>, vector<16xi32>
        scf.yield %select_n3A_452, %select_n3A_497, %select_n3A_542, %select_n3A_587, %select_n3A_632, %select_n3A_677, %select_n3A_722, %select_n3A_767, %select_n3A_812, %select_n3A_453, %select_n3A_498, %select_n3A_543, %select_n3A_588, %select_n3A_633, %select_n3A_678, %select_n3A_723, %select_n3A_768, %select_n3A_813 : vector<16xf32>, vector<16xf32>, vector<16xf32>, vector<16xf32>, vector<16xf32>, vector<16xf32>, vector<16xf32>, vector<16xf32>, vector<16xf32>, vector<16xi32>, vector<16xi32>, vector<16xi32>, vector<16xi32>, vector<16xi32>, vector<16xi32>, vector<16xi32>, vector<16xi32>, vector<16xi32>
      }
      %scan3A_193 = arith.constant 25 : i32
      %swap3A_194 = arith.constant 0 : index
      %swap3A_195 = tpu.vector_load %arg10[%swap3A_194] {strides = array<i32>} : memref<144xf32, #tpu.memory_space<vmem>>, vector<16xf32>,
      tpu.vector_store %arg10[%swap3A_194], %scan3A_192#0 {strides = array<i32>} : memref<144xf32, #tpu.memory_space<vmem>>, vector<16xf32>,
      %swap3A_196 = arith.constant 0 : index
      %swap3A_197 = tpu.vector_load %arg11[%swap3A_196] {strides = array<i32>} : memref<144xi32, #tpu.memory_space<vmem>>, vector<16xi32>,
      tpu.vector_store %arg11[%swap3A_196], %scan3A_192#9 {strides = array<i32>} : memref<144xi32, #tpu.memory_space<vmem>>, vector<16xi32>,
      %swap3A_198 = arith.constant 16 : index
      %swap3A_199 = tpu.vector_load %arg10[%swap3A_198] {strides = array<i32>} : memref<144xf32, #tpu.memory_space<vmem>>, vector<16xf32>,
      tpu.vector_store %arg10[%swap3A_198], %scan3A_192#1 {strides = array<i32>} : memref<144xf32, #tpu.memory_space<vmem>>, vector<16xf32>,
      %swap3A_200 = arith.constant 16 : index
      %swap3A_201 = tpu.vector_load %arg11[%swap3A_200] {strides = array<i32>} : memref<144xi32, #tpu.memory_space<vmem>>, vector<16xi32>,
      tpu.vector_store %arg11[%swap3A_200], %scan3A_192#10 {strides = array<i32>} : memref<144xi32, #tpu.memory_space<vmem>>, vector<16xi32>,
      %swap3A_202 = arith.constant 32 : index
      %swap3A_203 = tpu.vector_load %arg10[%swap3A_202] {strides = array<i32>} : memref<144xf32, #tpu.memory_space<vmem>>, vector<16xf32>,
      tpu.vector_store %arg10[%swap3A_202], %scan3A_192#2 {strides = array<i32>} : memref<144xf32, #tpu.memory_space<vmem>>, vector<16xf32>,
      %swap3A_204 = arith.constant 32 : index
      %swap3A_205 = tpu.vector_load %arg11[%swap3A_204] {strides = array<i32>} : memref<144xi32, #tpu.memory_space<vmem>>, vector<16xi32>,
      tpu.vector_store %arg11[%swap3A_204], %scan3A_192#11 {strides = array<i32>} : memref<144xi32, #tpu.memory_space<vmem>>, vector<16xi32>,
      %swap3A_206 = arith.constant 48 : index
      %swap3A_207 = tpu.vector_load %arg10[%swap3A_206] {strides = array<i32>} : memref<144xf32, #tpu.memory_space<vmem>>, vector<16xf32>,
      tpu.vector_store %arg10[%swap3A_206], %scan3A_192#3 {strides = array<i32>} : memref<144xf32, #tpu.memory_space<vmem>>, vector<16xf32>,
      %swap3A_208 = arith.constant 48 : index
      %swap3A_209 = tpu.vector_load %arg11[%swap3A_208] {strides = array<i32>} : memref<144xi32, #tpu.memory_space<vmem>>, vector<16xi32>,
      tpu.vector_store %arg11[%swap3A_208], %scan3A_192#12 {strides = array<i32>} : memref<144xi32, #tpu.memory_space<vmem>>, vector<16xi32>,
      %swap3A_210 = arith.constant 64 : index
      %swap3A_211 = tpu.vector_load %arg10[%swap3A_210] {strides = array<i32>} : memref<144xf32, #tpu.memory_space<vmem>>, vector<16xf32>,
      tpu.vector_store %arg10[%swap3A_210], %scan3A_192#4 {strides = array<i32>} : memref<144xf32, #tpu.memory_space<vmem>>, vector<16xf32>,
      %swap3A_212 = arith.constant 64 : index
      %swap3A_213 = tpu.vector_load %arg11[%swap3A_212] {strides = array<i32>} : memref<144xi32, #tpu.memory_space<vmem>>, vector<16xi32>,
      tpu.vector_store %arg11[%swap3A_212], %scan3A_192#13 {strides = array<i32>} : memref<144xi32, #tpu.memory_space<vmem>>, vector<16xi32>,
      %swap3A_214 = arith.constant 80 : index
      %swap3A_215 = tpu.vector_load %arg10[%swap3A_214] {strides = array<i32>} : memref<144xf32, #tpu.memory_space<vmem>>, vector<16xf32>,
      tpu.vector_store %arg10[%swap3A_214], %scan3A_192#5 {strides = array<i32>} : memref<144xf32, #tpu.memory_space<vmem>>, vector<16xf32>,
      %swap3A_216 = arith.constant 80 : index
      %swap3A_217 = tpu.vector_load %arg11[%swap3A_216] {strides = array<i32>} : memref<144xi32, #tpu.memory_space<vmem>>, vector<16xi32>,
      tpu.vector_store %arg11[%swap3A_216], %scan3A_192#14 {strides = array<i32>} : memref<144xi32, #tpu.memory_space<vmem>>, vector<16xi32>,
      %swap3A_218 = arith.constant 96 : index
      %swap3A_219 = tpu.vector_load %arg10[%swap3A_218] {strides = array<i32>} : memref<144xf32, #tpu.memory_space<vmem>>, vector<16xf32>,
      tpu.vector_store %arg10[%swap3A_218], %scan3A_192#6 {strides = array<i32>} : memref<144xf32, #tpu.memory_space<vmem>>, vector<16xf32>,
      %swap3A_220 = arith.constant 96 : index
      %swap3A_221 = tpu.vector_load %arg11[%swap3A_220] {strides = array<i32>} : memref<144xi32, #tpu.memory_space<vmem>>, vector<16xi32>,
      tpu.vector_store %arg11[%swap3A_220], %scan3A_192#15 {strides = array<i32>} : memref<144xi32, #tpu.memory_space<vmem>>, vector<16xi32>,
      %swap3A_222 = arith.constant 112 : index
      %swap3A_223 = tpu.vector_load %arg10[%swap3A_222] {strides = array<i32>} : memref<144xf32, #tpu.memory_space<vmem>>, vector<16xf32>,
      tpu.vector_store %arg10[%swap3A_222], %scan3A_192#7 {strides = array<i32>} : memref<144xf32, #tpu.memory_space<vmem>>, vector<16xf32>,
      %swap3A_224 = arith.constant 112 : index
      %swap3A_225 = tpu.vector_load %arg11[%swap3A_224] {strides = array<i32>} : memref<144xi32, #tpu.memory_space<vmem>>, vector<16xi32>,
      tpu.vector_store %arg11[%swap3A_224], %scan3A_192#16 {strides = array<i32>} : memref<144xi32, #tpu.memory_space<vmem>>, vector<16xi32>,
      %swap3A_226 = arith.constant 128 : index
      %swap3A_227 = tpu.vector_load %arg10[%swap3A_226] {strides = array<i32>} : memref<144xf32, #tpu.memory_space<vmem>>, vector<16xf32>,
      tpu.vector_store %arg10[%swap3A_226], %scan3A_192#8 {strides = array<i32>} : memref<144xf32, #tpu.memory_space<vmem>>, vector<16xf32>,
      %swap3A_228 = arith.constant 128 : index
      %swap3A_229 = tpu.vector_load %arg11[%swap3A_228] {strides = array<i32>} : memref<144xi32, #tpu.memory_space<vmem>>, vector<16xi32>,
      tpu.vector_store %arg11[%swap3A_228], %scan3A_192#17 {strides = array<i32>} : memref<144xi32, #tpu.memory_space<vmem>>, vector<16xi32>,
      %add3A_230 = arith.constant 2 : i32
      %add3A_231 = arith.addi %add3A_138, %add3A_230 : i32
      %lt3A_232 = arith.constant 10 : i32
      %lt3A_233 = arith.cmpi slt, %add3A_231, %lt3A_232 : i32
      %convert_element_type3A = arith.extui %lt3A_233 : i1 to i32
      %cond3A = arith.constant 0 : i32
      %cond3A_234 = arith.cmpi ne, %convert_element_type3A, %cond3A : i32
      scf.if %cond3A_234 {
        %add3A_339 = arith.constant 2 : i32
        %add3A_340 = arith.addi %add3A_138, %add3A_339 : i32
        %mul3A_341 = arith.constant 125 : i32
        %mul3A_342 = arith.muli %add3A_340, %mul3A_341 : i32
        %add3A_343 = arith.addi %mul3A_32, %mul3A_342 : i32
        %dma_start3A_344 = tpu.memref_slice %arg3[%add3A_343, %multiple_of3A_39] : memref<10000x10000xf32, #tpu.memory_space<hbm>> -> memref<125x144xf32, #tpu.memory_space<hbm>>
        %dma_start3A_345 = tpu.memref_slice %arg3[%add3A_343, %multiple_of3A_39] : memref<10000x10000xf32, #tpu.memory_space<hbm>> -> memref<125x144xf32, #tpu.memory_space<hbm>>
        tpu.enqueue_dma source(%dma_start3A_345 : memref<125x144xf32, #tpu.memory_space<hbm>>) target(%arg6 : memref<125x144xf32, #tpu.memory_space<vmem>>) target_semaphore(%arg12 : memref<!tpu.dma_semaphore, #tpu.memory_space<semaphore_mem>>)
        %mul3A_346 = arith.constant 125 : i32
        %mul3A_347 = arith.muli %add3A_340, %mul3A_346 : i32
        %add3A_348 = arith.addi %mul3A_32, %mul3A_347 : i32
        %dma_start3A_349 = arith.constant 0 : i32
        %dma_start3A_350 = tpu.memref_slice %arg2[%add3A_348, %dma_start3A_349] : memref<10000x16xf32, #tpu.memory_space<hbm>> -> memref<125x16xf32, #tpu.memory_space<hbm>>
        %dma_start3A_351 = arith.constant 0 : i32
        %dma_start3A_352 = tpu.memref_slice %arg2[%add3A_348, %dma_start3A_351] : memref<10000x16xf32, #tpu.memory_space<hbm>> -> memref<125x16xf32, #tpu.memory_space<hbm>>
        tpu.enqueue_dma source(%dma_start3A_352 : memref<125x16xf32, #tpu.memory_space<hbm>>) target(%arg8 : memref<125x16xf32, #tpu.memory_space<vmem>>) target_semaphore(%arg14 : memref<!tpu.dma_semaphore, #tpu.memory_space<semaphore_mem>>)
      } else {
      }
      %mul3A_235 = arith.constant 2 : i32
      %mul3A_236 = arith.muli %mul3A_235, %scan3A_134 : i32
      %add3A_237 = arith.constant 1 : i32
      %add3A_238 = arith.addi %mul3A_236, %add3A_237 : i32
      %mul3A_239 = arith.constant 125 : i32
      %mul3A_240 = arith.muli %add3A_238, %mul3A_239 : i32
      %add3A_241 = arith.addi %mul3A_32, %mul3A_240 : i32
      %dma_wait3A_242 = tpu.memref_slice %arg3[%add3A_241, %multiple_of3A_39] : memref<10000x10000xf32, #tpu.memory_space<hbm>> -> memref<125x144xf32, #tpu.memory_space<hbm>>
      %dma_wait3A_243 = tpu.memref_slice %arg3[%add3A_241, %multiple_of3A_39] : memref<10000x10000xf32, #tpu.memory_space<hbm>> -> memref<125x144xf32, #tpu.memory_space<hbm>>
      tpu.wait_dma2 semaphore(%arg13 : memref<!tpu.dma_semaphore, #tpu.memory_space<semaphore_mem>>) src(%dma_wait3A_243 : memref<125x144xf32, #tpu.memory_space<hbm>>) dst(%arg7 : memref<125x144xf32, #tpu.memory_space<vmem>>)
      %mul3A_244 = arith.constant 125 : i32
      %mul3A_245 = arith.muli %add3A_238, %mul3A_244 : i32
      %add3A_246 = arith.addi %mul3A_32, %mul3A_245 : i32
      %dma_wait3A_247 = arith.constant 0 : i32
      %dma_wait3A_248 = tpu.memref_slice %arg2[%add3A_246, %dma_wait3A_247] : memref<10000x16xf32, #tpu.memory_space<hbm>> -> memref<125x16xf32, #tpu.memory_space<hbm>>
      %dma_wait3A_249 = arith.constant 0 : i32
      %dma_wait3A_250 = tpu.memref_slice %arg2[%add3A_246, %dma_wait3A_249] : memref<10000x16xf32, #tpu.memory_space<hbm>> -> memref<125x16xf32, #tpu.memory_space<hbm>>
      tpu.wait_dma2 semaphore(%arg15 : memref<!tpu.dma_semaphore, #tpu.memory_space<semaphore_mem>>) src(%dma_wait3A_250 : memref<125x16xf32, #tpu.memory_space<hbm>>) dst(%arg9 : memref<125x16xf32, #tpu.memory_space<vmem>>)
      %mul3A_251 = arith.constant 125 : i32
      %mul3A_252 = arith.muli %add3A_238, %mul3A_251 : i32
      %add3A_253 = arith.addi %mul3A_32, %mul3A_252 : i32
      %get3A_254 = arith.constant 0 : index
      %get3A_255 = tpu.vector_load %arg10[%get3A_254] {strides = array<i32>} : memref<144xf32, #tpu.memory_space<vmem>>, vector<16xf32>,
      %get3A_256 = arith.constant 16 : index
      %get3A_257 = tpu.vector_load %arg10[%get3A_256] {strides = array<i32>} : memref<144xf32, #tpu.memory_space<vmem>>, vector<16xf32>,
      %get3A_258 = arith.constant 32 : index
      %get3A_259 = tpu.vector_load %arg10[%get3A_258] {strides = array<i32>} : memref<144xf32, #tpu.memory_space<vmem>>, vector<16xf32>,
      %get3A_260 = arith.constant 48 : index
      %get3A_261 = tpu.vector_load %arg10[%get3A_260] {strides = array<i32>} : memref<144xf32, #tpu.memory_space<vmem>>, vector<16xf32>,
      %get3A_262 = arith.constant 64 : index
      %get3A_263 = tpu.vector_load %arg10[%get3A_262] {strides = array<i32>} : memref<144xf32, #tpu.memory_space<vmem>>, vector<16xf32>,
      %get3A_264 = arith.constant 80 : index
      %get3A_265 = tpu.vector_load %arg10[%get3A_264] {strides = array<i32>} : memref<144xf32, #tpu.memory_space<vmem>>, vector<16xf32>,
      %get3A_266 = arith.constant 96 : index
      %get3A_267 = tpu.vector_load %arg10[%get3A_266] {strides = array<i32>} : memref<144xf32, #tpu.memory_space<vmem>>, vector<16xf32>,
      %get3A_268 = arith.constant 112 : index
      %get3A_269 = tpu.vector_load %arg10[%get3A_268] {strides = array<i32>} : memref<144xf32, #tpu.memory_space<vmem>>, vector<16xf32>,
      %get3A_270 = arith.constant 128 : index
      %get3A_271 = tpu.vector_load %arg10[%get3A_270] {strides = array<i32>} : memref<144xf32, #tpu.memory_space<vmem>>, vector<16xf32>,
      %get3A_272 = arith.constant 0 : index
      %get3A_273 = tpu.vector_load %arg11[%get3A_272] {strides = array<i32>} : memref<144xi32, #tpu.memory_space<vmem>>, vector<16xi32>,
      %get3A_274 = arith.constant 16 : index
      %get3A_275 = tpu.vector_load %arg11[%get3A_274] {strides = array<i32>} : memref<144xi32, #tpu.memory_space<vmem>>, vector<16xi32>,
      %get3A_276 = arith.constant 32 : index
      %get3A_277 = tpu.vector_load %arg11[%get3A_276] {strides = array<i32>} : memref<144xi32, #tpu.memory_space<vmem>>, vector<16xi32>,
      %get3A_278 = arith.constant 48 : index
      %get3A_279 = tpu.vector_load %arg11[%get3A_278] {strides = array<i32>} : memref<144xi32, #tpu.memory_space<vmem>>, vector<16xi32>,
      %get3A_280 = arith.constant 64 : index
      %get3A_281 = tpu.vector_load %arg11[%get3A_280] {strides = array<i32>} : memref<144xi32, #tpu.memory_space<vmem>>, vector<16xi32>,
      %get3A_282 = arith.constant 80 : index
      %get3A_283 = tpu.vector_load %arg11[%get3A_282] {strides = array<i32>} : memref<144xi32, #tpu.memory_space<vmem>>, vector<16xi32>,
      %get3A_284 = arith.constant 96 : index
      %get3A_285 = tpu.vector_load %arg11[%get3A_284] {strides = array<i32>} : memref<144xi32, #tpu.memory_space<vmem>>, vector<16xi32>,
      %get3A_286 = arith.constant 112 : index
      %get3A_287 = tpu.vector_load %arg11[%get3A_286] {strides = array<i32>} : memref<144xi32, #tpu.memory_space<vmem>>, vector<16xi32>,
      %get3A_288 = arith.constant 128 : index
      %get3A_289 = tpu.vector_load %arg11[%get3A_288] {strides = array<i32>} : memref<144xi32, #tpu.memory_space<vmem>>, vector<16xi32>,
      %scan3A_290 = arith.constant 0 : i32
      %scan3A_291 = arith.constant 25 : i32
      %scan3A_292 = arith.addi %scan3A_290, %scan3A_291 : i32
      %scan3A_293 = arith.constant 1 : i32
      %scan3A_294:18 = scf.for %scan3A_339 = %scan3A_290 to %scan3A_292 step %scan3A_293 iter_args(%scan3A_340 = %get3A_255, %scan3A_341 = %get3A_257, %scan3A_342 = %get3A_259, %scan3A_343 = %get3A_261, %scan3A_344 = %get3A_263, %scan3A_345 = %get3A_265, %scan3A_346 = %get3A_267, %scan3A_347 = %get3A_269, %scan3A_348 = %get3A_271, %scan3A_349 = %get3A_273, %scan3A_350 = %get3A_275, %scan3A_351 = %get3A_277, %scan3A_352 = %get3A_279, %scan3A_353 = %get3A_281, %scan3A_354 = %get3A_283, %scan3A_355 = %get3A_285, %scan3A_356 = %get3A_287, %scan3A_357 = %get3A_289) -> (vector<16xf32>, vector<16xf32>, vector<16xf32>, vector<16xf32>, vector<16xf32>, vector<16xf32>, vector<16xf32>, vector<16xf32>, vector<16xf32>, vector<16xi32>, vector<16xi32>, vector<16xi32>, vector<16xi32>, vector<16xi32>, vector<16xi32>, vector<16xi32>, vector<16xi32>, vector<16xi32>)  : i32 {
        %mul3A_358 = arith.constant 5 : i32
        %mul3A_359 = arith.muli %scan3A_339, %mul3A_358 : i32
        %add3A_360 = arith.constant 0 : i32
        %add3A_361 = arith.addi %mul3A_359, %add3A_360 : i32
        %get3A_362 = arith.index_cast %add3A_361 : i32 to index
        %get3A_363 = arith.constant 0 : index
        %get3A_364 = tpu.vector_load %arg9[%get3A_362, %get3A_363] {strides = array<i32>} : memref<125x16xf32, #tpu.memory_space<vmem>>, vector<16xf32>,
        %add3A_365 = arith.constant 1 : i32
        %add3A_366 = arith.addi %mul3A_359, %add3A_365 : i32
        %get3A_367 = arith.index_cast %add3A_366 : i32 to index
        %get3A_368 = arith.constant 0 : index
        %get3A_369 = tpu.vector_load %arg9[%get3A_367, %get3A_368] {strides = array<i32>} : memref<125x16xf32, #tpu.memory_space<vmem>>, vector<16xf32>,
        %add3A_370 = arith.constant 2 : i32
        %add3A_371 = arith.addi %mul3A_359, %add3A_370 : i32
        %get3A_372 = arith.index_cast %add3A_371 : i32 to index
        %get3A_373 = arith.constant 0 : index
        %get3A_374 = tpu.vector_load %arg9[%get3A_372, %get3A_373] {strides = array<i32>} : memref<125x16xf32, #tpu.memory_space<vmem>>, vector<16xf32>,
        %add3A_375 = arith.constant 3 : i32
        %add3A_376 = arith.addi %mul3A_359, %add3A_375 : i32
        %get3A_377 = arith.index_cast %add3A_376 : i32 to index
        %get3A_378 = arith.constant 0 : index
        %get3A_379 = tpu.vector_load %arg9[%get3A_377, %get3A_378] {strides = array<i32>} : memref<125x16xf32, #tpu.memory_space<vmem>>, vector<16xf32>,
        %add3A_380 = arith.constant 4 : i32
        %add3A_381 = arith.addi %mul3A_359, %add3A_380 : i32
        %get3A_382 = arith.index_cast %add3A_381 : i32 to index
        %get3A_383 = arith.constant 0 : index
        %get3A_384 = tpu.vector_load %arg9[%get3A_382, %get3A_383] {strides = array<i32>} : memref<125x16xf32, #tpu.memory_space<vmem>>, vector<16xf32>,
        %add3A_385 = arith.constant 0 : i32
        %add3A_386 = arith.addi %add3A_253, %add3A_385 : i32
        %broadcast_in_dim3A_387 = vector.broadcast %add3A_386 : i32 to vector<16xi32>
        %add3A_388 = vector.broadcast %mul3A_359 : i32 to vector<16xi32>
        %add3A_389 = arith.addi %broadcast_in_dim3A_387, %add3A_388 : vector<16xi32>
        %add3A_390 = arith.constant 1 : i32
        %add3A_391 = arith.addi %add3A_253, %add3A_390 : i32
        %broadcast_in_dim3A_392 = vector.broadcast %add3A_391 : i32 to vector<16xi32>
        %add3A_393 = vector.broadcast %mul3A_359 : i32 to vector<16xi32>
        %add3A_394 = arith.addi %broadcast_in_dim3A_392, %add3A_393 : vector<16xi32>
        %add3A_395 = arith.constant 2 : i32
        %add3A_396 = arith.addi %add3A_253, %add3A_395 : i32
        %broadcast_in_dim3A_397 = vector.broadcast %add3A_396 : i32 to vector<16xi32>
        %add3A_398 = vector.broadcast %mul3A_359 : i32 to vector<16xi32>
        %add3A_399 = arith.addi %broadcast_in_dim3A_397, %add3A_398 : vector<16xi32>
        %add3A_400 = arith.constant 3 : i32
        %add3A_401 = arith.addi %add3A_253, %add3A_400 : i32
        %broadcast_in_dim3A_402 = vector.broadcast %add3A_401 : i32 to vector<16xi32>
        %add3A_403 = vector.broadcast %mul3A_359 : i32 to vector<16xi32>
        %add3A_404 = arith.addi %broadcast_in_dim3A_402, %add3A_403 : vector<16xi32>
        %add3A_405 = arith.constant 4 : i32
        %add3A_406 = arith.addi %add3A_253, %add3A_405 : i32
        %broadcast_in_dim3A_407 = vector.broadcast %add3A_406 : i32 to vector<16xi32>
        %add3A_408 = vector.broadcast %mul3A_359 : i32 to vector<16xi32>
        %add3A_409 = arith.addi %broadcast_in_dim3A_407, %add3A_408 : vector<16xi32>
        %add3A_410 = arith.constant 0 : i32
        %add3A_411 = arith.addi %mul3A_359, %add3A_410 : i32
        %get3A_412 = arith.index_cast %add3A_411 : i32 to index
        %get3A_413 = arith.constant 0 : index
        %get3A_414 = tpu.vector_load %arg7[%get3A_412, %get3A_413] {strides = array<i32>} : memref<125x144xf32, #tpu.memory_space<vmem>>, vector<16xf32>,
        %mul3A_415 = arith.mulf %get3A_414, %get3A_364 : vector<16xf32>
        %add3A_416 = arith.constant 1 : i32
        %add3A_417 = arith.addi %mul3A_359, %add3A_416 : i32
        %get3A_418 = arith.index_cast %add3A_417 : i32 to index
        %get3A_419 = arith.constant 0 : index
        %get3A_420 = tpu.vector_load %arg7[%get3A_418, %get3A_419] {strides = array<i32>} : memref<125x144xf32, #tpu.memory_space<vmem>>, vector<16xf32>,
        %mul3A_421 = arith.mulf %get3A_420, %get3A_369 : vector<16xf32>
        %add3A_422 = arith.constant 2 : i32
        %add3A_423 = arith.addi %mul3A_359, %add3A_422 : i32
        %get3A_424 = arith.index_cast %add3A_423 : i32 to index
        %get3A_425 = arith.constant 0 : index
        %get3A_426 = tpu.vector_load %arg7[%get3A_424, %get3A_425] {strides = array<i32>} : memref<125x144xf32, #tpu.memory_space<vmem>>, vector<16xf32>,
        %mul3A_427 = arith.mulf %get3A_426, %get3A_374 : vector<16xf32>
        %add3A_428 = arith.constant 3 : i32
        %add3A_429 = arith.addi %mul3A_359, %add3A_428 : i32
        %get3A_430 = arith.index_cast %add3A_429 : i32 to index
        %get3A_431 = arith.constant 0 : index
        %get3A_432 = tpu.vector_load %arg7[%get3A_430, %get3A_431] {strides = array<i32>} : memref<125x144xf32, #tpu.memory_space<vmem>>, vector<16xf32>,
        %mul3A_433 = arith.mulf %get3A_432, %get3A_379 : vector<16xf32>
        %add3A_434 = arith.constant 4 : i32
        %add3A_435 = arith.addi %mul3A_359, %add3A_434 : i32
        %get3A_436 = arith.index_cast %add3A_435 : i32 to index
        %get3A_437 = arith.constant 0 : index
        %get3A_438 = tpu.vector_load %arg7[%get3A_436, %get3A_437] {strides = array<i32>} : memref<125x144xf32, #tpu.memory_space<vmem>>, vector<16xf32>,
        %mul3A_439 = arith.mulf %get3A_438, %get3A_384 : vector<16xf32>
        %gt3A = arith.cmpf ogt, %mul3A_421, %mul3A_415 : vector<16xf32>
        %select_n3A_440 = arith.select %gt3A, %mul3A_421, %mul3A_415 : vector<16xi1>, vector<16xf32>
        %select_n3A_441 = arith.select %gt3A, %add3A_394, %add3A_389 : vector<16xi1>, vector<16xi32>
        %gt3A_442 = arith.cmpf ogt, %mul3A_433, %mul3A_427 : vector<16xf32>
        %select_n3A_443 = arith.select %gt3A_442, %mul3A_433, %mul3A_427 : vector<16xi1>, vector<16xf32>
        %select_n3A_444 = arith.select %gt3A_442, %add3A_404, %add3A_399 : vector<16xi1>, vector<16xi32>
        %gt3A_445 = arith.cmpf ogt, %select_n3A_443, %select_n3A_440 : vector<16xf32>
        %select_n3A_446 = arith.select %gt3A_445, %select_n3A_443, %select_n3A_440 : vector<16xi1>, vector<16xf32>
        %select_n3A_447 = arith.select %gt3A_445, %select_n3A_444, %select_n3A_441 : vector<16xi1>, vector<16xi32>
        %gt3A_448 = arith.cmpf ogt, %mul3A_439, %select_n3A_446 : vector<16xf32>
        %select_n3A_449 = arith.select %gt3A_448, %mul3A_439, %select_n3A_446 : vector<16xi1>, vector<16xf32>
        %select_n3A_450 = arith.select %gt3A_448, %add3A_409, %select_n3A_447 : vector<16xi1>, vector<16xi32>
        %gt3A_451 = arith.cmpf ogt, %select_n3A_449, %scan3A_340 : vector<16xf32>
        %select_n3A_452 = arith.select %gt3A_451, %select_n3A_449, %scan3A_340 : vector<16xi1>, vector<16xf32>
        %select_n3A_453 = arith.select %gt3A_451, %select_n3A_450, %scan3A_349 : vector<16xi1>, vector<16xi32>
        %add3A_454 = arith.constant 0 : i32
        %add3A_455 = arith.addi %mul3A_359, %add3A_454 : i32
        %get3A_456 = arith.index_cast %add3A_455 : i32 to index
        %get3A_457 = arith.constant 16 : index
        %get3A_458 = tpu.vector_load %arg7[%get3A_456, %get3A_457] {strides = array<i32>} : memref<125x144xf32, #tpu.memory_space<vmem>>, vector<16xf32>,
        %mul3A_459 = arith.mulf %get3A_458, %get3A_364 : vector<16xf32>
        %add3A_460 = arith.constant 1 : i32
        %add3A_461 = arith.addi %mul3A_359, %add3A_460 : i32
        %get3A_462 = arith.index_cast %add3A_461 : i32 to index
        %get3A_463 = arith.constant 16 : index
        %get3A_464 = tpu.vector_load %arg7[%get3A_462, %get3A_463] {strides = array<i32>} : memref<125x144xf32, #tpu.memory_space<vmem>>, vector<16xf32>,
        %mul3A_465 = arith.mulf %get3A_464, %get3A_369 : vector<16xf32>
        %add3A_466 = arith.constant 2 : i32
        %add3A_467 = arith.addi %mul3A_359, %add3A_466 : i32
        %get3A_468 = arith.index_cast %add3A_467 : i32 to index
        %get3A_469 = arith.constant 16 : index
        %get3A_470 = tpu.vector_load %arg7[%get3A_468, %get3A_469] {strides = array<i32>} : memref<125x144xf32, #tpu.memory_space<vmem>>, vector<16xf32>,
        %mul3A_471 = arith.mulf %get3A_470, %get3A_374 : vector<16xf32>
        %add3A_472 = arith.constant 3 : i32
        %add3A_473 = arith.addi %mul3A_359, %add3A_472 : i32
        %get3A_474 = arith.index_cast %add3A_473 : i32 to index
        %get3A_475 = arith.constant 16 : index
        %get3A_476 = tpu.vector_load %arg7[%get3A_474, %get3A_475] {strides = array<i32>} : memref<125x144xf32, #tpu.memory_space<vmem>>, vector<16xf32>,
        %mul3A_477 = arith.mulf %get3A_476, %get3A_379 : vector<16xf32>
        %add3A_478 = arith.constant 4 : i32
        %add3A_479 = arith.addi %mul3A_359, %add3A_478 : i32
        %get3A_480 = arith.index_cast %add3A_479 : i32 to index
        %get3A_481 = arith.constant 16 : index
        %get3A_482 = tpu.vector_load %arg7[%get3A_480, %get3A_481] {strides = array<i32>} : memref<125x144xf32, #tpu.memory_space<vmem>>, vector<16xf32>,
        %mul3A_483 = arith.mulf %get3A_482, %get3A_384 : vector<16xf32>
        %gt3A_484 = arith.cmpf ogt, %mul3A_465, %mul3A_459 : vector<16xf32>
        %select_n3A_485 = arith.select %gt3A_484, %mul3A_465, %mul3A_459 : vector<16xi1>, vector<16xf32>
        %select_n3A_486 = arith.select %gt3A_484, %add3A_394, %add3A_389 : vector<16xi1>, vector<16xi32>
        %gt3A_487 = arith.cmpf ogt, %mul3A_477, %mul3A_471 : vector<16xf32>
        %select_n3A_488 = arith.select %gt3A_487, %mul3A_477, %mul3A_471 : vector<16xi1>, vector<16xf32>
        %select_n3A_489 = arith.select %gt3A_487, %add3A_404, %add3A_399 : vector<16xi1>, vector<16xi32>
        %gt3A_490 = arith.cmpf ogt, %select_n3A_488, %select_n3A_485 : vector<16xf32>
        %select_n3A_491 = arith.select %gt3A_490, %select_n3A_488, %select_n3A_485 : vector<16xi1>, vector<16xf32>
        %select_n3A_492 = arith.select %gt3A_490, %select_n3A_489, %select_n3A_486 : vector<16xi1>, vector<16xi32>
        %gt3A_493 = arith.cmpf ogt, %mul3A_483, %select_n3A_491 : vector<16xf32>
        %select_n3A_494 = arith.select %gt3A_493, %mul3A_483, %select_n3A_491 : vector<16xi1>, vector<16xf32>
        %select_n3A_495 = arith.select %gt3A_493, %add3A_409, %select_n3A_492 : vector<16xi1>, vector<16xi32>
        %gt3A_496 = arith.cmpf ogt, %select_n3A_494, %scan3A_341 : vector<16xf32>
        %select_n3A_497 = arith.select %gt3A_496, %select_n3A_494, %scan3A_341 : vector<16xi1>, vector<16xf32>
        %select_n3A_498 = arith.select %gt3A_496, %select_n3A_495, %scan3A_350 : vector<16xi1>, vector<16xi32>
        %add3A_499 = arith.constant 0 : i32
        %add3A_500 = arith.addi %mul3A_359, %add3A_499 : i32
        %get3A_501 = arith.index_cast %add3A_500 : i32 to index
        %get3A_502 = arith.constant 32 : index
        %get3A_503 = tpu.vector_load %arg7[%get3A_501, %get3A_502] {strides = array<i32>} : memref<125x144xf32, #tpu.memory_space<vmem>>, vector<16xf32>,
        %mul3A_504 = arith.mulf %get3A_503, %get3A_364 : vector<16xf32>
        %add3A_505 = arith.constant 1 : i32
        %add3A_506 = arith.addi %mul3A_359, %add3A_505 : i32
        %get3A_507 = arith.index_cast %add3A_506 : i32 to index
        %get3A_508 = arith.constant 32 : index
        %get3A_509 = tpu.vector_load %arg7[%get3A_507, %get3A_508] {strides = array<i32>} : memref<125x144xf32, #tpu.memory_space<vmem>>, vector<16xf32>,
        %mul3A_510 = arith.mulf %get3A_509, %get3A_369 : vector<16xf32>
        %add3A_511 = arith.constant 2 : i32
        %add3A_512 = arith.addi %mul3A_359, %add3A_511 : i32
        %get3A_513 = arith.index_cast %add3A_512 : i32 to index
        %get3A_514 = arith.constant 32 : index
        %get3A_515 = tpu.vector_load %arg7[%get3A_513, %get3A_514] {strides = array<i32>} : memref<125x144xf32, #tpu.memory_space<vmem>>, vector<16xf32>,
        %mul3A_516 = arith.mulf %get3A_515, %get3A_374 : vector<16xf32>
        %add3A_517 = arith.constant 3 : i32
        %add3A_518 = arith.addi %mul3A_359, %add3A_517 : i32
        %get3A_519 = arith.index_cast %add3A_518 : i32 to index
        %get3A_520 = arith.constant 32 : index
        %get3A_521 = tpu.vector_load %arg7[%get3A_519, %get3A_520] {strides = array<i32>} : memref<125x144xf32, #tpu.memory_space<vmem>>, vector<16xf32>,
        %mul3A_522 = arith.mulf %get3A_521, %get3A_379 : vector<16xf32>
        %add3A_523 = arith.constant 4 : i32
        %add3A_524 = arith.addi %mul3A_359, %add3A_523 : i32
        %get3A_525 = arith.index_cast %add3A_524 : i32 to index
        %get3A_526 = arith.constant 32 : index
        %get3A_527 = tpu.vector_load %arg7[%get3A_525, %get3A_526] {strides = array<i32>} : memref<125x144xf32, #tpu.memory_space<vmem>>, vector<16xf32>,
        %mul3A_528 = arith.mulf %get3A_527, %get3A_384 : vector<16xf32>
        %gt3A_529 = arith.cmpf ogt, %mul3A_510, %mul3A_504 : vector<16xf32>
        %select_n3A_530 = arith.select %gt3A_529, %mul3A_510, %mul3A_504 : vector<16xi1>, vector<16xf32>
        %select_n3A_531 = arith.select %gt3A_529, %add3A_394, %add3A_389 : vector<16xi1>, vector<16xi32>
        %gt3A_532 = arith.cmpf ogt, %mul3A_522, %mul3A_516 : vector<16xf32>
        %select_n3A_533 = arith.select %gt3A_532, %mul3A_522, %mul3A_516 : vector<16xi1>, vector<16xf32>
        %select_n3A_534 = arith.select %gt3A_532, %add3A_404, %add3A_399 : vector<16xi1>, vector<16xi32>
        %gt3A_535 = arith.cmpf ogt, %select_n3A_533, %select_n3A_530 : vector<16xf32>
        %select_n3A_536 = arith.select %gt3A_535, %select_n3A_533, %select_n3A_530 : vector<16xi1>, vector<16xf32>
        %select_n3A_537 = arith.select %gt3A_535, %select_n3A_534, %select_n3A_531 : vector<16xi1>, vector<16xi32>
        %gt3A_538 = arith.cmpf ogt, %mul3A_528, %select_n3A_536 : vector<16xf32>
        %select_n3A_539 = arith.select %gt3A_538, %mul3A_528, %select_n3A_536 : vector<16xi1>, vector<16xf32>
        %select_n3A_540 = arith.select %gt3A_538, %add3A_409, %select_n3A_537 : vector<16xi1>, vector<16xi32>
        %gt3A_541 = arith.cmpf ogt, %select_n3A_539, %scan3A_342 : vector<16xf32>
        %select_n3A_542 = arith.select %gt3A_541, %select_n3A_539, %scan3A_342 : vector<16xi1>, vector<16xf32>
        %select_n3A_543 = arith.select %gt3A_541, %select_n3A_540, %scan3A_351 : vector<16xi1>, vector<16xi32>
        %add3A_544 = arith.constant 0 : i32
        %add3A_545 = arith.addi %mul3A_359, %add3A_544 : i32
        %get3A_546 = arith.index_cast %add3A_545 : i32 to index
        %get3A_547 = arith.constant 48 : index
        %get3A_548 = tpu.vector_load %arg7[%get3A_546, %get3A_547] {strides = array<i32>} : memref<125x144xf32, #tpu.memory_space<vmem>>, vector<16xf32>,
        %mul3A_549 = arith.mulf %get3A_548, %get3A_364 : vector<16xf32>
        %add3A_550 = arith.constant 1 : i32
        %add3A_551 = arith.addi %mul3A_359, %add3A_550 : i32
        %get3A_552 = arith.index_cast %add3A_551 : i32 to index
        %get3A_553 = arith.constant 48 : index
        %get3A_554 = tpu.vector_load %arg7[%get3A_552, %get3A_553] {strides = array<i32>} : memref<125x144xf32, #tpu.memory_space<vmem>>, vector<16xf32>,
        %mul3A_555 = arith.mulf %get3A_554, %get3A_369 : vector<16xf32>
        %add3A_556 = arith.constant 2 : i32
        %add3A_557 = arith.addi %mul3A_359, %add3A_556 : i32
        %get3A_558 = arith.index_cast %add3A_557 : i32 to index
        %get3A_559 = arith.constant 48 : index
        %get3A_560 = tpu.vector_load %arg7[%get3A_558, %get3A_559] {strides = array<i32>} : memref<125x144xf32, #tpu.memory_space<vmem>>, vector<16xf32>,
        %mul3A_561 = arith.mulf %get3A_560, %get3A_374 : vector<16xf32>
        %add3A_562 = arith.constant 3 : i32
        %add3A_563 = arith.addi %mul3A_359, %add3A_562 : i32
        %get3A_564 = arith.index_cast %add3A_563 : i32 to index
        %get3A_565 = arith.constant 48 : index
        %get3A_566 = tpu.vector_load %arg7[%get3A_564, %get3A_565] {strides = array<i32>} : memref<125x144xf32, #tpu.memory_space<vmem>>, vector<16xf32>,
        %mul3A_567 = arith.mulf %get3A_566, %get3A_379 : vector<16xf32>
        %add3A_568 = arith.constant 4 : i32
        %add3A_569 = arith.addi %mul3A_359, %add3A_568 : i32
        %get3A_570 = arith.index_cast %add3A_569 : i32 to index
        %get3A_571 = arith.constant 48 : index
        %get3A_572 = tpu.vector_load %arg7[%get3A_570, %get3A_571] {strides = array<i32>} : memref<125x144xf32, #tpu.memory_space<vmem>>, vector<16xf32>,
        %mul3A_573 = arith.mulf %get3A_572, %get3A_384 : vector<16xf32>
        %gt3A_574 = arith.cmpf ogt, %mul3A_555, %mul3A_549 : vector<16xf32>
        %select_n3A_575 = arith.select %gt3A_574, %mul3A_555, %mul3A_549 : vector<16xi1>, vector<16xf32>
        %select_n3A_576 = arith.select %gt3A_574, %add3A_394, %add3A_389 : vector<16xi1>, vector<16xi32>
        %gt3A_577 = arith.cmpf ogt, %mul3A_567, %mul3A_561 : vector<16xf32>
        %select_n3A_578 = arith.select %gt3A_577, %mul3A_567, %mul3A_561 : vector<16xi1>, vector<16xf32>
        %select_n3A_579 = arith.select %gt3A_577, %add3A_404, %add3A_399 : vector<16xi1>, vector<16xi32>
        %gt3A_580 = arith.cmpf ogt, %select_n3A_578, %select_n3A_575 : vector<16xf32>
        %select_n3A_581 = arith.select %gt3A_580, %select_n3A_578, %select_n3A_575 : vector<16xi1>, vector<16xf32>
        %select_n3A_582 = arith.select %gt3A_580, %select_n3A_579, %select_n3A_576 : vector<16xi1>, vector<16xi32>
        %gt3A_583 = arith.cmpf ogt, %mul3A_573, %select_n3A_581 : vector<16xf32>
        %select_n3A_584 = arith.select %gt3A_583, %mul3A_573, %select_n3A_581 : vector<16xi1>, vector<16xf32>
        %select_n3A_585 = arith.select %gt3A_583, %add3A_409, %select_n3A_582 : vector<16xi1>, vector<16xi32>
        %gt3A_586 = arith.cmpf ogt, %select_n3A_584, %scan3A_343 : vector<16xf32>
        %select_n3A_587 = arith.select %gt3A_586, %select_n3A_584, %scan3A_343 : vector<16xi1>, vector<16xf32>
        %select_n3A_588 = arith.select %gt3A_586, %select_n3A_585, %scan3A_352 : vector<16xi1>, vector<16xi32>
        %add3A_589 = arith.constant 0 : i32
        %add3A_590 = arith.addi %mul3A_359, %add3A_589 : i32
        %get3A_591 = arith.index_cast %add3A_590 : i32 to index
        %get3A_592 = arith.constant 64 : index
        %get3A_593 = tpu.vector_load %arg7[%get3A_591, %get3A_592] {strides = array<i32>} : memref<125x144xf32, #tpu.memory_space<vmem>>, vector<16xf32>,
        %mul3A_594 = arith.mulf %get3A_593, %get3A_364 : vector<16xf32>
        %add3A_595 = arith.constant 1 : i32
        %add3A_596 = arith.addi %mul3A_359, %add3A_595 : i32
        %get3A_597 = arith.index_cast %add3A_596 : i32 to index
        %get3A_598 = arith.constant 64 : index
        %get3A_599 = tpu.vector_load %arg7[%get3A_597, %get3A_598] {strides = array<i32>} : memref<125x144xf32, #tpu.memory_space<vmem>>, vector<16xf32>,
        %mul3A_600 = arith.mulf %get3A_599, %get3A_369 : vector<16xf32>
        %add3A_601 = arith.constant 2 : i32
        %add3A_602 = arith.addi %mul3A_359, %add3A_601 : i32
        %get3A_603 = arith.index_cast %add3A_602 : i32 to index
        %get3A_604 = arith.constant 64 : index
        %get3A_605 = tpu.vector_load %arg7[%get3A_603, %get3A_604] {strides = array<i32>} : memref<125x144xf32, #tpu.memory_space<vmem>>, vector<16xf32>,
        %mul3A_606 = arith.mulf %get3A_605, %get3A_374 : vector<16xf32>
        %add3A_607 = arith.constant 3 : i32
        %add3A_608 = arith.addi %mul3A_359, %add3A_607 : i32
        %get3A_609 = arith.index_cast %add3A_608 : i32 to index
        %get3A_610 = arith.constant 64 : index
        %get3A_611 = tpu.vector_load %arg7[%get3A_609, %get3A_610] {strides = array<i32>} : memref<125x144xf32, #tpu.memory_space<vmem>>, vector<16xf32>,
        %mul3A_612 = arith.mulf %get3A_611, %get3A_379 : vector<16xf32>
        %add3A_613 = arith.constant 4 : i32
        %add3A_614 = arith.addi %mul3A_359, %add3A_613 : i32
        %get3A_615 = arith.index_cast %add3A_614 : i32 to index
        %get3A_616 = arith.constant 64 : index
        %get3A_617 = tpu.vector_load %arg7[%get3A_615, %get3A_616] {strides = array<i32>} : memref<125x144xf32, #tpu.memory_space<vmem>>, vector<16xf32>,
        %mul3A_618 = arith.mulf %get3A_617, %get3A_384 : vector<16xf32>
        %gt3A_619 = arith.cmpf ogt, %mul3A_600, %mul3A_594 : vector<16xf32>
        %select_n3A_620 = arith.select %gt3A_619, %mul3A_600, %mul3A_594 : vector<16xi1>, vector<16xf32>
        %select_n3A_621 = arith.select %gt3A_619, %add3A_394, %add3A_389 : vector<16xi1>, vector<16xi32>
        %gt3A_622 = arith.cmpf ogt, %mul3A_612, %mul3A_606 : vector<16xf32>
        %select_n3A_623 = arith.select %gt3A_622, %mul3A_612, %mul3A_606 : vector<16xi1>, vector<16xf32>
        %select_n3A_624 = arith.select %gt3A_622, %add3A_404, %add3A_399 : vector<16xi1>, vector<16xi32>
        %gt3A_625 = arith.cmpf ogt, %select_n3A_623, %select_n3A_620 : vector<16xf32>
        %select_n3A_626 = arith.select %gt3A_625, %select_n3A_623, %select_n3A_620 : vector<16xi1>, vector<16xf32>
        %select_n3A_627 = arith.select %gt3A_625, %select_n3A_624, %select_n3A_621 : vector<16xi1>, vector<16xi32>
        %gt3A_628 = arith.cmpf ogt, %mul3A_618, %select_n3A_626 : vector<16xf32>
        %select_n3A_629 = arith.select %gt3A_628, %mul3A_618, %select_n3A_626 : vector<16xi1>, vector<16xf32>
        %select_n3A_630 = arith.select %gt3A_628, %add3A_409, %select_n3A_627 : vector<16xi1>, vector<16xi32>
        %gt3A_631 = arith.cmpf ogt, %select_n3A_629, %scan3A_344 : vector<16xf32>
        %select_n3A_632 = arith.select %gt3A_631, %select_n3A_629, %scan3A_344 : vector<16xi1>, vector<16xf32>
        %select_n3A_633 = arith.select %gt3A_631, %select_n3A_630, %scan3A_353 : vector<16xi1>, vector<16xi32>
        %add3A_634 = arith.constant 0 : i32
        %add3A_635 = arith.addi %mul3A_359, %add3A_634 : i32
        %get3A_636 = arith.index_cast %add3A_635 : i32 to index
        %get3A_637 = arith.constant 80 : index
        %get3A_638 = tpu.vector_load %arg7[%get3A_636, %get3A_637] {strides = array<i32>} : memref<125x144xf32, #tpu.memory_space<vmem>>, vector<16xf32>,
        %mul3A_639 = arith.mulf %get3A_638, %get3A_364 : vector<16xf32>
        %add3A_640 = arith.constant 1 : i32
        %add3A_641 = arith.addi %mul3A_359, %add3A_640 : i32
        %get3A_642 = arith.index_cast %add3A_641 : i32 to index
        %get3A_643 = arith.constant 80 : index
        %get3A_644 = tpu.vector_load %arg7[%get3A_642, %get3A_643] {strides = array<i32>} : memref<125x144xf32, #tpu.memory_space<vmem>>, vector<16xf32>,
        %mul3A_645 = arith.mulf %get3A_644, %get3A_369 : vector<16xf32>
        %add3A_646 = arith.constant 2 : i32
        %add3A_647 = arith.addi %mul3A_359, %add3A_646 : i32
        %get3A_648 = arith.index_cast %add3A_647 : i32 to index
        %get3A_649 = arith.constant 80 : index
        %get3A_650 = tpu.vector_load %arg7[%get3A_648, %get3A_649] {strides = array<i32>} : memref<125x144xf32, #tpu.memory_space<vmem>>, vector<16xf32>,
        %mul3A_651 = arith.mulf %get3A_650, %get3A_374 : vector<16xf32>
        %add3A_652 = arith.constant 3 : i32
        %add3A_653 = arith.addi %mul3A_359, %add3A_652 : i32
        %get3A_654 = arith.index_cast %add3A_653 : i32 to index
        %get3A_655 = arith.constant 80 : index
        %get3A_656 = tpu.vector_load %arg7[%get3A_654, %get3A_655] {strides = array<i32>} : memref<125x144xf32, #tpu.memory_space<vmem>>, vector<16xf32>,
        %mul3A_657 = arith.mulf %get3A_656, %get3A_379 : vector<16xf32>
        %add3A_658 = arith.constant 4 : i32
        %add3A_659 = arith.addi %mul3A_359, %add3A_658 : i32
        %get3A_660 = arith.index_cast %add3A_659 : i32 to index
        %get3A_661 = arith.constant 80 : index
        %get3A_662 = tpu.vector_load %arg7[%get3A_660, %get3A_661] {strides = array<i32>} : memref<125x144xf32, #tpu.memory_space<vmem>>, vector<16xf32>,
        %mul3A_663 = arith.mulf %get3A_662, %get3A_384 : vector<16xf32>
        %gt3A_664 = arith.cmpf ogt, %mul3A_645, %mul3A_639 : vector<16xf32>
        %select_n3A_665 = arith.select %gt3A_664, %mul3A_645, %mul3A_639 : vector<16xi1>, vector<16xf32>
        %select_n3A_666 = arith.select %gt3A_664, %add3A_394, %add3A_389 : vector<16xi1>, vector<16xi32>
        %gt3A_667 = arith.cmpf ogt, %mul3A_657, %mul3A_651 : vector<16xf32>
        %select_n3A_668 = arith.select %gt3A_667, %mul3A_657, %mul3A_651 : vector<16xi1>, vector<16xf32>
        %select_n3A_669 = arith.select %gt3A_667, %add3A_404, %add3A_399 : vector<16xi1>, vector<16xi32>
        %gt3A_670 = arith.cmpf ogt, %select_n3A_668, %select_n3A_665 : vector<16xf32>
        %select_n3A_671 = arith.select %gt3A_670, %select_n3A_668, %select_n3A_665 : vector<16xi1>, vector<16xf32>
        %select_n3A_672 = arith.select %gt3A_670, %select_n3A_669, %select_n3A_666 : vector<16xi1>, vector<16xi32>
        %gt3A_673 = arith.cmpf ogt, %mul3A_663, %select_n3A_671 : vector<16xf32>
        %select_n3A_674 = arith.select %gt3A_673, %mul3A_663, %select_n3A_671 : vector<16xi1>, vector<16xf32>
        %select_n3A_675 = arith.select %gt3A_673, %add3A_409, %select_n3A_672 : vector<16xi1>, vector<16xi32>
        %gt3A_676 = arith.cmpf ogt, %select_n3A_674, %scan3A_345 : vector<16xf32>
        %select_n3A_677 = arith.select %gt3A_676, %select_n3A_674, %scan3A_345 : vector<16xi1>, vector<16xf32>
        %select_n3A_678 = arith.select %gt3A_676, %select_n3A_675, %scan3A_354 : vector<16xi1>, vector<16xi32>
        %add3A_679 = arith.constant 0 : i32
        %add3A_680 = arith.addi %mul3A_359, %add3A_679 : i32
        %get3A_681 = arith.index_cast %add3A_680 : i32 to index
        %get3A_682 = arith.constant 96 : index
        %get3A_683 = tpu.vector_load %arg7[%get3A_681, %get3A_682] {strides = array<i32>} : memref<125x144xf32, #tpu.memory_space<vmem>>, vector<16xf32>,
        %mul3A_684 = arith.mulf %get3A_683, %get3A_364 : vector<16xf32>
        %add3A_685 = arith.constant 1 : i32
        %add3A_686 = arith.addi %mul3A_359, %add3A_685 : i32
        %get3A_687 = arith.index_cast %add3A_686 : i32 to index
        %get3A_688 = arith.constant 96 : index
        %get3A_689 = tpu.vector_load %arg7[%get3A_687, %get3A_688] {strides = array<i32>} : memref<125x144xf32, #tpu.memory_space<vmem>>, vector<16xf32>,
        %mul3A_690 = arith.mulf %get3A_689, %get3A_369 : vector<16xf32>
        %add3A_691 = arith.constant 2 : i32
        %add3A_692 = arith.addi %mul3A_359, %add3A_691 : i32
        %get3A_693 = arith.index_cast %add3A_692 : i32 to index
        %get3A_694 = arith.constant 96 : index
        %get3A_695 = tpu.vector_load %arg7[%get3A_693, %get3A_694] {strides = array<i32>} : memref<125x144xf32, #tpu.memory_space<vmem>>, vector<16xf32>,
        %mul3A_696 = arith.mulf %get3A_695, %get3A_374 : vector<16xf32>
        %add3A_697 = arith.constant 3 : i32
        %add3A_698 = arith.addi %mul3A_359, %add3A_697 : i32
        %get3A_699 = arith.index_cast %add3A_698 : i32 to index
        %get3A_700 = arith.constant 96 : index
        %get3A_701 = tpu.vector_load %arg7[%get3A_699, %get3A_700] {strides = array<i32>} : memref<125x144xf32, #tpu.memory_space<vmem>>, vector<16xf32>,
        %mul3A_702 = arith.mulf %get3A_701, %get3A_379 : vector<16xf32>
        %add3A_703 = arith.constant 4 : i32
        %add3A_704 = arith.addi %mul3A_359, %add3A_703 : i32
        %get3A_705 = arith.index_cast %add3A_704 : i32 to index
        %get3A_706 = arith.constant 96 : index
        %get3A_707 = tpu.vector_load %arg7[%get3A_705, %get3A_706] {strides = array<i32>} : memref<125x144xf32, #tpu.memory_space<vmem>>, vector<16xf32>,
        %mul3A_708 = arith.mulf %get3A_707, %get3A_384 : vector<16xf32>
        %gt3A_709 = arith.cmpf ogt, %mul3A_690, %mul3A_684 : vector<16xf32>
        %select_n3A_710 = arith.select %gt3A_709, %mul3A_690, %mul3A_684 : vector<16xi1>, vector<16xf32>
        %select_n3A_711 = arith.select %gt3A_709, %add3A_394, %add3A_389 : vector<16xi1>, vector<16xi32>
        %gt3A_712 = arith.cmpf ogt, %mul3A_702, %mul3A_696 : vector<16xf32>
        %select_n3A_713 = arith.select %gt3A_712, %mul3A_702, %mul3A_696 : vector<16xi1>, vector<16xf32>
        %select_n3A_714 = arith.select %gt3A_712, %add3A_404, %add3A_399 : vector<16xi1>, vector<16xi32>
        %gt3A_715 = arith.cmpf ogt, %select_n3A_713, %select_n3A_710 : vector<16xf32>
        %select_n3A_716 = arith.select %gt3A_715, %select_n3A_713, %select_n3A_710 : vector<16xi1>, vector<16xf32>
        %select_n3A_717 = arith.select %gt3A_715, %select_n3A_714, %select_n3A_711 : vector<16xi1>, vector<16xi32>
        %gt3A_718 = arith.cmpf ogt, %mul3A_708, %select_n3A_716 : vector<16xf32>
        %select_n3A_719 = arith.select %gt3A_718, %mul3A_708, %select_n3A_716 : vector<16xi1>, vector<16xf32>
        %select_n3A_720 = arith.select %gt3A_718, %add3A_409, %select_n3A_717 : vector<16xi1>, vector<16xi32>
        %gt3A_721 = arith.cmpf ogt, %select_n3A_719, %scan3A_346 : vector<16xf32>
        %select_n3A_722 = arith.select %gt3A_721, %select_n3A_719, %scan3A_346 : vector<16xi1>, vector<16xf32>
        %select_n3A_723 = arith.select %gt3A_721, %select_n3A_720, %scan3A_355 : vector<16xi1>, vector<16xi32>
        %add3A_724 = arith.constant 0 : i32
        %add3A_725 = arith.addi %mul3A_359, %add3A_724 : i32
        %get3A_726 = arith.index_cast %add3A_725 : i32 to index
        %get3A_727 = arith.constant 112 : index
        %get3A_728 = tpu.vector_load %arg7[%get3A_726, %get3A_727] {strides = array<i32>} : memref<125x144xf32, #tpu.memory_space<vmem>>, vector<16xf32>,
        %mul3A_729 = arith.mulf %get3A_728, %get3A_364 : vector<16xf32>
        %add3A_730 = arith.constant 1 : i32
        %add3A_731 = arith.addi %mul3A_359, %add3A_730 : i32
        %get3A_732 = arith.index_cast %add3A_731 : i32 to index
        %get3A_733 = arith.constant 112 : index
        %get3A_734 = tpu.vector_load %arg7[%get3A_732, %get3A_733] {strides = array<i32>} : memref<125x144xf32, #tpu.memory_space<vmem>>, vector<16xf32>,
        %mul3A_735 = arith.mulf %get3A_734, %get3A_369 : vector<16xf32>
        %add3A_736 = arith.constant 2 : i32
        %add3A_737 = arith.addi %mul3A_359, %add3A_736 : i32
        %get3A_738 = arith.index_cast %add3A_737 : i32 to index
        %get3A_739 = arith.constant 112 : index
        %get3A_740 = tpu.vector_load %arg7[%get3A_738, %get3A_739] {strides = array<i32>} : memref<125x144xf32, #tpu.memory_space<vmem>>, vector<16xf32>,
        %mul3A_741 = arith.mulf %get3A_740, %get3A_374 : vector<16xf32>
        %add3A_742 = arith.constant 3 : i32
        %add3A_743 = arith.addi %mul3A_359, %add3A_742 : i32
        %get3A_744 = arith.index_cast %add3A_743 : i32 to index
        %get3A_745 = arith.constant 112 : index
        %get3A_746 = tpu.vector_load %arg7[%get3A_744, %get3A_745] {strides = array<i32>} : memref<125x144xf32, #tpu.memory_space<vmem>>, vector<16xf32>,
        %mul3A_747 = arith.mulf %get3A_746, %get3A_379 : vector<16xf32>
        %add3A_748 = arith.constant 4 : i32
        %add3A_749 = arith.addi %mul3A_359, %add3A_748 : i32
        %get3A_750 = arith.index_cast %add3A_749 : i32 to index
        %get3A_751 = arith.constant 112 : index
        %get3A_752 = tpu.vector_load %arg7[%get3A_750, %get3A_751] {strides = array<i32>} : memref<125x144xf32, #tpu.memory_space<vmem>>, vector<16xf32>,
        %mul3A_753 = arith.mulf %get3A_752, %get3A_384 : vector<16xf32>
        %gt3A_754 = arith.cmpf ogt, %mul3A_735, %mul3A_729 : vector<16xf32>
        %select_n3A_755 = arith.select %gt3A_754, %mul3A_735, %mul3A_729 : vector<16xi1>, vector<16xf32>
        %select_n3A_756 = arith.select %gt3A_754, %add3A_394, %add3A_389 : vector<16xi1>, vector<16xi32>
        %gt3A_757 = arith.cmpf ogt, %mul3A_747, %mul3A_741 : vector<16xf32>
        %select_n3A_758 = arith.select %gt3A_757, %mul3A_747, %mul3A_741 : vector<16xi1>, vector<16xf32>
        %select_n3A_759 = arith.select %gt3A_757, %add3A_404, %add3A_399 : vector<16xi1>, vector<16xi32>
        %gt3A_760 = arith.cmpf ogt, %select_n3A_758, %select_n3A_755 : vector<16xf32>
        %select_n3A_761 = arith.select %gt3A_760, %select_n3A_758, %select_n3A_755 : vector<16xi1>, vector<16xf32>
        %select_n3A_762 = arith.select %gt3A_760, %select_n3A_759, %select_n3A_756 : vector<16xi1>, vector<16xi32>
        %gt3A_763 = arith.cmpf ogt, %mul3A_753, %select_n3A_761 : vector<16xf32>
        %select_n3A_764 = arith.select %gt3A_763, %mul3A_753, %select_n3A_761 : vector<16xi1>, vector<16xf32>
        %select_n3A_765 = arith.select %gt3A_763, %add3A_409, %select_n3A_762 : vector<16xi1>, vector<16xi32>
        %gt3A_766 = arith.cmpf ogt, %select_n3A_764, %scan3A_347 : vector<16xf32>
        %select_n3A_767 = arith.select %gt3A_766, %select_n3A_764, %scan3A_347 : vector<16xi1>, vector<16xf32>
        %select_n3A_768 = arith.select %gt3A_766, %select_n3A_765, %scan3A_356 : vector<16xi1>, vector<16xi32>
        %add3A_769 = arith.constant 0 : i32
        %add3A_770 = arith.addi %mul3A_359, %add3A_769 : i32
        %get3A_771 = arith.index_cast %add3A_770 : i32 to index
        %get3A_772 = arith.constant 128 : index
        %get3A_773 = tpu.vector_load %arg7[%get3A_771, %get3A_772] {strides = array<i32>} : memref<125x144xf32, #tpu.memory_space<vmem>>, vector<16xf32>,
        %mul3A_774 = arith.mulf %get3A_773, %get3A_364 : vector<16xf32>
        %add3A_775 = arith.constant 1 : i32
        %add3A_776 = arith.addi %mul3A_359, %add3A_775 : i32
        %get3A_777 = arith.index_cast %add3A_776 : i32 to index
        %get3A_778 = arith.constant 128 : index
        %get3A_779 = tpu.vector_load %arg7[%get3A_777, %get3A_778] {strides = array<i32>} : memref<125x144xf32, #tpu.memory_space<vmem>>, vector<16xf32>,
        %mul3A_780 = arith.mulf %get3A_779, %get3A_369 : vector<16xf32>
        %add3A_781 = arith.constant 2 : i32
        %add3A_782 = arith.addi %mul3A_359, %add3A_781 : i32
        %get3A_783 = arith.index_cast %add3A_782 : i32 to index
        %get3A_784 = arith.constant 128 : index
        %get3A_785 = tpu.vector_load %arg7[%get3A_783, %get3A_784] {strides = array<i32>} : memref<125x144xf32, #tpu.memory_space<vmem>>, vector<16xf32>,
        %mul3A_786 = arith.mulf %get3A_785, %get3A_374 : vector<16xf32>
        %add3A_787 = arith.constant 3 : i32
        %add3A_788 = arith.addi %mul3A_359, %add3A_787 : i32
        %get3A_789 = arith.index_cast %add3A_788 : i32 to index
        %get3A_790 = arith.constant 128 : index
        %get3A_791 = tpu.vector_load %arg7[%get3A_789, %get3A_790] {strides = array<i32>} : memref<125x144xf32, #tpu.memory_space<vmem>>, vector<16xf32>,
        %mul3A_792 = arith.mulf %get3A_791, %get3A_379 : vector<16xf32>
        %add3A_793 = arith.constant 4 : i32
        %add3A_794 = arith.addi %mul3A_359, %add3A_793 : i32
        %get3A_795 = arith.index_cast %add3A_794 : i32 to index
        %get3A_796 = arith.constant 128 : index
        %get3A_797 = tpu.vector_load %arg7[%get3A_795, %get3A_796] {strides = array<i32>} : memref<125x144xf32, #tpu.memory_space<vmem>>, vector<16xf32>,
        %mul3A_798 = arith.mulf %get3A_797, %get3A_384 : vector<16xf32>
        %gt3A_799 = arith.cmpf ogt, %mul3A_780, %mul3A_774 : vector<16xf32>
        %select_n3A_800 = arith.select %gt3A_799, %mul3A_780, %mul3A_774 : vector<16xi1>, vector<16xf32>
        %select_n3A_801 = arith.select %gt3A_799, %add3A_394, %add3A_389 : vector<16xi1>, vector<16xi32>
        %gt3A_802 = arith.cmpf ogt, %mul3A_792, %mul3A_786 : vector<16xf32>
        %select_n3A_803 = arith.select %gt3A_802, %mul3A_792, %mul3A_786 : vector<16xi1>, vector<16xf32>
        %select_n3A_804 = arith.select %gt3A_802, %add3A_404, %add3A_399 : vector<16xi1>, vector<16xi32>
        %gt3A_805 = arith.cmpf ogt, %select_n3A_803, %select_n3A_800 : vector<16xf32>
        %select_n3A_806 = arith.select %gt3A_805, %select_n3A_803, %select_n3A_800 : vector<16xi1>, vector<16xf32>
        %select_n3A_807 = arith.select %gt3A_805, %select_n3A_804, %select_n3A_801 : vector<16xi1>, vector<16xi32>
        %gt3A_808 = arith.cmpf ogt, %mul3A_798, %select_n3A_806 : vector<16xf32>
        %select_n3A_809 = arith.select %gt3A_808, %mul3A_798, %select_n3A_806 : vector<16xi1>, vector<16xf32>
        %select_n3A_810 = arith.select %gt3A_808, %add3A_409, %select_n3A_807 : vector<16xi1>, vector<16xi32>
        %gt3A_811 = arith.cmpf ogt, %select_n3A_809, %scan3A_348 : vector<16xf32>
        %select_n3A_812 = arith.select %gt3A_811, %select_n3A_809, %scan3A_348 : vector<16xi1>, vector<16xf32>
        %select_n3A_813 = arith.select %gt3A_811, %select_n3A_810, %scan3A_357 : vector<16xi1>, vector<16xi32>
        scf.yield %select_n3A_452, %select_n3A_497, %select_n3A_542, %select_n3A_587, %select_n3A_632, %select_n3A_677, %select_n3A_722, %select_n3A_767, %select_n3A_812, %select_n3A_453, %select_n3A_498, %select_n3A_543, %select_n3A_588, %select_n3A_633, %select_n3A_678, %select_n3A_723, %select_n3A_768, %select_n3A_813 : vector<16xf32>, vector<16xf32>, vector<16xf32>, vector<16xf32>, vector<16xf32>, vector<16xf32>, vector<16xf32>, vector<16xf32>, vector<16xf32>, vector<16xi32>, vector<16xi32>, vector<16xi32>, vector<16xi32>, vector<16xi32>, vector<16xi32>, vector<16xi32>, vector<16xi32>, vector<16xi32>
      }
      %scan3A_295 = arith.constant 25 : i32
      %swap3A_296 = arith.constant 0 : index
      %swap3A_297 = tpu.vector_load %arg10[%swap3A_296] {strides = array<i32>} : memref<144xf32, #tpu.memory_space<vmem>>, vector<16xf32>,
      tpu.vector_store %arg10[%swap3A_296], %scan3A_294#0 {strides = array<i32>} : memref<144xf32, #tpu.memory_space<vmem>>, vector<16xf32>,
      %swap3A_298 = arith.constant 0 : index
      %swap3A_299 = tpu.vector_load %arg11[%swap3A_298] {strides = array<i32>} : memref<144xi32, #tpu.memory_space<vmem>>, vector<16xi32>,
      tpu.vector_store %arg11[%swap3A_298], %scan3A_294#9 {strides = array<i32>} : memref<144xi32, #tpu.memory_space<vmem>>, vector<16xi32>,
      %swap3A_300 = arith.constant 16 : index
      %swap3A_301 = tpu.vector_load %arg10[%swap3A_300] {strides = array<i32>} : memref<144xf32, #tpu.memory_space<vmem>>, vector<16xf32>,
      tpu.vector_store %arg10[%swap3A_300], %scan3A_294#1 {strides = array<i32>} : memref<144xf32, #tpu.memory_space<vmem>>, vector<16xf32>,
      %swap3A_302 = arith.constant 16 : index
      %swap3A_303 = tpu.vector_load %arg11[%swap3A_302] {strides = array<i32>} : memref<144xi32, #tpu.memory_space<vmem>>, vector<16xi32>,
      tpu.vector_store %arg11[%swap3A_302], %scan3A_294#10 {strides = array<i32>} : memref<144xi32, #tpu.memory_space<vmem>>, vector<16xi32>,
      %swap3A_304 = arith.constant 32 : index
      %swap3A_305 = tpu.vector_load %arg10[%swap3A_304] {strides = array<i32>} : memref<144xf32, #tpu.memory_space<vmem>>, vector<16xf32>,
      tpu.vector_store %arg10[%swap3A_304], %scan3A_294#2 {strides = array<i32>} : memref<144xf32, #tpu.memory_space<vmem>>, vector<16xf32>,
      %swap3A_306 = arith.constant 32 : index
      %swap3A_307 = tpu.vector_load %arg11[%swap3A_306] {strides = array<i32>} : memref<144xi32, #tpu.memory_space<vmem>>, vector<16xi32>,
      tpu.vector_store %arg11[%swap3A_306], %scan3A_294#11 {strides = array<i32>} : memref<144xi32, #tpu.memory_space<vmem>>, vector<16xi32>,
      %swap3A_308 = arith.constant 48 : index
      %swap3A_309 = tpu.vector_load %arg10[%swap3A_308] {strides = array<i32>} : memref<144xf32, #tpu.memory_space<vmem>>, vector<16xf32>,
      tpu.vector_store %arg10[%swap3A_308], %scan3A_294#3 {strides = array<i32>} : memref<144xf32, #tpu.memory_space<vmem>>, vector<16xf32>,
      %swap3A_310 = arith.constant 48 : index
      %swap3A_311 = tpu.vector_load %arg11[%swap3A_310] {strides = array<i32>} : memref<144xi32, #tpu.memory_space<vmem>>, vector<16xi32>,
      tpu.vector_store %arg11[%swap3A_310], %scan3A_294#12 {strides = array<i32>} : memref<144xi32, #tpu.memory_space<vmem>>, vector<16xi32>,
      %swap3A_312 = arith.constant 64 : index
      %swap3A_313 = tpu.vector_load %arg10[%swap3A_312] {strides = array<i32>} : memref<144xf32, #tpu.memory_space<vmem>>, vector<16xf32>,
      tpu.vector_store %arg10[%swap3A_312], %scan3A_294#4 {strides = array<i32>} : memref<144xf32, #tpu.memory_space<vmem>>, vector<16xf32>,
      %swap3A_314 = arith.constant 64 : index
      %swap3A_315 = tpu.vector_load %arg11[%swap3A_314] {strides = array<i32>} : memref<144xi32, #tpu.memory_space<vmem>>, vector<16xi32>,
      tpu.vector_store %arg11[%swap3A_314], %scan3A_294#13 {strides = array<i32>} : memref<144xi32, #tpu.memory_space<vmem>>, vector<16xi32>,
      %swap3A_316 = arith.constant 80 : index
      %swap3A_317 = tpu.vector_load %arg10[%swap3A_316] {strides = array<i32>} : memref<144xf32, #tpu.memory_space<vmem>>, vector<16xf32>,
      tpu.vector_store %arg10[%swap3A_316], %scan3A_294#5 {strides = array<i32>} : memref<144xf32, #tpu.memory_space<vmem>>, vector<16xf32>,
      %swap3A_318 = arith.constant 80 : index
      %swap3A_319 = tpu.vector_load %arg11[%swap3A_318] {strides = array<i32>} : memref<144xi32, #tpu.memory_space<vmem>>, vector<16xi32>,
      tpu.vector_store %arg11[%swap3A_318], %scan3A_294#14 {strides = array<i32>} : memref<144xi32, #tpu.memory_space<vmem>>, vector<16xi32>,
      %swap3A_320 = arith.constant 96 : index
      %swap3A_321 = tpu.vector_load %arg10[%swap3A_320] {strides = array<i32>} : memref<144xf32, #tpu.memory_space<vmem>>, vector<16xf32>,
      tpu.vector_store %arg10[%swap3A_320], %scan3A_294#6 {strides = array<i32>} : memref<144xf32, #tpu.memory_space<vmem>>, vector<16xf32>,
      %swap3A_322 = arith.constant 96 : index
      %swap3A_323 = tpu.vector_load %arg11[%swap3A_322] {strides = array<i32>} : memref<144xi32, #tpu.memory_space<vmem>>, vector<16xi32>,
      tpu.vector_store %arg11[%swap3A_322], %scan3A_294#15 {strides = array<i32>} : memref<144xi32, #tpu.memory_space<vmem>>, vector<16xi32>,
      %swap3A_324 = arith.constant 112 : index
      %swap3A_325 = tpu.vector_load %arg10[%swap3A_324] {strides = array<i32>} : memref<144xf32, #tpu.memory_space<vmem>>, vector<16xf32>,
      tpu.vector_store %arg10[%swap3A_324], %scan3A_294#7 {strides = array<i32>} : memref<144xf32, #tpu.memory_space<vmem>>, vector<16xf32>,
      %swap3A_326 = arith.constant 112 : index
      %swap3A_327 = tpu.vector_load %arg11[%swap3A_326] {strides = array<i32>} : memref<144xi32, #tpu.memory_space<vmem>>, vector<16xi32>,
      tpu.vector_store %arg11[%swap3A_326], %scan3A_294#16 {strides = array<i32>} : memref<144xi32, #tpu.memory_space<vmem>>, vector<16xi32>,
      %swap3A_328 = arith.constant 128 : index
      %swap3A_329 = tpu.vector_load %arg10[%swap3A_328] {strides = array<i32>} : memref<144xf32, #tpu.memory_space<vmem>>, vector<16xf32>,
      tpu.vector_store %arg10[%swap3A_328], %scan3A_294#8 {strides = array<i32>} : memref<144xf32, #tpu.memory_space<vmem>>, vector<16xf32>,
      %swap3A_330 = arith.constant 128 : index
      %swap3A_331 = tpu.vector_load %arg11[%swap3A_330] {strides = array<i32>} : memref<144xi32, #tpu.memory_space<vmem>>, vector<16xi32>,
      tpu.vector_store %arg11[%swap3A_330], %scan3A_294#17 {strides = array<i32>} : memref<144xi32, #tpu.memory_space<vmem>>, vector<16xi32>,
      %add3A_332 = arith.constant 2 : i32
      %add3A_333 = arith.addi %add3A_238, %add3A_332 : i32
      %lt3A_334 = arith.constant 10 : i32
      %lt3A_335 = arith.cmpi slt, %add3A_333, %lt3A_334 : i32
      %convert_element_type3A_336 = arith.extui %lt3A_335 : i1 to i32
      %cond3A_337 = arith.constant 0 : i32
      %cond3A_338 = arith.cmpi ne, %convert_element_type3A_336, %cond3A_337 : i32
      scf.if %cond3A_338 {
        %add3A_339 = arith.constant 2 : i32
        %add3A_340 = arith.addi %add3A_238, %add3A_339 : i32
        %mul3A_341 = arith.constant 125 : i32
        %mul3A_342 = arith.muli %add3A_340, %mul3A_341 : i32
        %add3A_343 = arith.addi %mul3A_32, %mul3A_342 : i32
        %dma_start3A_344 = tpu.memref_slice %arg3[%add3A_343, %multiple_of3A_39] : memref<10000x10000xf32, #tpu.memory_space<hbm>> -> memref<125x144xf32, #tpu.memory_space<hbm>>
        %dma_start3A_345 = tpu.memref_slice %arg3[%add3A_343, %multiple_of3A_39] : memref<10000x10000xf32, #tpu.memory_space<hbm>> -> memref<125x144xf32, #tpu.memory_space<hbm>>
        tpu.enqueue_dma source(%dma_start3A_345 : memref<125x144xf32, #tpu.memory_space<hbm>>) target(%arg7 : memref<125x144xf32, #tpu.memory_space<vmem>>) target_semaphore(%arg13 : memref<!tpu.dma_semaphore, #tpu.memory_space<semaphore_mem>>)
        %mul3A_346 = arith.constant 125 : i32
        %mul3A_347 = arith.muli %add3A_340, %mul3A_346 : i32
        %add3A_348 = arith.addi %mul3A_32, %mul3A_347 : i32
        %dma_start3A_349 = arith.constant 0 : i32
        %dma_start3A_350 = tpu.memref_slice %arg2[%add3A_348, %dma_start3A_349] : memref<10000x16xf32, #tpu.memory_space<hbm>> -> memref<125x16xf32, #tpu.memory_space<hbm>>
        %dma_start3A_351 = arith.constant 0 : i32
        %dma_start3A_352 = tpu.memref_slice %arg2[%add3A_348, %dma_start3A_351] : memref<10000x16xf32, #tpu.memory_space<hbm>> -> memref<125x16xf32, #tpu.memory_space<hbm>>
        tpu.enqueue_dma source(%dma_start3A_352 : memref<125x16xf32, #tpu.memory_space<hbm>>) target(%arg9 : memref<125x16xf32, #tpu.memory_space<vmem>>) target_semaphore(%arg15 : memref<!tpu.dma_semaphore, #tpu.memory_space<semaphore_mem>>)
      } else {
      }
    }
    %scan3A_133 = arith.constant 5 : i32
    "tpu.region"() ({
      %run_scoped3A = tpu.sem_alloc : memref<!tpu.dma_semaphore, #tpu.memory_space<semaphore_mem>>
      %dma_start3A_134 = tpu.memref_slice %arg4[%select_n3A, %multiple_of3A] : memref<8x528xf32, #tpu.memory_space<hbm>> -> memref<1x144xf32, #tpu.memory_space<hbm>>
      %dma_start3A_135 = tpu.memref_squeeze %dma_start3A_134 : memref<1x144xf32, #tpu.memory_space<hbm>> -> memref<144xf32, #tpu.memory_space<hbm>>
      %dma_start3A_136 = tpu.memref_slice %arg4[%select_n3A, %multiple_of3A] : memref<8x528xf32, #tpu.memory_space<hbm>> -> memref<1x144xf32, #tpu.memory_space<hbm>>
      %dma_start3A_137 = tpu.memref_squeeze %dma_start3A_136 : memref<1x144xf32, #tpu.memory_space<hbm>> -> memref<144xf32, #tpu.memory_space<hbm>>
      tpu.enqueue_dma source(%arg10 : memref<144xf32, #tpu.memory_space<vmem>>) target(%dma_start3A_137 : memref<144xf32, #tpu.memory_space<hbm>>) target_semaphore(%run_scoped3A : memref<!tpu.dma_semaphore, #tpu.memory_space<semaphore_mem>>)
      %dma_wait3A = tpu.memref_slice %arg4[%select_n3A, %multiple_of3A] : memref<8x528xf32, #tpu.memory_space<hbm>> -> memref<1x144xf32, #tpu.memory_space<hbm>>
      %dma_wait3A_138 = tpu.memref_squeeze %dma_wait3A : memref<1x144xf32, #tpu.memory_space<hbm>> -> memref<144xf32, #tpu.memory_space<hbm>>
      %dma_wait3A_139 = tpu.memref_slice %arg4[%select_n3A, %multiple_of3A] : memref<8x528xf32, #tpu.memory_space<hbm>> -> memref<1x144xf32, #tpu.memory_space<hbm>>
      %dma_wait3A_140 = tpu.memref_squeeze %dma_wait3A_139 : memref<1x144xf32, #tpu.memory_space<hbm>> -> memref<144xf32, #tpu.memory_space<hbm>>
      tpu.wait_dma2 semaphore(%run_scoped3A : memref<!tpu.dma_semaphore, #tpu.memory_space<semaphore_mem>>) src(%arg10 : memref<144xf32, #tpu.memory_space<vmem>>) dst(%dma_wait3A_140 : memref<144xf32, #tpu.memory_space<hbm>>)
      tpu.yield
    }) : () -> ()
    "tpu.region"() ({
      %run_scoped3A = tpu.sem_alloc : memref<!tpu.dma_semaphore, #tpu.memory_space<semaphore_mem>>
      %dma_start3A_134 = tpu.memref_slice %arg5[%select_n3A, %multiple_of3A] : memref<8x528xi32, #tpu.memory_space<hbm>> -> memref<1x144xi32, #tpu.memory_space<hbm>>
      %dma_start3A_135 = tpu.memref_squeeze %dma_start3A_134 : memref<1x144xi32, #tpu.memory_space<hbm>> -> memref<144xi32, #tpu.memory_space<hbm>>
      %dma_start3A_136 = tpu.memref_slice %arg5[%select_n3A, %multiple_of3A] : memref<8x528xi32, #tpu.memory_space<hbm>> -> memref<1x144xi32, #tpu.memory_space<hbm>>
      %dma_start3A_137 = tpu.memref_squeeze %dma_start3A_136 : memref<1x144xi32, #tpu.memory_space<hbm>> -> memref<144xi32, #tpu.memory_space<hbm>>
      tpu.enqueue_dma source(%arg11 : memref<144xi32, #tpu.memory_space<vmem>>) target(%dma_start3A_137 : memref<144xi32, #tpu.memory_space<hbm>>) target_semaphore(%run_scoped3A : memref<!tpu.dma_semaphore, #tpu.memory_space<semaphore_mem>>)
      %dma_wait3A = tpu.memref_slice %arg5[%select_n3A, %multiple_of3A] : memref<8x528xi32, #tpu.memory_space<hbm>> -> memref<1x144xi32, #tpu.memory_space<hbm>>
      %dma_wait3A_138 = tpu.memref_squeeze %dma_wait3A : memref<1x144xi32, #tpu.memory_space<hbm>> -> memref<144xi32, #tpu.memory_space<hbm>>
      %dma_wait3A_139 = tpu.memref_slice %arg5[%select_n3A, %multiple_of3A] : memref<8x528xi32, #tpu.memory_space<hbm>> -> memref<1x144xi32, #tpu.memory_space<hbm>>
      %dma_wait3A_140 = tpu.memref_squeeze %dma_wait3A_139 : memref<1x144xi32, #tpu.memory_space<hbm>> -> memref<144xi32, #tpu.memory_space<hbm>>
      tpu.wait_dma2 semaphore(%run_scoped3A : memref<!tpu.dma_semaphore, #tpu.memory_space<semaphore_mem>>) src(%arg11 : memref<144xi32, #tpu.memory_space<vmem>>) dst(%dma_wait3A_140 : memref<144xi32, #tpu.memory_space<hbm>>)
      tpu.yield
    }) : () -> ()
    return
  }
}

module attributes {stable_mosaic.version = 14 : i64} {
  func.func @_tc_body(%arg0: i32, %arg1: memref<400x1xf32, #tpu.memory_space<vmem>>, %arg2: memref<400x9472xf32, #tpu.memory_space<vmem>>, %arg3: memref<1x9472xf32, #tpu.memory_space<vmem>>, %arg4: memref<1x9472xi32, #tpu.memory_space<vmem>>, %arg5: memref<8x9472xf32, #tpu.memory_space<vmem>>, %arg6: memref<8x9472xi32, #tpu.memory_space<vmem>>) attributes {dimension_semantics = [#tpu.dimension_semantics<arbitrary>], iteration_bounds = array<i64: 25>, scalar_prefetch = 0 : i64, scratch_operands = 2 : i64, tpu.core_type = #tpu.core_type<tc>, window_params = [{transform_indices = @transform_0, window_bounds = array<i64: 400, 1>}, {transform_indices = @transform_1, window_bounds = array<i64: 400, 9472>}, {pipeline_mode = #tpu.pipeline_mode<synchronous>, transform_indices = @transform_2, window_bounds = array<i64: 1, 9472>}, {pipeline_mode = #tpu.pipeline_mode<synchronous>, transform_indices = @transform_3, window_bounds = array<i64: 1, 9472>}]} {
    %eq3A = arith.constant 0 : i32
    %eq3A_0 = arith.cmpi eq, %arg0, %eq3A : i32
    %convert_element_type3A = arith.extui %eq3A_0 : i1 to i32
    %cond3A = arith.constant 0 : i32
    %cond3A_1 = arith.cmpi ne, %convert_element_type3A, %cond3A : i32
    scf.if %cond3A_1 {
      %broadcast_in_dim3A = arith.constant 0.000000e+00 : f32
      %broadcast_in_dim3A_11 = vector.broadcast %broadcast_in_dim3A : f32 to vector<8x9472xf32>
      %swap3A = arith.constant 0 : index
      %swap3A_12 = arith.constant 0 : index
      %swap3A_13 = vector.load %arg5[%swap3A, %swap3A_12] : memref<8x9472xf32, #tpu.memory_space<vmem>>, vector<8x9472xf32>
      tpu.vector_store %arg5[%swap3A, %swap3A_12], %broadcast_in_dim3A_11 {strides = array<i32>} : memref<8x9472xf32, #tpu.memory_space<vmem>>, vector<8x9472xf32>,
      %broadcast_in_dim3A_14 = arith.constant 0 : i32
      %broadcast_in_dim3A_15 = vector.broadcast %broadcast_in_dim3A_14 : i32 to vector<8x9472xi32>
      %swap3A_16 = arith.constant 0 : index
      %swap3A_17 = arith.constant 0 : index
      %swap3A_18 = vector.load %arg6[%swap3A_16, %swap3A_17] : memref<8x9472xi32, #tpu.memory_space<vmem>>, vector<8x9472xi32>
      tpu.vector_store %arg6[%swap3A_16, %swap3A_17], %broadcast_in_dim3A_15 {strides = array<i32>} : memref<8x9472xi32, #tpu.memory_space<vmem>>, vector<8x9472xi32>,
    } else {
    }
    %scan3A = arith.constant 0 : i32
    %scan3A_2 = arith.constant 50 : i32
    %scan3A_3 = arith.addi %scan3A, %scan3A_2 : i32
    %scan3A_4 = arith.constant 1 : i32
    scf.for %scan3A_11 = %scan3A to %scan3A_3 step %scan3A_4  : i32 {
      %mul3A = arith.constant 8 : i32
      %mul3A_12 = arith.muli %scan3A_11, %mul3A : i32
      %get3A = arith.index_cast %mul3A_12 : i32 to index
      %get3A_13 = arith.constant 0 : index
      %get3A_14 = vector.load %arg2[%get3A, %get3A_13] : memref<400x9472xf32, #tpu.memory_space<vmem>>, vector<8x9472xf32>
      %mul3A_15 = arith.constant 8 : i32
      %mul3A_16 = arith.muli %scan3A_11, %mul3A_15 : i32
      %get3A_17 = arith.index_cast %mul3A_16 : i32 to index
      %get3A_18 = arith.constant 0 : index
      %get3A_19 = vector.load %arg1[%get3A_17, %get3A_18] : memref<400x1xf32, #tpu.memory_space<vmem>>, vector<8x1xf32>
      %mul3A_20 = vector.broadcast %get3A_19 : vector<8x1xf32> to vector<8x9472xf32>
      %mul3A_21 = arith.mulf %get3A_14, %mul3A_20 : vector<8x9472xf32>
      %iota3A = tpu.iota {dimensions = array<i32: 0>} : vector<8x9472xi32>
      %mul3A_22 = arith.constant 400 : i32
      %mul3A_23 = arith.muli %arg0, %mul3A_22 : i32
      %mul3A_24 = arith.constant 8 : i32
      %mul3A_25 = arith.muli %scan3A_11, %mul3A_24 : i32
      %add3A = arith.addi %mul3A_23, %mul3A_25 : i32
      %add3A_26 = vector.broadcast %add3A : i32 to vector<8x9472xi32>
      %add3A_27 = arith.addi %iota3A, %add3A_26 : vector<8x9472xi32>
      %get3A_28 = arith.constant 0 : index
      %get3A_29 = arith.constant 0 : index
      %get3A_30 = vector.load %arg5[%get3A_28, %get3A_29] : memref<8x9472xf32, #tpu.memory_space<vmem>>, vector<8x9472xf32>
      %gt3A = arith.cmpf ogt, %mul3A_21, %get3A_30 : vector<8x9472xf32>
      %get3A_31 = arith.constant 0 : index
      %get3A_32 = arith.constant 0 : index
      %get3A_33 = vector.load %arg5[%get3A_31, %get3A_32] : memref<8x9472xf32, #tpu.memory_space<vmem>>, vector<8x9472xf32>
      %select_n3A = arith.select %gt3A, %mul3A_21, %get3A_33 : vector<8x9472xi1>, vector<8x9472xf32>
      %swap3A = arith.constant 0 : index
      %swap3A_34 = arith.constant 0 : index
      %swap3A_35 = vector.load %arg5[%swap3A, %swap3A_34] : memref<8x9472xf32, #tpu.memory_space<vmem>>, vector<8x9472xf32>
      tpu.vector_store %arg5[%swap3A, %swap3A_34], %select_n3A {strides = array<i32>} : memref<8x9472xf32, #tpu.memory_space<vmem>>, vector<8x9472xf32>,
      %get3A_36 = arith.constant 0 : index
      %get3A_37 = arith.constant 0 : index
      %get3A_38 = vector.load %arg6[%get3A_36, %get3A_37] : memref<8x9472xi32, #tpu.memory_space<vmem>>, vector<8x9472xi32>
      %select_n3A_39 = arith.select %gt3A, %add3A_27, %get3A_38 : vector<8x9472xi1>, vector<8x9472xi32>
      %swap3A_40 = arith.constant 0 : index
      %swap3A_41 = arith.constant 0 : index
      %swap3A_42 = vector.load %arg6[%swap3A_40, %swap3A_41] : memref<8x9472xi32, #tpu.memory_space<vmem>>, vector<8x9472xi32>
      tpu.vector_store %arg6[%swap3A_40, %swap3A_41], %select_n3A_39 {strides = array<i32>} : memref<8x9472xi32, #tpu.memory_space<vmem>>, vector<8x9472xi32>,
    }
    %scan3A_5 = arith.constant 50 : i32
    %eq3A_6 = arith.constant 24 : i32
    %eq3A_7 = arith.cmpi eq, %arg0, %eq3A_6 : i32
    %convert_element_type3A_8 = arith.extui %eq3A_7 : i1 to i32
    %cond3A_9 = arith.constant 0 : i32
    %cond3A_10 = arith.cmpi ne, %convert_element_type3A_8, %cond3A_9 : i32
    scf.if %cond3A_10 {
      %get3A = arith.constant 0 : index
      %get3A_11 = arith.constant 0 : index
      %get3A_12 = vector.load %arg5[%get3A, %get3A_11] : memref<8x9472xf32, #tpu.memory_space<vmem>>, vector<8x9472xf32>
      %reduce_max3A = arith.constant dense<0xFF800000> : vector<9472xf32>
      %reduce_max3A_13 = vector.multi_reduction <maximumf>, %get3A_12, %reduce_max3A [0] : vector<8x9472xf32> to vector<9472xf32>
      %broadcast_in_dim3A = vector.shape_cast %reduce_max3A_13 : vector<9472xf32> to vector<1x9472xf32>
      %eq3A_14 = vector.broadcast %broadcast_in_dim3A : vector<1x9472xf32> to vector<8x9472xf32>
      %eq3A_15 = arith.cmpf oeq, %get3A_12, %eq3A_14 : vector<8x9472xf32>
      %get3A_16 = arith.constant 0 : index
      %get3A_17 = arith.constant 0 : index
      %get3A_18 = vector.load %arg6[%get3A_16, %get3A_17] : memref<8x9472xi32, #tpu.memory_space<vmem>>, vector<8x9472xi32>
      %jit3A = arith.constant 1073741824 : i32
      %broadcast_in_dim3A_19 = vector.broadcast %jit3A : i32 to vector<8x9472xi32>
      %select_n3A = arith.select %eq3A_15, %get3A_18, %broadcast_in_dim3A_19 : vector<8x9472xi1>, vector<8x9472xi32>
      %swap3A = arith.constant 0 : index
      %swap3A_20 = arith.constant 0 : index
      %swap3A_21 = vector.load %arg3[%swap3A, %swap3A_20] : memref<1x9472xf32, #tpu.memory_space<vmem>>, vector<1x9472xf32>
      tpu.vector_store %arg3[%swap3A, %swap3A_20], %broadcast_in_dim3A {strides = array<i32>} : memref<1x9472xf32, #tpu.memory_space<vmem>>, vector<1x9472xf32>,
      %reduce_min3A = arith.constant dense<2147483647> : vector<9472xi32>
      %reduce_min3A_22 = vector.multi_reduction <minsi>, %select_n3A, %reduce_min3A [0] : vector<8x9472xi32> to vector<9472xi32>
      %broadcast_in_dim3A_23 = vector.shape_cast %reduce_min3A_22 : vector<9472xi32> to vector<1x9472xi32>
      %swap3A_24 = arith.constant 0 : index
      %swap3A_25 = arith.constant 0 : index
      %swap3A_26 = vector.load %arg4[%swap3A_24, %swap3A_25] : memref<1x9472xi32, #tpu.memory_space<vmem>>, vector<1x9472xi32>
      tpu.vector_store %arg4[%swap3A_24, %swap3A_25], %broadcast_in_dim3A_23 {strides = array<i32>} : memref<1x9472xi32, #tpu.memory_space<vmem>>, vector<1x9472xi32>,
    } else {
    }
    return
  }
  func.func @transform_0(%arg0: i32) -> (i32, i32) {
    %c0_i32 = arith.constant 0 : i32
    %c0_i32_0 = arith.constant 0 : i32
    return %arg0, %c0_i32 : i32, i32
  }
  func.func @transform_1(%arg0: i32) -> (i32, i32) {
    %c0_i32 = arith.constant 0 : i32
    %c0_i32_0 = arith.constant 0 : i32
    return %arg0, %c0_i32 : i32, i32
  }
  func.func @transform_2(%arg0: i32) -> (i32, i32) {
    %c0_i32 = arith.constant 0 : i32
    %c0_i32_0 = arith.constant 0 : i32
    %c0_i32_1 = arith.constant 0 : i32
    return %c0_i32, %c0_i32_0 : i32, i32
  }
  func.func @transform_3(%arg0: i32) -> (i32, i32) {
    %c0_i32 = arith.constant 0 : i32
    %c0_i32_0 = arith.constant 0 : i32
    %c0_i32_1 = arith.constant 0 : i32
    return %c0_i32, %c0_i32_0 : i32, i32
  }
}

module attributes {stable_mosaic.version = 14 : i64} {
  func.func @_merge_body(%arg0: memref<8x528xf32, #tpu.memory_space<vmem>>, %arg1: memref<8x528xi32, #tpu.memory_space<vmem>>, %arg2: memref<1x528xf32, #tpu.memory_space<vmem>>, %arg3: memref<1x528xi32, #tpu.memory_space<vmem>>) attributes {dimension_semantics = [], scalar_prefetch = 0 : i64, scratch_operands = 0 : i64, tpu.core_type = #tpu.core_type<tc>} {
    %get3A = arith.constant 0 : index
    %get3A_0 = arith.constant 0 : index
    %get3A_1 = vector.load %arg0[%get3A, %get3A_0] : memref<8x528xf32, #tpu.memory_space<vmem>>, vector<1x528xf32>
    %get3A_2 = arith.constant 0 : index
    %get3A_3 = arith.constant 0 : index
    %get3A_4 = vector.load %arg1[%get3A_2, %get3A_3] : memref<8x528xi32, #tpu.memory_space<vmem>>, vector<1x528xi32>
    %get3A_5 = arith.constant 1 : index
    %get3A_6 = arith.constant 0 : index
    %get3A_7 = vector.load %arg0[%get3A_5, %get3A_6] : memref<8x528xf32, #tpu.memory_space<vmem>>, vector<1x528xf32>
    %get3A_8 = arith.constant 1 : index
    %get3A_9 = arith.constant 0 : index
    %get3A_10 = vector.load %arg1[%get3A_8, %get3A_9] : memref<8x528xi32, #tpu.memory_space<vmem>>, vector<1x528xi32>
    %gt3A = arith.cmpf ogt, %get3A_7, %get3A_1 : vector<1x528xf32>
    %select_n3A = arith.select %gt3A, %get3A_7, %get3A_1 : vector<1x528xi1>, vector<1x528xf32>
    %select_n3A_11 = arith.select %gt3A, %get3A_10, %get3A_4 : vector<1x528xi1>, vector<1x528xi32>
    %get3A_12 = arith.constant 2 : index
    %get3A_13 = arith.constant 0 : index
    %get3A_14 = vector.load %arg0[%get3A_12, %get3A_13] : memref<8x528xf32, #tpu.memory_space<vmem>>, vector<1x528xf32>
    %get3A_15 = arith.constant 2 : index
    %get3A_16 = arith.constant 0 : index
    %get3A_17 = vector.load %arg1[%get3A_15, %get3A_16] : memref<8x528xi32, #tpu.memory_space<vmem>>, vector<1x528xi32>
    %gt3A_18 = arith.cmpf ogt, %get3A_14, %select_n3A : vector<1x528xf32>
    %select_n3A_19 = arith.select %gt3A_18, %get3A_14, %select_n3A : vector<1x528xi1>, vector<1x528xf32>
    %select_n3A_20 = arith.select %gt3A_18, %get3A_17, %select_n3A_11 : vector<1x528xi1>, vector<1x528xi32>
    %get3A_21 = arith.constant 3 : index
    %get3A_22 = arith.constant 0 : index
    %get3A_23 = vector.load %arg0[%get3A_21, %get3A_22] : memref<8x528xf32, #tpu.memory_space<vmem>>, vector<1x528xf32>
    %get3A_24 = arith.constant 3 : index
    %get3A_25 = arith.constant 0 : index
    %get3A_26 = vector.load %arg1[%get3A_24, %get3A_25] : memref<8x528xi32, #tpu.memory_space<vmem>>, vector<1x528xi32>
    %gt3A_27 = arith.cmpf ogt, %get3A_23, %select_n3A_19 : vector<1x528xf32>
    %select_n3A_28 = arith.select %gt3A_27, %get3A_23, %select_n3A_19 : vector<1x528xi1>, vector<1x528xf32>
    %select_n3A_29 = arith.select %gt3A_27, %get3A_26, %select_n3A_20 : vector<1x528xi1>, vector<1x528xi32>
    %get3A_30 = arith.constant 4 : index
    %get3A_31 = arith.constant 0 : index
    %get3A_32 = vector.load %arg0[%get3A_30, %get3A_31] : memref<8x528xf32, #tpu.memory_space<vmem>>, vector<1x528xf32>
    %get3A_33 = arith.constant 4 : index
    %get3A_34 = arith.constant 0 : index
    %get3A_35 = vector.load %arg1[%get3A_33, %get3A_34] : memref<8x528xi32, #tpu.memory_space<vmem>>, vector<1x528xi32>
    %gt3A_36 = arith.cmpf ogt, %get3A_32, %select_n3A_28 : vector<1x528xf32>
    %select_n3A_37 = arith.select %gt3A_36, %get3A_32, %select_n3A_28 : vector<1x528xi1>, vector<1x528xf32>
    %select_n3A_38 = arith.select %gt3A_36, %get3A_35, %select_n3A_29 : vector<1x528xi1>, vector<1x528xi32>
    %get3A_39 = arith.constant 5 : index
    %get3A_40 = arith.constant 0 : index
    %get3A_41 = vector.load %arg0[%get3A_39, %get3A_40] : memref<8x528xf32, #tpu.memory_space<vmem>>, vector<1x528xf32>
    %get3A_42 = arith.constant 5 : index
    %get3A_43 = arith.constant 0 : index
    %get3A_44 = vector.load %arg1[%get3A_42, %get3A_43] : memref<8x528xi32, #tpu.memory_space<vmem>>, vector<1x528xi32>
    %gt3A_45 = arith.cmpf ogt, %get3A_41, %select_n3A_37 : vector<1x528xf32>
    %select_n3A_46 = arith.select %gt3A_45, %get3A_41, %select_n3A_37 : vector<1x528xi1>, vector<1x528xf32>
    %select_n3A_47 = arith.select %gt3A_45, %get3A_44, %select_n3A_38 : vector<1x528xi1>, vector<1x528xi32>
    %get3A_48 = arith.constant 6 : index
    %get3A_49 = arith.constant 0 : index
    %get3A_50 = vector.load %arg0[%get3A_48, %get3A_49] : memref<8x528xf32, #tpu.memory_space<vmem>>, vector<1x528xf32>
    %get3A_51 = arith.constant 6 : index
    %get3A_52 = arith.constant 0 : index
    %get3A_53 = vector.load %arg1[%get3A_51, %get3A_52] : memref<8x528xi32, #tpu.memory_space<vmem>>, vector<1x528xi32>
    %gt3A_54 = arith.cmpf ogt, %get3A_50, %select_n3A_46 : vector<1x528xf32>
    %select_n3A_55 = arith.select %gt3A_54, %get3A_50, %select_n3A_46 : vector<1x528xi1>, vector<1x528xf32>
    %select_n3A_56 = arith.select %gt3A_54, %get3A_53, %select_n3A_47 : vector<1x528xi1>, vector<1x528xi32>
    %get3A_57 = arith.constant 7 : index
    %get3A_58 = arith.constant 0 : index
    %get3A_59 = vector.load %arg0[%get3A_57, %get3A_58] : memref<8x528xf32, #tpu.memory_space<vmem>>, vector<1x528xf32>
    %get3A_60 = arith.constant 7 : index
    %get3A_61 = arith.constant 0 : index
    %get3A_62 = vector.load %arg1[%get3A_60, %get3A_61] : memref<8x528xi32, #tpu.memory_space<vmem>>, vector<1x528xi32>
    %gt3A_63 = arith.cmpf ogt, %get3A_59, %select_n3A_55 : vector<1x528xf32>
    %select_n3A_64 = arith.select %gt3A_63, %get3A_59, %select_n3A_55 : vector<1x528xi1>, vector<1x528xf32>
    %select_n3A_65 = arith.select %gt3A_63, %get3A_62, %select_n3A_56 : vector<1x528xi1>, vector<1x528xi32>
    %swap3A = arith.constant 0 : index
    %swap3A_66 = arith.constant 0 : index
    %swap3A_67 = vector.load %arg2[%swap3A, %swap3A_66] : memref<1x528xf32, #tpu.memory_space<vmem>>, vector<1x528xf32>
    tpu.vector_store %arg2[%swap3A, %swap3A_66], %select_n3A_64 {strides = array<i32>} : memref<1x528xf32, #tpu.memory_space<vmem>>, vector<1x528xf32>,
    %swap3A_68 = arith.constant 0 : index
    %swap3A_69 = arith.constant 0 : index
    %swap3A_70 = vector.load %arg3[%swap3A_68, %swap3A_69] : memref<1x528xi32, #tpu.memory_space<vmem>>, vector<1x528xi32>
    tpu.vector_store %arg3[%swap3A_68, %swap3A_69], %select_n3A_65 {strides = array<i32>} : memref<1x528xi32, #tpu.memory_space<vmem>>, vector<1x528xi32>,
    return
  }
}

</mosaic_0001>

<sc_bundles>
// kernel: kernel.5.cloned.1.call-start
scs
__scs_entry_jumppad:
0x0: {  	(pc) =	sbr.rel $0x88, $3  }
0x1: {  	(tag) =	ssettag $0x0;
	lr =	simm.s32 $0x1  }
0x2: {  	[smem:$0x3F9F] =	sst lr;
	_ =	strace $0xD0000000  }
0x3: {  	_ = 	snop  }
0x4: {  	_ = 	snop  }
0x5: {  	_ = 	snop  }
0x6: {  	_ = 	snop  }
0x7: {  	_ = 	snop  }
__scs_overlays_trampoline_lowered:
0x8: {  	[smem:$0x3FAE] =	sst s0  }
0x9: {  	[smem:$0x3FAF] =	sst s1  }
0xa: {  	[smem:$0x3FB0] =	sst s2  }
0xb: {  	[smem:$0x3FB1] =	sst s3  }
0xc: {  	[smem:$0x3FB2] =	sst s4  }
0xd: {  	[smem:$0x3FB3] =	sst s5  }
0xe: {  	[smem:$0x3FB4] =	sst s6  }
0xf: {  	[smem:$0x3FB5] =	sst s7  }
0x10: {  	[smem:$0x3FB6] =	sst s8  }
0x11: {  	[smem:$0x3FB7] =	sst s9;
	s0 =	simm.s32 @!p0 $0x0  }
0x12: {  	s1 =	sld [smem:$0x3F9D];
	s0 =	simm.s32 @p0 $0x1  }
0x13: {  	[smem:$0x3FB8] =	sst s0;
	s0 =	simm.s32 @!p1 $0x0  }
0x14: {  	s2 =	sld [smem:$0x3F9C];
	s0 =	simm.s32 @p1 $0x1  }
0x15: {  	[smem:$0x3FB9] =	sst s0;
	s0 =	simm.s32 @!p2 $0x0  }
0x16: {  	s3 =	sld [smem:$0x3FDB];
	s0 =	simm.s32 @p2 $0x1  }
0x17: {  	s4 =	simm.s32 $0x1BF5;
	[smem:$0x3FBB] =	sst s0  }
0x18: {  	s0 =	sld [smem:$0x3F9E];
	_ =	swait.ge [sflag:s4], $0x0  }
0x19: {  	s7 =	sld [smem:$0x3F9F]  }
0x1a: {  	s8 =	sadd.s32 $0xFFFFE003, lr  }
0x1b: {  	s9 =	sadd.s32 $0xFFFFFEF7, lr;
	s5 =	simm.s32 $0xFFFFFFFF;
	p2 =	slt.u32 s8, $0xFFFFF086  }
0x1c: {  	p1 =	slt.u32 s9, $0xF7A;
	s5 =	simm.s32 @!p2 $0x0  }
0x1d: {  	s5 =	simm.s32 @p1 $0x1;
	p0 =	seq.s32 s7, s2  }
0x1e: {  	s7 =	smul.u32 @!p0 $0xF7A, s2;
	p2 =	seq.s32 @!p0 s5, $0x0  }
0x1f: {  	s9 =	smul.u32 $0xF7A, s1;
	s8 =	simm.s32 @!p0 $0x1BF5;
	p2 =	por !p2, p0  }
0x20: {  	[sflag:s8] =	ssyncset.s32 @!p0 $0xFFFFF086;
	s6 =	sadd.s32 @!p0 s3, s7;
	s7 =	simm.s32 @!p0 $0x108  }
0x21: {  	s3 =	sadd.s32 s3, s9;
	s6 =	sadd.s32 @!p0 $0x88, s6;
	s7 =	simm.s32 @p2 $0x1082  }
0x22: {  	[simem:s7], [sflag:s8] =	dma.local @!p0 [hbm:s6], $0xF7A  }
0x23: {  	s9 =	sor.u32 $0xD0000000, s2;
	s6 =	simm.s32 $0x108;
	_ =	swait.ge @!p0 [sflag:s8], $0x0  }
0x24: {  	s3 =	sadd.s32 $0x88, s3;
	s6 =	simm.s32 @!p1 $0x1082;
	[sflag:s4] =	ssyncset.s32 $0xFFFFF086  }
0x25: {  	[simem:s6], [sflag:s4] =	dma.local [hbm:s3], $0xF7A  }
0x26: {  	[smem:$0x3F9F] =	sst s1;
	(tag) =	ssettag s2;
	_ =	strace s9  }
0x27: {  	s1 =	sld [smem:$0x3FAF]  }
0x28: {  	s2 =	sld [smem:$0x3FB0]  }
0x29: {  	s4 =	sld [smem:$0x3FB2]  }
0x2a: {  	p0 =	seq.s32 s5, $0x0;
	s5 =	sld [smem:$0x3FB3]  }
0x2b: {  	s6 =	sld [smem:$0x3FB4]  }
0x2c: {  	s7 =	sld [smem:$0x3FB5]  }
0x2d: {  	s3 =	simm.s32 $0x108;
	s8 =	sld [smem:$0x3FB6]  }
0x2e: {  	s3 =	simm.s32 @!p0 $0x1082;
	s9 =	sld [smem:$0x3FB7]  }
0x2f: {  	lr =	sadd.s32 s0, s3;
	s0 =	sld [smem:$0x3FAE]  }
0x30: {  	s3 =	sld [smem:$0x3FB1]  }
0x31: {  	[smem:$0x3FBA] =	sst s10  }
0x32: {  	s10 =	sld [smem:$0x3FB8];
	_ =	sdelay $0x3  }
0x33: {  	p0 =	seq.s32 s10, $0x1;
	s10 =	sld [smem:$0x3FBA];
	_ =	sdelay $0x3  }
0x34: {  	[smem:$0x3FBA] =	sst s10  }
0x35: {  	s10 =	sld [smem:$0x3FB9];
	_ =	sdelay $0x3  }
0x36: {  	p1 =	seq.s32 s10, $0x1;
	s10 =	sld [smem:$0x3FBA];
	_ =	sdelay $0x3  }
0x37: {  	[smem:$0x3FBA] =	sst s10  }
0x38: {  	s10 =	sld [smem:$0x3FBB]  }
0x39: {  	_ = 	snop;
	(pc) =	sbr.ind lr, $3  }
0x3a: {  	_ = 	snop  }
0x3b: {  	_ = 	snop  }
0x3c: {  	p2 =	seq.s32 s10, $0x1;
	s10 =	sld [smem:$0x3FBA]  }
0x3d: {  	_ =	shalt  }
0x3e: {  	_ =	shalt  }
0x3f: {  	_ =	shalt  }
0x40: {  	_ =	shalt  }
0x41: {  	_ =	shalt  }
0x42: {  	_ =	shalt  }
0x43: {  	_ =	shalt  }
0x44: {  	_ =	shalt  }
0x45: {  	_ =	shalt  }
0x46: {  	_ =	shalt  }
0x47: {  	_ =	shalt  }
0x48: {  	_ =	shalt  }
0x49: {  	_ =	shalt  }
0x4a: {  	_ =	shalt  }
0x4b: {  	_ =	shalt  }
0x4c: {  	_ =	shalt  }
0x4d: {  	_ =	shalt  }
0x4e: {  	_ =	shalt  }
0x4f: {  	_ =	shalt  }
0x50: {  	_ =	shalt  }
0x51: {  	_ =	shalt  }
0x52: {  	_ =	shalt  }
0x53: {  	_ =	shalt  }
0x54: {  	_ =	shalt  }
0x55: {  	_ =	shalt  }
0x56: {  	_ =	shalt  }
0x57: {  	_ =	shalt  }
0x58: {  	_ =	shalt  }
0x59: {  	_ =	shalt  }
0x5a: {  	_ =	shalt  }
0x5b: {  	_ =	shalt  }
0x5c: {  	_ =	shalt  }
0x5d: {  	_ =	shalt  }
0x5e: {  	_ =	shalt  }
0x5f: {  	_ =	shalt  }
0x60: {  	_ =	shalt  }
0x61: {  	_ =	shalt  }
0x62: {  	_ =	shalt  }
0x63: {  	_ =	shalt  }
0x64: {  	_ =	shalt  }
0x65: {  	_ =	shalt  }
0x66: {  	_ =	shalt  }
0x67: {  	_ =	shalt  }
0x68: {  	_ =	shalt  }
0x69: {  	_ =	shalt  }
0x6a: {  	_ =	shalt  }
0x6b: {  	_ =	shalt  }
0x6c: {  	_ =	shalt  }
0x6d: {  	_ =	shalt  }
0x6e: {  	_ =	shalt  }
0x6f: {  	_ =	shalt  }
0x70: {  	_ =	shalt  }
0x71: {  	_ =	shalt  }
0x72: {  	_ =	shalt  }
0x73: {  	_ =	shalt  }
0x74: {  	_ =	shalt  }
0x75: {  	_ =	shalt  }
0x76: {  	_ =	shalt  }
0x77: {  	_ =	shalt  }
0x78: {  	_ =	shalt  }
0x79: {  	_ =	shalt  }
0x7a: {  	_ =	shalt  }
0x7b: {  	_ =	shalt  }
0x7c: {  	_ =	shalt  }
0x7d: {  	_ =	shalt  }
0x7e: {  	_ =	shalt  }
0x7f: {  	_ =	shalt  }
0x80: {  	_ =	shalt  }
0x81: {  	_ =	shalt  }
0x82: {  	_ =	shalt  }
0x83: {  	_ =	shalt  }
0x84: {  	_ =	shalt  }
0x85: {  	_ =	shalt  }
0x86: {  	_ =	shalt  }
0x87: {  	_ =	shalt  }
.Lfunc_end0:
.L_simem_size_0:
called_computation_lowered:
.L_overlay_start_0:
0x88: {  	s2 =	sld [smem:$0x3FD9]  }
0x89: {  	s3 =	sld [smem:$0x3FFE];
	_ =	sdelay $0x1  }
0x8a: {  	s1 =	srdreg.scid  }
0x8b: {  	s0 =	sand.u32 $0x1, s1  }
0x8c: {  	s14 =	sshll.u32 s0, $0xA;
	s2 =	sadd.s32 s3, s2  }
0x8d: {  	s2 =	sadd.s32 s2, s14  }
0x8e: {  	[smem:$0x3FC6] =	sst s2  }
0x8f: {  	_ = 	snop  }
0x90: {  	s2 =	sld [smem:$0x3FD0];
	_ =	sdelay $0x2  }
0x91: {  	s15 =	simm.s32 $0xA;
	s4 =	simm.s32 $0x10  }
0x92: {  	[smem:s4], [sflag:s15] =	dma.local [hbm:s2], $0x1  }
0x93: {  	_ =	swait.eq [sflag:s15], $0x1  }
0x94: {  	[sflag:s15] =	ssyncset.done $0x0  }
0x95: {  	s16 =	sld [smem:$0x10];
	[sflag:s15] =	ssyncadd.s32 $0xFFFFFFFF  }
0x96: {  	s17 =	sld [smem:$0x11];
	(tm) =	ssettm $0x1  }
0x97: {  	s18 =	sld [smem:$0x3FFB];
	_ =	sdelay $0x3  }
0x98: {  	_ =	strace s18  }
0x99: {  	s4 =	sld [smem:$0x3FFC];
	_ =	sdelay $0x3  }
0x9a: {  	_ =	strace s4  }
0x9b: {  	s4 =	sld [smem:$0x3FFD];
	_ =	sdelay $0x3  }
0x9c: {  	_ =	strace s4  }
0x9d: {  	_ =	strace $0x8FFFFFFF  }
0x9e: {  	s19 =	sld [smem:$0x3FDB];
	_ =	sdelay $0x1  }
0x9f: {  	s5 =	simm.s32 $_scs_section_size  }
0xa0: {  	s6 =	simm.s32 $_size__tile_overlayer_lowered;
	s7 =	simm.s32 $_tile_overlayer_lowered  }
0xa1: {  	s22 =	simm.s32 $0x1BFF;
	s21 =	sshll.u32 s7, $0x1;
	s4 =	sadd.s32 s5, s19  }
0xa2: {  	s8 =	simm.s32 $0x0;
	s20 =	sshll.u32 s6, $0x1;
	s6 =	sadd.s32 s21, s4  }
0xa3: {  	[timem:s8], [sflag:s22] =	dma.local [hbm:s6], s20  }
0xa4: {  	_ =	swait.ge [sflag:s22], s20  }
0xa5: {  	s5 =	ssub.s32 $0x0, s20;
	[sflag:s22] =	ssyncset.done $0x0  }
0xa6: {  	[sflag:s22] =	ssyncadd.s32 s5;
	_ =	sdelay $0x1  }
0xa7: {  	s23 =	simm.s32 $0x1B8B  }
0xa8: {  	_ =	swait.ge [sflag:s23], $0x1  }
0xa9: {  	[sflag:s23] =	ssyncset.done $0x0  }
0xaa: {  	s25 =	simm.s32 $0x1B8E;
	s24 =	sld [smem:$0x3FFE];
	[sflag:s23] =	ssyncadd.s32 $0xFFFFFFFF  }
0xab: {  	s26 =	simm.s32 $execute0_lowered;
	[smem:$0x3FD2] =	sst s25  }
0xac: {  	s6 =	sshll.u32 s26, $0x1;
	_ =	strace $0x80000046;
	[dreg:$0x1] =	wrdreg $0xFFFFFFFF  }
0xad: {  	s28 =	simm.s32 $_size_execute0_lowered;
	s4 =	sadd.s32 s4, s6;
	[dreg:$0x0] =	wrdreg $0x0  }
0xae: {  	s6 =	sshll.u32 s28, $0x1;
	[dreg:$0x2] =	wrdreg s4  }
0xaf: {  	[dreg:$0x3] =	wrdreg s6  }
0xb0: {  	[dreg:$0x4] =	wrdreg $0xC0  }
0xb1: {  	_ =	task [dreg:s8], $0x5FFFF  }
0xb2: {  	[dreg:$0x1] =	wrdreg $0xFFFFFFFF  }
0xb3: {  	[dreg:$0x0] =	wrdreg $0x60  }
0xb4: {  	[dreg:$0x2] =	wrdreg s24  }
0xb5: {  	[dreg:$0x3] =	wrdreg s16  }
0xb6: {  	[dreg:$0x4] =	wrdreg s17  }
0xb7: {  	[dreg:$0x5] =	wrdreg $0x9  }
0xb8: {  	_ =	task.clear_ibuf [dreg:s8], $0x6FFFF;
	_ =	strace $0x90000046  }
0xb9: {  	s29 =	simm.s32 $0x9;
	_ =	strace $0x80000048  }
0xba: {  	_ =	swait.ge [sflag:s29], $0x1  }
0xbb: {  	[sflag:s29] =	ssyncadd.s32 $0xFFFFFFFF  }
0xbc: {  	_ =	strace $0x90000048  }
0xbd: {  	_ =	sfence  }
0xbe: {  	s30 =	sld [smem:$0x0];
	_ =	sdelay $0x2  }
0xbf: {  	s31 =	sshll.u32 s1, $0xD;
	s1 =	sshrl.u32 s1, $0x2  }
0xc0: {  	s3 =	sand.u32 $0x4000, s31;
	s1 =	sadd.s32 s1, s30  }
0xc1: {  	s0 =	sor.u32 s3, s0;
	s1 =	sshll.u32 s1, $0x11  }
0xc2: {  	s0 =	sor.u32 s1, s0  }
0xc3: {  	s0 =	sadd.s32 $0x8F2B, s0  }
0xc4: {  	[sflag:s0] =	ssyncadd.remote.s32 $0x1  }
0xc5: {  	_ =	sfence.sel $0xFFFF  }
0xc6: {  	[dreg:$0x0] =	wrdreg $0xFFFFFFFF;
	(pc) =	sbr.abs _section_cstart, $3  }
0xc7: {  	[dreg:$0x1] =	wrdreg $0xFFFFFFFF  }
0xc8: {  	_ =	task.clear_ibuf [dreg:s8], $0x2FFFF;
	_ =	strace $0x9FFFFFFF  }
0xc9: {  	(tm) =	ssettm $0x7FFFFFFF  }
tec
execute0_lowered:
.L_overlay_start_1:
0x0: {  	(tag) =	ssettag $0x1  }
0x1: {  	s1 =	rddreg [dreg:$0x0]  }
0x2: {  	s0 =	rddreg [dreg:$0x1]  }
0x3: {  	s2 =	rddreg [dreg:$0x2]  }
0x4: {  	s3 =	simm.s32 $0x0;
	s7 =	stileid.u32;
	s4 =	srdreg.scid  }
0x5: {  	s17 =	simm.s32 $0x90;
	s18 =	simm.s32 $0x2710;
	s20 =	simm.s32 $0x4650  }
0x6: {  	s21 =	simm.s32 $0x9470;
	s22 =	simm.s32 $0x1;
	s28 =	simm.s32 $0x5  }
0x7: {  	s30 =	simm.s32 $0x0;
	[smem:$0x7FF] =	sst s3;
	s8 =	sshrl.u32 s7, $0x1  }
0x8: {  	s5 =	sshll.u32 s7, $0x1;
	s6 =	sand.u32 $0x1, s4;
	s11 =	smul.u32 $0xBEBC20, s8  }
0x9: {  	s4 =	sadd.s32 $0x5000, s1;
	s5 =	sand.u32 $0x2, s5;
	s12 =	smul.u32 $0x9C4, s8  }
0xa: {  	s9 =	ssub.s32 $0x2, s6;
	s23 =	sor.u32 s6, s5;
	s5 =	smul.u32 $0x4E2, s8  }
0xb: {  	_ =	strace $0x80000047;
	s13 =	sshrl.u32 s9, $0x1;
	s8 =	smul.u32 $0x210, s8  }
0xc: {  	s10 =	sshll.u32 s23, $0x7;
	s9 =	ssub.s32 s9, s13;
	s24 =	sadd.s32 s1, s12  }
0xd: {  	s23 =	simm.s32 $0x3;
	s6 =	sadd.s32 $0x2500, s10;
	s7 =	sadd.s32 $0x7D, s5  }
0xe: {  	[dreg:$0x9] =	wrdreg s24;
	s8 =	sadd.s32 s8, s10;
	s12 =	sadd.s32 $0xFA, s5  }
0xf: {  	s13 =	sadd.s32 $0x177, s5;
	s16 =	smax.u32 s9, $0x1;
	s11 =	sadd.s32 s11, s6  }
0x10: {  	s14 =	smul.u32 $0x2710, s7;
	s26 =	sshll.u32 s7, $0x1;
	s8 =	sshrl.u32 s8, $0x3  }
.Ltmp0:
0x11: {  	s11 =	sshrl.u32 s11, $0x3;
	s31 =	sadd.s32 s1, s26;
	(pc) =	sbr.rel .LBB2_1-.Ltmp0, $4  }
0x12: {  	s11 =	sadd.s32 s4, s11;
	s25 =	sadd.s32 s14, s6;
	[dreg:$0xb] =	wrdreg s31  }
0x13: {  	s0 =	sadd.s32 s0, s8;
	[dreg:$0x8] =	wrdreg s11;
	s11 =	sshrl.u32 s25, $0x3  }
0x14: {  	s24 =	simm.s32 $0x2;
	[dreg:$0xc] =	wrdreg s0;
	s29 =	sadd.s32 s4, s11  }
0x15: {  	s15 =	sadd.s32 s2, s8;
	s25 =	simm.s32 $0x4;
	[dreg:$0xa] =	wrdreg s29  }
.LBB2_8:
0x16: {  	s0 =	rddreg [dreg:$0xc];
	s2 =	simm.s32 $0x9C40  }
0x17: {  	[hbm4b:s0+s3] =	stream.linear.scatter [tilespmem:s2], [sflag:$0x5], $0x90, $0x38;
	[tilespmem:$0x9D60] =	vst v63  }
0x18: {  	s30 =	sadd.s32 $0x1, s30;
	_ =	swait.ge [sflag:s28], $0x90  }
0x19: {  	p0 =	sne.s32 s30, s16;
	[sflag:s28] =	ssyncset.done $0x0  }
.Ltmp1:
0x1a: {  	s31 =	simm.s32 $0x9CD0;
	[sflag:s28] =	ssyncadd.s32 $0xFFFFFF70;
	(pc) =	sbr.rel @!p0 .LBB2_9-.Ltmp1, $4  }
0x1b: {  	[hbm4b:s15+s3] =	stream.linear.scatter [tilespmem:s31], [sflag:$0x5], $0x90, $0x38;
	[tilespmem:$0x9D60] =	vst v63  }
0x1c: {  	_ =	swait.ge [sflag:s28], $0x90  }
0x1d: {  	[sflag:s28] =	ssyncset.done $0x0  }
0x1e: {  	[sflag:s28] =	ssyncadd.s32 $0xFFFFFF70  }
.LBB2_1:
0x1f: {  	v0 =	vimm.f32 $0.0e+00  }
0x20: {  	v1 =	vimm.s32 $0x0;
	[tilespmem:$0x9C40] =	vst v0  }
0x21: {  	[tilespmem:$0x9CD0] =	vst v1  }
0x22: {  	[tilespmem:$0x9C50] =	vst v0  }
0x23: {  	[tilespmem:$0x9CE0] =	vst v1  }
0x24: {  	[tilespmem:$0x9C60] =	vst v0  }
0x25: {  	[tilespmem:$0x9CF0] =	vst v1  }
0x26: {  	[tilespmem:$0x9C70] =	vst v0  }
0x27: {  	[tilespmem:$0x9D00] =	vst v1  }
0x28: {  	[tilespmem:$0x9C80] =	vst v0  }
0x29: {  	[tilespmem:$0x9D10] =	vst v1  }
0x2a: {  	[tilespmem:$0x9C90] =	vst v0  }
0x2b: {  	[tilespmem:$0x9D20] =	vst v1  }
0x2c: {  	[tilespmem:$0x9CA0] =	vst v0  }
0x2d: {  	[tilespmem:$0x9D30] =	vst v1  }
0x2e: {  	[tilespmem:$0x9CB0] =	vst v0  }
0x2f: {  	[tilespmem:$0x9D40] =	vst v1  }
0x30: {  	[tilespmem:$0x9CC0] =	vst v0  }
0x31: {  	s0 =	rddreg [dreg:$0x8];
	[tilespmem:$0x9D50] =	vst v1  }
0x32: {  	[tilespmem:s3], [sflag:$0x1] =	stream.strided.gather [hbm4b:s0+s17], $0x4650, s18, s17, $0x38;
	[tilespmem:$0x9D60] =	vst v63  }
0x33: {  	s19 =	rddreg [dreg:$0x9];
	s2 =	simm.s32 $0x8CA0  }
0x34: {  	[tilespmem:s2], [sflag:$0x3] =	stream.linear.gather [hbm4b:s19+s3], $0x7D0, $0x38;
	[tilespmem:$0x9D60] =	vst v63  }
0x35: {  	s26 =	rddreg [dreg:$0xa]  }
0x36: {  	[tilespmem:s20], [sflag:$0x2] =	stream.strided.gather [hbm4b:s26+s17], $0x4650, s18, s17, $0x38;
	[tilespmem:$0x9D60] =	vst v63  }
0x37: {  	s29 =	rddreg [dreg:$0xb];
	s31 =	simm.s32 $0x0  }
0x38: {  	[tilespmem:s21], [sflag:$0x4] =	stream.linear.gather [hbm4b:s29+s3], $0x7D0, $0x38;
	[tilespmem:$0x9D60] =	vst v63  }
.LBB2_2:
0x39: {  	_ =	swait.ge [sflag:s22], $0x4650  }
0x3a: {  	[sflag:s22] =	ssyncset.done $0x0  }
0x3b: {  	[sflag:s22] =	ssyncadd.s32 $0xFFFFB9B0  }
0x3c: {  	_ =	swait.ge [sflag:s23], $0x7D0  }
0x3d: {  	[sflag:s23] =	ssyncset.done $0x0  }
0x3e: {  	s0 =	simm.s32 $0x8CC0;
	[sflag:s23] =	ssyncadd.s32 $0xFFFFF830  }
0x3f: {  	s2 =	simm.s32 $0x160;
	v2 =	vld [tilespmem:s0+$0x20]  }
0x40: {  	v3 =	vld [tilespmem:s2+$0xE0]  }
0x41: {  	v4 =	vld [tilespmem:s2+$0xF0]  }
0x42: {  	v5 =	vld [tilespmem:s2+$0x100]  }
0x43: {  	v6 =	vld [tilespmem:s2+$0x110]  }
0x44: {  	v7 =	vld [tilespmem:s2+$0x120]  }
0x45: {  	v8 =	vld [tilespmem:s2+$0x130]  }
0x46: {  	v9 =	vld [tilespmem:s2+$0x140]  }
0x47: {  	v10 =	vld [tilespmem:s2+$0x150]  }
0x48: {  	v11 =	vld [tilespmem:s2+$0x160]  }
0x49: {  	v12 =	vld [tilespmem:s0+$0xFFFFFFE0]  }
0x4a: {  	v13 =	vld [tilespmem:s0+$0xFFFFFFF0]  }
0x4b: {  	v14 =	vld [tilespmem:s0+$0x0]  }
0x4c: {  	v15 =	vld [tilespmem:s0+$0x10]  }
0x4d: {  	v16 =	vld [tilespmem:s2+$0xFFFFFEA0]  }
0x4e: {  	v17 =	vld [tilespmem:s2+$0xFFFFFF30]  }
0x4f: {  	v18 =	vld [tilespmem:s2+$0xFFFFFFC0]  }
0x50: {  	v19 =	vld [tilespmem:s2+$0x50]  }
0x51: {  	v29 =	vld [tilespmem:s2+$0xFFFFFEB0]  }
0x52: {  	v30 =	vld [tilespmem:s2+$0xFFFFFF40]  }
0x53: {  	v31 =	vld [tilespmem:s2+$0xFFFFFFD0]  }
0x54: {  	v32 =	vld [tilespmem:s2+$0x60];
	v27 =	vmul.f32 v3, v2;
	v28 =	vmul.f32 v4, v2  }
0x55: {  	v33 =	vld [tilespmem:s2+$0xFFFFFEC0];
	v26 =	vmul.f32 v5, v2;
	v25 =	vmul.f32 v6, v2  }
0x56: {  	v34 =	vld [tilespmem:s2+$0xFFFFFF50];
	v62 =	vmul.f32 v7, v2;
	v0 =	vmul.f32 v8, v2  }
0x57: {  	v35 =	vld [tilespmem:s2+$0xFFFFFFE0];
	v63 =	vmul.f32 v9, v2;
	v61 =	vmul.f32 v11, v2  }
0x58: {  	v36 =	vld [tilespmem:s2+$0x70];
	v8 =	vmul.f32 v17, v13;
	v11 =	vmul.f32 v18, v14  }
0x59: {  	v37 =	vld [tilespmem:s2+$0xFFFFFED0];
	v17 =	vmul.f32 v29, v12;
	v18 =	vmul.f32 v30, v13  }
0x5a: {  	v38 =	vld [tilespmem:s2+$0xFFFFFF60];
	[tilespmem:$0x1FEB0] =	vst v0;
	v0 =	vmul.f32 v10, v2;
	v2 =	vmul.f32 v16, v12  }
0x5b: {  	v39 =	vld [tilespmem:s2+$0xFFFFFFF0];
	v29 =	vmul.f32 v31, v14;
	v30 =	vmul.f32 v32, v15  }
0x5c: {  	v40 =	vld [tilespmem:s2+$0x80];
	v16 =	vmul.f32 v19, v15;
	[tilespmem:$0x1FEC0] =	vst v0;
	vm1 =	vgt.f32 v8, v2;
	v0 =	vimm.s32 $0x0  }
0x5d: {  	v41 =	vld [tilespmem:s2+$0xFFFFFEE0];
	v32 =	vmul.f32 v33, v12;
	v33 =	vmul.f32 v34, v13;
	v0 =	vsel vm1, $0xFFFFFFFF, v0  }
0x5e: {  	v42 =	vld [tilespmem:s2+$0xFFFFFF70];
	v60 =	vmul.f32 v35, v14;
	vm0 =	vgt.f32 v16, v11;
	[tilespmem:$0x1FED0] =	vst v0;
	v0 =	vimm.s32 $0x0  }
0x5f: {  	v21 =	vld [tilespmem:s2+$0xFFFFFF10];
	v36 =	vmul.f32 v36, v15;
	v37 =	vmul.f32 v37, v12;
	v0 =	vsel vm0, $0xFFFFFFFF, v0  }
0x60: {  	v43 =	vld [tilespmem:s2+$0xFFFFFF20];
	v11 =	vsel vm0, v16, v11;
	vm0 =	vgt.f32 v18, v17;
	[tilespmem:$0x1FEE0] =	vst v0;
	v0 =	vimm.s32 $0x0  }
0x61: {  	v44 =	vld [tilespmem:s2+$0xFFFFFFA0];
	v38 =	vmul.f32 v38, v13;
	v39 =	vmul.f32 v39, v14;
	v0 =	vsel vm0, $0xFFFFFFFF, v0  }
0x62: {  	v46 =	vld [tilespmem:s2+$0xB0];
	v56 =	vsel vm1, v8, v2;
	vm1 =	vgt.f32 v30, v29;
	[tilespmem:$0x1FEF0] =	vst v0;
	v0 =	vimm.s32 $0x0  }
0x63: {  	v3 =	vld [tilespmem:s2+$0x0];
	v40 =	vmul.f32 v40, v15;
	v41 =	vmul.f32 v41, v12;
	v0 =	vsel vm1, $0xFFFFFFFF, v0  }
0x64: {  	v5 =	vld [tilespmem:s2+$0xFFFFFEF0];
	v57 =	vsel vm0, v18, v17;
	vm0 =	vgt.f32 v33, v32;
	[tilespmem:$0x1FF00] =	vst v0;
	v0 =	vimm.s32 $0x0  }
0x65: {  	v4 =	vld [tilespmem:s2+$0x90];
	v42 =	vmul.f32 v42, v13;
	v35 =	vmul.f32 v21, v12;
	v0 =	vsel vm0, $0xFFFFFFFF, v0  }
0x66: {  	v19 =	vld [tilespmem:s2+$0xFFFFFF90];
	v59 =	vsel vm0, v33, v32;
	vm0 =	vgt.f32 v36, v60;
	[tilespmem:$0x1FF10] =	vst v0;
	v0 =	vimm.s32 $0x0  }
0x67: {  	v6 =	vld [tilespmem:s2+$0xFFFFFF80];
	v44 =	vmul.f32 v44, v13;
	v46 =	vmul.f32 v46, v15;
	v0 =	vsel vm0, $0xFFFFFFFF, v0  }
0x68: {  	v31 =	vld [tilespmem:s2+$0x20];
	v58 =	vsel vm1, v30, v29;
	vm1 =	vgt.f32 v38, v37;
	[tilespmem:$0x1FF20] =	vst v0;
	v0 =	vimm.s32 $0x0  }
0x69: {  	v7 =	vld [tilespmem:s2+$0x10];
	v47 =	vmul.f32 v3, v14;
	v48 =	vmul.f32 v5, v12;
	v0 =	vsel vm1, $0xFFFFFFFF, v0  }
0x6a: {  	v9 =	vld [tilespmem:s2+$0xA0];
	v60 =	vsel vm0, v36, v60;
	vm0 =	vgt.f32 v40, v39;
	[tilespmem:$0x1FF30] =	vst v0;
	v0 =	vimm.s32 $0x0  }
0x6b: {  	v45 =	vld [tilespmem:s2+$0xFFFFFFB0];
	v51 =	vmul.f32 v19, v13;
	v19 =	vmul.f32 v4, v15;
	v0 =	vsel vm0, $0xFFFFFFFF, v0  }
0x6c: {  	s0 =	smul.u32 $0xFA, s31;
	v10 =	vld [tilespmem:s2+$0xFFFFFF00];
	v32 =	vsel vm0, v40, v39;
	vm0 =	vgt.f32 v42, v41;
	[tilespmem:$0x1FF40] =	vst v0;
	v0 =	vimm.s32 $0x0  }
0x6d: {  	v22 =	vld [tilespmem:s2+$0xC0];
	v50 =	vmul.f32 v6, v13;
	v53 =	vmul.f32 v31, v14;
	v0 =	vsel vm0, $0xFFFFFFFF, v0  }
0x6e: {  	s19 =	sadd.s32 s5, s0;
	v3 =	vld [tilespmem:s2+$0x30];
	v31 =	vsel vm1, v38, v37;
	vm1 =	vgt.f32 v19, v47;
	[tilespmem:$0x1FF50] =	vst v0;
	v0 =	vimm.s32 $0x0  }
0x6f: {  	s8 =	sadd.s32 $0x2, s19;
	v5 =	vld [tilespmem:s2+$0x40];
	v23 =	vmul.f32 v7, v14;
	v52 =	vmul.f32 v9, v15;
	v0 =	vsel vm1, $0xFFFFFFFF, v0  }
0x70: {  	s11 =	sadd.s32 $0x0, s19;
	[dreg:$0x5] =	wrdreg s8;
	v6 =	vld [tilespmem:s2+$0xD0];
	v33 =	vsel vm0, v42, v41;
	vm0 =	vgt.f32 v50, v48;
	[tilespmem:$0x1FF60] =	vst v0;
	v0 =	vimm.s32 $0x0  }
0x71: {  	s9 =	rddreg [dreg:$0x5];
	v9 =	vld [tilespmem:$0x9C50];
	v29 =	vmov s11;
	v49 =	vmul.f32 v10, v12;
	v0 =	vsel vm0, $0xFFFFFFFF, v0  }
0x72: {  	s14 =	sadd.s32 $0x0, s9;
	v8 =	vld [tilespmem:$0x9C60];
	v34 =	vsel vm1, v19, v47;
	vm1 =	vgt.f32 v52, v23;
	[tilespmem:$0x1FF70] =	vst v0;
	v0 =	vimm.s32 $0x0  }
0x73: {  	v7 =	vld [tilespmem:$0x9C90];
	vm4 =	vgt.f32 v11, v56;
	v30 =	vmov s14;
	v0 =	vsel vm1, $0xFFFFFFFF, v0  }
0x74: {  	v2 =	vld [tilespmem:$0x9CC0];
	v36 =	vsel vm0, v50, v48;
	vm0 =	vgt.f32 v51, v49;
	[tilespmem:$0x1FF80] =	vst v0;
	v0 =	vimm.s32 $0x0  }
0x75: {  	v16 =	vld [tilespmem:$0x9D00];
	v12 =	vmul.f32 v43, v12;
	v13 =	vmul.f32 v45, v13;
	v0 =	vsel vm0, $0xFFFFFFFF, v0  }
0x76: {  	v10 =	vld [tilespmem:$0x9C40];
	v43 =	vmul.f32 v22, v15;
	vm9 =	vgt.f32 v46, v53;
	[tilespmem:$0x1FF90] =	vst v0;
	v0 =	vimm.s32 $0x0  }
0x77: {  	v4 =	vld [tilespmem:$0x9CA0];
	v54 =	vmul.f32 v3, v14;
	v14 =	vmul.f32 v5, v14;
	v0 =	vsel vm9, $0xFFFFFFFF, v0  }
0x78: {  	v18 =	vld [tilespmem:$0x9CE0];
	v37 =	vsel vm1, v52, v23;
	vm1 =	vgt.f32 v44, v35;
	[tilespmem:$0x1FFA0] =	vst v0;
	v0 =	vimm.s32 $0x0  }
0x79: {  	v17 =	vld [tilespmem:$0x9CF0];
	v55 =	vmul.f32 v6, v15;
	vm5 =	vgt.f32 v60, v59;
	v0 =	vsel vm1, $0xFFFFFFFF, v0  }
0x7a: {  	v6 =	vld [tilespmem:$0x9C70];
	v38 =	vsel vm0, v51, v49;
	vm0 =	vgt.f32 v43, v54;
	[tilespmem:$0x1FFB0] =	vst v0;
	v0 =	vimm.s32 $0x0  }
0x7b: {  	v5 =	vld [tilespmem:$0x9C80];
	v39 =	vsel vm9, v46, v53;
	vm3 =	vgt.f32 v32, v31;
	v0 =	vsel vm0, $0xFFFFFFFF, v0  }
0x7c: {  	v3 =	vld [tilespmem:$0x9CB0];
	v40 =	vsel vm1, v44, v35;
	vm1 =	vgt.f32 v13, v12;
	[tilespmem:$0x1FFC0] =	vst v0;
	v0 =	vimm.s32 $0x0  }
0x7d: {  	v15 =	vld [tilespmem:$0x9D10];
	v41 =	vsel vm4, v11, v56;
	v42 =	vsel vm5, v60, v59;
	v0 =	vsel vm1, $0xFFFFFFFF, v0  }
0x7e: {  	v19 =	vld [tilespmem:$0x9CD0];
	v44 =	vsel vm0, v43, v54;
	vm0 =	vgt.f32 v55, v14;
	[tilespmem:$0x1FFD0] =	vst v0;
	v0 =	vimm.s32 $0x0  }
0x7f: {  	v11 =	vld [tilespmem:$0x9D40];
	vm12 =	vgt.f32 v34, v33;
	v45 =	vsel vm1, v13, v12;
	v0 =	vsel vm0, $0xFFFFFFFF, v0  }
0x80: {  	s26 =	sor.u32 $0x1, s19;
	v13 =	vld [tilespmem:$0x9D30];
	v46 =	vsel vm0, v55, v14;
	vm0 =	vgt.f32 v58, v57;
	[tilespmem:$0x1FFE0] =	vst v0;
	v0 =	vimm.s32 $0x0  }
0x81: {  	s29 =	simm.s32 $0x0;
	s10 =	simm.s32 $0x5;
	[dreg:$0x4] =	wrdreg s26;
	vm8 =	vgt.f32 v37, v36;
	vm9 =	vgt.f32 v39, v38;
	v12 =	vld [tilespmem:$0x9D50];
	v0 =	vsel vm0, $0xFFFFFFFF, v0  }
0x82: {  	s8 =	sadd.s32 $0x3, s19;
	s26 =	sadd.s32 $0x4, s19;
	s9 =	simm.s32 $0x8D10;
	vm10 =	vgt.f32 v44, v40;
	v14 =	vld [tilespmem:$0x9D20];
	v43 =	vsel vm0, v58, v57;
	vm0 =	vgt.f32 v46, v45;
	[tilespmem:$0x1FFF0] =	vst v0  }
.LBB2_3:
0x83: {  	v0 =	vimm.s32 $0x0  }
0x84: {  	v0 =	vsel vm0, $0xFFFFFFFF, v0  }
0x85: {  	[tilespmem:$0x1FDB0] =	vst v0;
	v0 =	vimm.s32 $0x0  }
0x86: {  	v0 =	vsel vm9, $0xFFFFFFFF, v0  }
0x87: {  	[tilespmem:$0x1FD90] =	vst v0;
	v0 =	vimm.s32 $0x0  }
0x88: {  	v0 =	vsel vm10, $0xFFFFFFFF, v0  }
0x89: {  	vm1 =	vgt.f32 v27, v41;
	[tilespmem:$0x1FDA0] =	vst v0;
	v0 =	vimm.s32 $0x0  }
0x8a: {  	v0 =	vsel vm1, $0xFFFFFFFF, v0  }
0x8b: {  	v59 =	vsel vm9, v39, v38;
	vm9 =	vgt.f32 v28, v43;
	[tilespmem:$0x1FDC0] =	vst v0;
	v0 =	vimm.s32 $0x0  }
0x8c: {  	v0 =	vsel vm9, $0xFFFFFFFF, v0  }
0x8d: {  	vm15 =	vgt.f32 v26, v42;
	[tilespmem:$0x1FDD0] =	vst v0;
	v0 =	vimm.s32 $0x0  }
0x8e: {  	v31 =	vsel vm3, v32, v31;
	v1 =	vld [tilespmem:$0x1FEB0];
	v0 =	vsel vm15, $0xFFFFFFFF, v0  }
0x8f: {  	vm14 =	vgt.f32 v25, v31;
	[tilespmem:$0x1FDE0] =	vst v0;
	v0 =	vimm.s32 $0x0  }
0x90: {  	v57 =	vsel vm12, v34, v33;
	v0 =	vsel vm14, $0xFFFFFFFF, v0  }
0x91: {  	vm6 =	vgt.f32 v62, v57;
	[tilespmem:$0x1FDF0] =	vst v0;
	v0 =	vimm.s32 $0x0  }
0x92: {  	v58 =	vsel vm8, v37, v36;
	v0 =	vsel vm6, $0xFFFFFFFF, v0  }
0x93: {  	vm13 =	vgt.f32 v1, v58;
	[tilespmem:$0x1FE00] =	vst v0;
	v0 =	vimm.s32 $0x0  }
0x94: {  	v0 =	vsel vm13, $0xFFFFFFFF, v0  }
0x95: {  	vm2 =	vgt.f32 v63, v59;
	[tilespmem:$0x1FE10] =	vst v0;
	v0 =	vimm.s32 $0x0  }
0x96: {  	v0 =	vsel vm2, $0xFFFFFFFF, v0  }
0x97: {  	[tilespmem:$0x1FE20] =	vst v0;
	v0 =	vld [tilespmem:$0x1FEC0];
	_ =	sdelay $0x3  }
0x98: {  	v44 =	vsel vm10, v44, v40  }
0x99: {  	v22 =	vsel vm2, v63, v59;
	v28 =	vsel vm9, v28, v43;
	vm7 =	vgt.f32 v0, v44  }
0x9a: {  	vm2 =	vgt.f32 v28, v9;
	v23 =	vsel vm7, v0, v44;
	v0 =	vimm.s32 $0x0  }
0x9b: {  	v26 =	vsel vm15, v26, v42;
	v0 =	vsel vm2, $0xFFFFFFFF, v0  }
0x9c: {  	v27 =	vsel vm1, v27, v41;
	vm1 =	vgt.f32 v26, v8;
	[tilespmem:$0x1FE50] =	vst v0;
	v0 =	vimm.s32 $0x0  }
0x9d: {  	v24 =	vsel vm13, v1, v58;
	v0 =	vsel vm1, $0xFFFFFFFF, v0  }
0x9e: {  	v8 =	vsel vm1, v26, v8;
	vm1 =	vgt.f32 v24, v7;
	[tilespmem:$0x1FE60] =	vst v0;
	v0 =	vimm.s32 $0x0  }
0x9f: {  	v0 =	vsel vm1, $0xFFFFFFFF, v0  }
0xa0: {  	[tilespmem:$0x1FE70] =	vst v0;
	v0 =	vld [tilespmem:$0x1FED0];
	_ =	sdelay $0x4  }
0xa1: {  	v7 =	vsel vm1, v24, v7;
	vm1 =	vnez.u8 v0;
	v0 =	vld [tilespmem:$0x1FEE0];
	_ =	sdelay $0x2  }
0xa2: {  	v45 =	vsel vm0, v46, v45;
	s11 =	rddreg [dreg:$0x4]  }
0xa3: {  	vm11 =	vgt.f32 v61, v45;
	s11 =	sadd.s32 s11, s29  }
0xa4: {  	v60 =	vsel vm11, v61, v45;
	v61 =	vsel vm1, s11, v29;
	vm1 =	vnez.u8 v0;
	v0 =	vld [tilespmem:$0x1FEF0];
	_ =	sdelay $0x3  }
0xa5: {  	s14 =	sadd.s32 s8, s29  }
0xa6: {  	v21 =	vsel vm6, v62, v57;
	v62 =	vsel vm1, s14, v30;
	vm1 =	vnez.u8 v0;
	v0 =	vld [tilespmem:$0x1FF00];
	_ =	sdelay $0x4  }
0xa7: {  	v63 =	vsel vm1, s11, v29;
	vm1 =	vnez.u8 v0;
	v0 =	vld [tilespmem:$0x1FF10];
	_ =	sdelay $0x4  }
0xa8: {  	v24 =	vsel vm1, s14, v30;
	vm1 =	vnez.u8 v0;
	v0 =	vld [tilespmem:$0x1FF20];
	_ =	sdelay $0x2  }
0xa9: {  	v25 =	vsel vm14, v25, v31  }
0xaa: {  	vm10 =	vgt.f32 v25, v6  }
0xab: {  	v6 =	vsel vm10, v25, v6;
	v25 =	vsel vm1, s11, v29;
	vm1 =	vnez.u8 v0;
	v0 =	vld [tilespmem:$0x1FF30];
	_ =	sdelay $0x4  }
0xac: {  	v26 =	vsel vm1, s14, v30;
	vm1 =	vnez.u8 v0;
	v0 =	vld [tilespmem:$0x1FF40];
	_ =	sdelay $0x3  }
0xad: {  	vm15 =	vgt.f32 v27, v10  }
0xae: {  	v10 =	vsel vm15, v27, v10;
	v27 =	vsel vm1, s11, v29;
	vm1 =	vnez.u8 v0;
	v0 =	vld [tilespmem:$0x1FF50];
	_ =	sdelay $0x4  }
0xaf: {  	v9 =	vsel vm2, v28, v9;
	v28 =	vsel vm1, s14, v30;
	vm1 =	vnez.u8 v0;
	v0 =	vld [tilespmem:$0x1FF60];
	_ =	sdelay $0x4  }
0xb0: {  	v47 =	vsel vm1, s11, v29;
	vm1 =	vnez.u8 v0;
	v0 =	vld [tilespmem:$0x1FF70];
	_ =	sdelay $0x4  }
0xb1: {  	v49 =	vsel vm1, s14, v30;
	vm1 =	vnez.u8 v0;
	v0 =	vld [tilespmem:$0x1FF80];
	_ =	sdelay $0x4  }
0xb2: {  	v50 =	vsel vm1, s11, v29;
	vm1 =	vnez.u8 v0;
	v0 =	vld [tilespmem:$0x1FF90];
	_ =	sdelay $0x4  }
0xb3: {  	v51 =	vsel vm1, s14, v30;
	vm1 =	vnez.u8 v0;
	v0 =	vld [tilespmem:$0x1FFA0];
	_ =	sdelay $0x4  }
0xb4: {  	v53 =	vsel vm1, s11, v29;
	vm1 =	vnez.u8 v0;
	v0 =	vld [tilespmem:$0x1FFB0];
	_ =	sdelay $0x4  }
0xb5: {  	v54 =	vsel vm1, s14, v30;
	vm1 =	vnez.u8 v0;
	v0 =	vld [tilespmem:$0x1FFC0];
	_ =	sdelay $0x4  }
0xb6: {  	vm13 =	vnez.u8 v0;
	v0 =	vld [tilespmem:$0x1FFD0];
	_ =	sdelay $0x4  }
0xb7: {  	v55 =	vsel vm1, s11, v29;
	vm1 =	vnez.u8 v0;
	v0 =	vld [tilespmem:$0x1FFE0];
	_ =	sdelay $0x4  }
0xb8: {  	v29 =	vsel vm1, s11, v29;
	vm1 =	vnez.u8 v0;
	v0 =	vld [tilespmem:$0x1FFF0];
	_ =	sdelay $0x4  }
0xb9: {  	v57 =	vsel vm13, s14, v30;
	v30 =	vsel vm1, s14, v30;
	vm1 =	vnez.u8 v0;
	v0 =	vld [tilespmem:$0x1FD90];
	_ =	sdelay $0x2  }
0xba: {  	vm6 =	vgt.f32 v21, v5  }
0xbb: {  	v5 =	vsel vm6, v21, v5  }
0xbc: {  	v21 =	vsel vm4, v62, v61;
	v61 =	vsel vm1, v24, v63;
	vm1 =	vnez.u8 v0;
	v0 =	vld [tilespmem:$0x1FDA0];
	_ =	sdelay $0x4  }
0xbd: {  	v24 =	vsel vm3, v28, v27;
	v27 =	vsel vm1, v54, v53;
	vm1 =	vnez.u8 v0;
	v0 =	vld [tilespmem:$0x1FDB0];
	_ =	sdelay $0x4  }
0xbe: {  	v28 =	vsel vm1, v57, v55;
	vm1 =	vnez.u8 v0;
	v0 =	vld [tilespmem:$0x1FDC0];
	_ =	sdelay $0x4  }
0xbf: {  	v29 =	vsel vm1, v30, v29;
	vm1 =	vnez.u8 v0;
	v0 =	vld [tilespmem:$0x1FDD0];
	_ =	sdelay $0x3  }
0xc0: {  	s14 =	sadd.s32 s26, s29  }
0xc1: {  	v21 =	vsel vm1, s14, v21;
	vm1 =	vnez.u8 v0;
	v0 =	vld [tilespmem:$0x1FDE0];
	_ =	sdelay $0x3  }
0xc2: {  	v35 =	vld [tilespmem:s9+$0x20];
	vm2 =	vgt.f32 v22, v4  }
0xc3: {  	v4 =	vsel vm2, v22, v4;
	v22 =	vsel vm1, s14, v61;
	vm1 =	vnez.u8 v0;
	v0 =	vld [tilespmem:$0x1FDF0]  }
0xc4: {  	v20 =	vimm.s32 $0x0;
	v32 =	vld [tilespmem:s9+$0xFFFFFFF0]  }
0xc5: {  	v33 =	vld [tilespmem:s9+$0x0];
	v20 =	vsel vm7, $0xFFFFFFFF, v20  }
0xc6: {  	s2 =	sadd.s32 $0x2D0, s2;
	v34 =	vld [tilespmem:s9+$0x10];
	[tilespmem:$0x1FE30] =	vst v20;
	v20 =	vimm.s32 $0x0  }
0xc7: {  	v36 =	vld [tilespmem:s2+$0xE0];
	v20 =	vsel vm11, $0xFFFFFFFF, v20;
	vm11 =	vgt.f32 v23, v3;
	v62 =	vsel vm5, v26, v25  }
0xc8: {  	v3 =	vsel vm11, v23, v3;
	v23 =	vsel vm1, s14, v62;
	vm1 =	vnez.u8 v0;
	v0 =	vld [tilespmem:$0x1FE00]  }
0xc9: {  	v37 =	vld [tilespmem:s2+$0xF0]  }
0xca: {  	v38 =	vld [tilespmem:s2+$0x100]  }
0xcb: {  	v39 =	vld [tilespmem:s2+$0x110]  }
0xcc: {  	v40 =	vld [tilespmem:s2+$0x120]  }
0xcd: {  	v24 =	vsel vm1, s14, v24;
	vm1 =	vnez.u8 v0;
	v0 =	vld [tilespmem:$0x1FE10]  }
0xce: {  	v41 =	vld [tilespmem:s2+$0x130]  }
0xcf: {  	v48 =	vld [tilespmem:s2+$0x50]  }
0xd0: {  	v52 =	vld [tilespmem:s2+$0xFFFFFEB0]  }
0xd1: {  	v56 =	vld [tilespmem:s2+$0xFFFFFF40];
	v25 =	vsel vm12, v49, v47  }
0xd2: {  	v25 =	vsel vm1, s14, v25;
	vm1 =	vnez.u8 v0;
	v0 =	vld [tilespmem:$0x1FE20]  }
0xd3: {  	v31 =	vld [tilespmem:s9+$0xFFFFFFE0]  }
0xd4: {  	v45 =	vld [tilespmem:s2+$0xFFFFFF30]  }
0xd5: {  	v59 =	vld [tilespmem:s2+$0x60];
	vm0 =	vgt.f32 v60, v2  }
0xd6: {  	v2 =	vsel vm0, v60, v2;
	v60 =	vld [tilespmem:s2+$0xFFFFFFC0];
	v26 =	vsel vm8, v51, v50  }
0xd7: {  	v26 =	vsel vm1, s14, v26;
	vm1 =	vnez.u8 v0;
	v0 =	vld [tilespmem:$0x1FE30]  }
0xd8: {  	v1 =	vld [tilespmem:s2+$0xFFFFFF20]  }
0xd9: {  	v46 =	vmul.f32 v52, v31;
	v52 =	vld [tilespmem:s2+$0xFFFFFF90]  }
0xda: {  	v44 =	vld [tilespmem:s2+$0x160]  }
0xdb: {  	[tilespmem:$0x1FE40] =	vst v20;
	v49 =	vld [tilespmem:s2+$0xFFFFFFE0]  }
0xdc: {  	v27 =	vsel vm1, s14, v27;
	vm1 =	vnez.u8 v0;
	v0 =	vld [tilespmem:$0x1FE40]  }
0xdd: {  	v50 =	vld [tilespmem:s2+$0x70]  }
0xde: {  	v51 =	vld [tilespmem:s2+$0xFFFFFED0]  }
0xdf: {  	v63 =	vld [tilespmem:s2+$0xFFFFFEC0]  }
0xe0: {  	v53 =	vld [tilespmem:s2+$0xFFFFFF60]  }
0xe1: {  	v28 =	vsel vm1, s14, v28;
	vm1 =	vnez.u8 v0;
	v0 =	vld [tilespmem:$0x1FE50]  }
0xe2: {  	v54 =	vld [tilespmem:s2+$0xFFFFFFF0]  }
0xe3: {  	v55 =	vld [tilespmem:s2+$0xFFFFFEE0]  }
0xe4: {  	v57 =	vld [tilespmem:s2+$0xFFFFFF70]  }
0xe5: {  	v1 =	vmul.f32 v1, v31;
	v61 =	vld [tilespmem:s2+$0xFFFFFF10]  }
0xe6: {  	v52 =	vmul.f32 v52, v32;
	v29 =	vsel vm1, s14, v29;
	vm1 =	vnez.u8 v0;
	v0 =	vld [tilespmem:$0x1FE60]  }
0xe7: {  	v49 =	vmul.f32 v49, v33;
	v50 =	vmul.f32 v50, v34;
	v62 =	vld [tilespmem:s2+$0xFFFFFFA0]  }
0xe8: {  	v42 =	vld [tilespmem:s2+$0x140];
	v51 =	vmul.f32 v51, v31;
	v53 =	vmul.f32 v53, v32  }
0xe9: {  	v58 =	vld [tilespmem:s2+$0xFFFFFFD0];
	v47 =	vmul.f32 v63, v31;
	v54 =	vmul.f32 v54, v33  }
0xea: {  	v43 =	vld [tilespmem:s2+$0xFFFFFEA0];
	vm5 =	vgt.f32 v53, v51;
	v55 =	vmul.f32 v55, v31;
	v57 =	vmul.f32 v57, v32  }
0xeb: {  	v61 =	vmul.f32 v61, v31;
	v18 =	vsel vm1, v22, v18;
	vm1 =	vnez.u8 v0;
	v0 =	vld [tilespmem:$0x1FE70]  }
0xec: {  	v20 =	vld [tilespmem:s2+$0x150];
	v62 =	vmul.f32 v62, v32;
	v15 =	vsel vm6, v25, v15;
	v25 =	vmul.f32 v44, v35  }
0xed: {  	v30 =	vld [tilespmem:s2+$0xFFFFFF50];
	vm7 =	vgt.f32 v57, v55;
	v44 =	vmul.f32 v48, v34;
	v48 =	vmul.f32 v56, v32  }
0xee: {  	v56 =	vmul.f32 v58, v33;
	v58 =	vmul.f32 v59, v34;
	v59 =	vld [tilespmem:s2+$0x20];
	v11 =	vsel vm11, v28, v11  }
0xef: {  	v13 =	vsel vm2, v27, v13;
	v27 =	vmul.f32 v42, v35;
	v42 =	vld [tilespmem:s2+$0xA0];
	[tilespmem:$0x1FE90] =	vst v11;
	v11 =	vsel vm0, v29, v12  }
0xf0: {  	v29 =	vld [tilespmem:s2+$0x80];
	v17 =	vsel vm1, v23, v17;
	vm1 =	vnez.u8 v0;
	v0 =	vmul.f32 v37, v35  }
0xf1: {  	v19 =	vsel vm15, v21, v19;
	v16 =	vsel vm10, v24, v16;
	v12 =	vmul.f32 v36, v35;
	v36 =	vld [tilespmem:s2+$0x0]  }
0xf2: {  	v21 =	vld [tilespmem:s2+$0x90];
	vm9 =	vgt.f32 v62, v61;
	vm3 =	vgt.f32 v58, v56;
	[tilespmem:$0x1FEA0] =	vst v0;
	v0 =	vmul.f32 v38, v35  }
0xf3: {  	vm4 =	vgt.f32 v48, v46;
	v56 =	vsel vm3, v58, v56;
	v59 =	vmul.f32 v59, v33;
	v22 =	vld [tilespmem:s2+$0xFFFFFEF0]  }
0xf4: {  	v58 =	vimm.s32 $0x0;
	[tilespmem:$0x1FE80] =	vst v0;
	v0 =	vmul.f32 v41, v35;
	v41 =	vmul.f32 v45, v32;
	v45 =	vld [tilespmem:s2+$0xFFFFFF00]  }
0xf5: {  	v28 =	vmul.f32 v39, v35;
	vm0 =	vgt.f32 v50, v49;
	v63 =	vmul.f32 v29, v34;
	v29 =	vld [tilespmem:s2+$0x30]  }
0xf6: {  	v42 =	vmul.f32 v42, v34;
	v49 =	vsel vm0, v50, v49;
	v36 =	vmul.f32 v36, v33;
	v23 =	vld [tilespmem:s2+$0xFFFFFF80]  }
0xf7: {  	v37 =	vmul.f32 v21, v34;
	v21 =	vld [tilespmem:s2+$0x40];
	v14 =	vsel vm1, v26, v14;
	v26 =	vmul.f32 v40, v35  }
0xf8: {  	vm11 =	vgt.f32 v63, v54;
	v40 =	vld [tilespmem:s2+$0x10];
	v38 =	vmul.f32 v22, v31;
	[tilespmem:$0x1FEB0] =	vst v0;
	v0 =	vmul.f32 v20, v35  }
0xf9: {  	s14 =	sadd.s32 s19, s10;
	v22 =	vld [tilespmem:s2+$0xD0];
	v35 =	vmul.f32 v43, v31;
	v45 =	vmul.f32 v45, v31;
	v31 =	vimm.s32 $0x0  }
0xfa: {  	v24 =	vmul.f32 v29, v33;
	v29 =	vmov s14;
	v31 =	vsel vm7, $0xFFFFFFFF, v31  }
0xfb: {  	v39 =	vmul.f32 v23, v32;
	vm7 =	vgt.f32 v37, v36;
	[tilespmem:$0x1FF50] =	vst v31;
	v31 =	vimm.s32 $0x0  }
0xfc: {  	v21 =	vmul.f32 v21, v33;
	v43 =	vmul.f32 v60, v33;
	v20 =	vld [tilespmem:s2+$0xFFFFFFB0];
	v31 =	vsel vm7, $0xFFFFFFFF, v31  }
0xfd: {  	v60 =	vmul.f32 v30, v32;
	vm2 =	vgt.f32 v41, v35;
	[tilespmem:$0x1FF60] =	vst v31;
	v31 =	vimm.s32 $0x0  }
0xfe: {  	v40 =	vmul.f32 v40, v33;
	v22 =	vmul.f32 v22, v34;
	[tilespmem:$0x1FEC0] =	vst v0;
	v31 =	vsel vm2, $0xFFFFFFFF, v31  }
0xff: {  	v0 =	vld [tilespmem:s2+$0xC0];
	vm6 =	vgt.f32 v44, v43;
	vm1 =	vgt.f32 v60, v47;
	[tilespmem:$0x1FED0] =	vst v31;
	v31 =	vimm.s32 $0x0  }
0x100: {  	vm8 =	vgt.f32 v42, v40;
	vm12 =	vgt.f32 v22, v21;
	v31 =	vsel vm6, $0xFFFFFFFF, v31  }
0x101: {  	v20 =	vmul.f32 v20, v32;
	v32 =	vsel vm11, $0xFFFFFFFF, v58;
	[tilespmem:$0x1FEE0] =	vst v31;
	v31 =	vimm.s32 $0x0  }
0x102: {  	v35 =	vsel vm2, v41, v35;
	v41 =	vsel vm6, v44, v43;
	[tilespmem:$0x1FF40] =	vst v32;
	v31 =	vsel vm4, $0xFFFFFFFF, v31  }
0x103: {  	v32 =	vsel vm11, v63, v54;
	v63 =	vmovc v27;
	v27 =	vmovc v12;
	v12 =	vmov v11;
	v11 =	vld [tilespmem:$0x1FF50];
	[tilespmem:$0x1FEF0] =	vst v31;
	v31 =	vimm.s32 $0x0  }
0x104: {  	v30 =	vld [tilespmem:s2+$0xB0];
	v43 =	vsel vm4, v48, v46;
	v0 =	vmul.f32 v0, v34;
	v31 =	vsel vm3, $0xFFFFFFFF, v31  }
0x105: {  	v47 =	vsel vm1, v60, v47;
	v60 =	vimm.s32 $0x0;
	[tilespmem:$0x1FF00] =	vst v31;
	v31 =	vimm.s32 $0x0  }
0x106: {  	v46 =	vsel vm12, v22, v21;
	vm10 =	vgt.f32 v0, v24;
	v31 =	vsel vm1, $0xFFFFFFFF, v31  }
0x107: {  	s11 =	rddreg [dreg:$0x5];
	vm13 =	vgt.f32 v20, v1;
	v44 =	vsel vm10, v0, v24;
	[tilespmem:$0x1FF10] =	vst v31;
	v31 =	vimm.s32 $0x0  }
0x108: {  	s11 =	sadd.s32 s11, s10;
	v0 =	vimm.s32 $0x0;
	v31 =	vsel vm0, $0xFFFFFFFF, v31;
	vm0 =	vnez.u8 v11;
	v11 =	vld [tilespmem:$0x1FF60]  }
0x109: {  	v23 =	vmul.f32 v30, v34;
	v30 =	vmov s11;
	v0 =	vsel vm13, $0xFFFFFFFF, v0  }
0x10a: {  	vm14 =	vgt.f32 v52, v45;
	vm7 =	vgt.f32 v39, v38;
	[tilespmem:$0x1FFD0] =	vst v0;
	v0 =	vimm.s32 $0x0  }
0x10b: {  	vm15 =	vgt.f32 v23, v59;
	vm4 =	vgt.f32 v41, v35;
	v0 =	vsel vm12, $0xFFFFFFFF, v0  }
0x10c: {  	v41 =	vsel vm4, v41, v35;
	[tilespmem:$0x1FFE0] =	vst v0;
	v0 =	vimm.s32 $0x0;
	vm1 =	vgt.f32 v56, v43  }
0x10d: {  	v33 =	vsel vm0, v57, v55;
	vm0 =	vnez.u8 v11;
	v11 =	vimm.s32 $0x0  }
0x10e: {  	v0 =	vsel vm1, $0xFFFFFFFF, v0;
	[tilespmem:$0x1FF20] =	vst v31;
	v31 =	vimm.s32 $0x0;
	v11 =	vsel vm7, $0xFFFFFFFF, v11  }
0x10f: {  	v43 =	vsel vm1, v56, v43;
	v31 =	vsel vm5, $0xFFFFFFFF, v31;
	[tilespmem:$0x1FF70] =	vst v11;
	v11 =	vimm.s32 $0x0  }
0x110: {  	[tilespmem:$0x1FF30] =	vst v31;
	v31 =	vsel vm5, v53, v51;
	vm5 =	vgt.f32 v49, v47;
	v11 =	vsel vm8, $0xFFFFFFFF, v11  }
0x111: {  	vm3 =	vgt.f32 v32, v31;
	v34 =	vsel vm0, v37, v36;
	[tilespmem:$0x1FF80] =	vst v11;
	v11 =	vimm.s32 $0x0  }
0x112: {  	p0 =	sne.s32 s10, $0x78;
	v36 =	vsel vm7, v39, v38;
	v37 =	vsel vm8, v42, v40;
	v11 =	vsel vm14, $0xFFFFFFFF, v11  }
.Ltmp2:
0x113: {  	v38 =	vsel vm14, v52, v45;
	v39 =	vsel vm15, v23, v59;
	[tilespmem:$0x1FF90] =	vst v11;
	v11 =	vimm.s32 $0x0;
	(pc) =	sbr.rel @p0 .LBB2_3-.Ltmp2, $4  }
0x114: {  	[tilespmem:$0x1FFF0] =	vst v0;
	v40 =	vsel vm9, v62, v61;
	v23 =	vsel vm10, $0xFFFFFFFF, v60;
	v11 =	vsel vm15, $0xFFFFFFFF, v11  }
0x115: {  	v62 =	vmovc v26;
	v26 =	vld [tilespmem:$0x1FE80];
	v61 =	vmovc v25;
	v45 =	vsel vm13, v20, v1;
	v42 =	vsel vm5, v49, v47;
	[tilespmem:$0x1FFA0] =	vst v11;
	v11 =	vimm.s32 $0x0  }
0x116: {  	v25 =	vmovc v28;
	v28 =	vld [tilespmem:$0x1FEA0];
	[tilespmem:$0x1FFC0] =	vst v23;
	vm12 =	vgt.f32 v34, v33;
	vm10 =	vgt.f32 v44, v40;
	v11 =	vsel vm9, $0xFFFFFFFF, v11  }
0x117: {  	s9 =	sadd.s32 $0x50, s9;
	s29 =	smov.u32 s10;
	s10 =	sadd.s32 $0x5, s10;
	vm0 =	vgt.f32 v46, v45;
	vm8 =	vgt.f32 v37, v36;
	vm9 =	vgt.f32 v39, v38;
	[tilespmem:$0x1FFB0] =	vst v11;
	v11 =	vld [tilespmem:$0x1FE90]  }
0x118: {  	v0 =	vld [tilespmem:$0x1FED0]  }
0x119: {  	v1 =	vld [tilespmem:$0x1FEE0]  }
0x11a: {  	v20 =	vld [tilespmem:$0x1FEF0]  }
0x11b: {  	v21 =	vld [tilespmem:$0x1FF00]  }
0x11c: {  	s2 =	rddreg [dreg:$0x4];
	v22 =	vld [tilespmem:$0x1FF10]  }
0x11d: {  	v23 =	vld [tilespmem:$0x1FF20];
	s2 =	sadd.s32 s2, s29;
	vm1 =	vnez.u8 v0  }
0x11e: {  	s8 =	sadd.s32 s8, s29;
	v24 =	vld [tilespmem:$0x1FF30];
	v0 =	vsel vm1, s2, v29;
	vm1 =	vnez.u8 v1  }
0x11f: {  	v35 =	vld [tilespmem:$0x1FF40];
	v1 =	vsel vm1, s8, v30;
	vm1 =	vnez.u8 v20  }
0x120: {  	v47 =	vld [tilespmem:$0x1FF50];
	v20 =	vsel vm1, s2, v29;
	vm1 =	vnez.u8 v21  }
0x121: {  	v0 =	vsel vm4, v1, v0;
	v1 =	vld [tilespmem:$0x1FF60];
	v21 =	vsel vm1, s8, v30;
	vm1 =	vnez.u8 v22  }
0x122: {  	v52 =	vld [tilespmem:$0x1FFF0];
	v22 =	vsel vm1, s2, v29;
	vm1 =	vnez.u8 v23  }
0x123: {  	v23 =	vsel vm1, s8, v30;
	vm1 =	vnez.u8 v24  }
0x124: {  	v24 =	vsel vm1, s2, v29;
	vm1 =	vnez.u8 v35  }
0x125: {  	v35 =	vsel vm1, s8, v30;
	vm1 =	vnez.u8 v47  }
0x126: {  	v47 =	vsel vm1, s2, v29;
	vm1 =	vnez.u8 v1  }
0x127: {  	v22 =	vsel vm5, v23, v22;
	v23 =	vld [tilespmem:$0x1FF80];
	v1 =	vsel vm1, s8, v30;
	vm1 =	vnez.u8 v52  }
0x128: {  	v20 =	vsel vm1, v21, v20;
	v21 =	vld [tilespmem:$0x1FF70]  }
0x129: {  	v31 =	vsel vm3, v32, v31;
	v60 =	vsel vm12, v34, v33  }
0x12a: {  	vm7 =	vmmov vm10;
	v50 =	vsel vm10, v44, v40;
	v51 =	vsel vm0, v46, v45  }
0x12b: {  	vm10 =	vmmov vm0;
	vm0 =	vgt.f32 v27, v41;
	s9 =	sadd.s32 s26, s29;
	vm2 =	vgt.f32 v26, v42  }
0x12c: {  	v26 =	vsel vm2, v26, v42;
	v0 =	vsel vm0, s9, v0;
	vm5 =	vgt.f32 v25, v31  }
0x12d: {  	v22 =	vsel vm2, s9, v22;
	vm4 =	vnez.u8 v23;
	vm1 =	vnez.u8 v21  }
0x12e: {  	v24 =	vsel vm3, v35, v24;
	v23 =	vsel vm4, s8, v30;
	v21 =	vsel vm1, s2, v29  }
0x12f: {  	vm1 =	vgt.f32 v28, v43;
	v21 =	vsel vm8, v23, v21;
	v23 =	vsel vm0, v27, v41  }
0x130: {  	vm4 =	vgt.f32 v62, v60;
	v27 =	vsel vm1, v28, v43;
	vm0 =	vgt.f32 v23, v10  }
0x131: {  	v20 =	vsel vm1, s9, v20;
	v28 =	vmovc v25;
	vm6 =	vgt.f32 v27, v9;
	v10 =	vsel vm0, v23, v10  }
0x132: {  	v0 =	vsel vm0, v0, v19;
	v9 =	vsel vm6, v27, v9;
	v18 =	vsel vm6, v20, v18;
	[tilespmem:$0x9C40] =	vst v10  }
0x133: {  	vm6 =	vgt.f32 v26, v8;
	v10 =	vsel vm5, v28, v31;
	[tilespmem:$0x9CD0] =	vst v0;
	v0 =	vsel vm4, v62, v60  }
0x134: {  	v8 =	vsel vm6, v26, v8;
	v17 =	vsel vm6, v22, v17;
	vm6 =	vgt.f32 v10, v6  }
0x135: {  	v53 =	vld [tilespmem:$0x1FEB0];
	v6 =	vsel vm6, v10, v6;
	v10 =	vsel vm5, s9, v24;
	vm5 =	vgt.f32 v0, v5  }
0x136: {  	v0 =	vsel vm5, v0, v5  }
0x137: {  	[tilespmem:$0x9C80] =	vst v0;
	v0 =	vld [tilespmem:$0x1FF90]  }
0x138: {  	[tilespmem:$0x9C70] =	vst v6;
	v6 =	vld [tilespmem:$0x1FFA0]  }
0x139: {  	v48 =	vsel vm8, v37, v36  }
0x13a: {  	vm3 =	vgt.f32 v53, v48  }
0x13b: {  	[tilespmem:$0x9C50] =	vst v9;
	v9 =	vsel vm3, v53, v48  }
0x13c: {  	v10 =	vsel vm6, v10, v16;
	vm6 =	vgt.f32 v9, v7;
	vm2 =	vnez.u8 v0  }
0x13d: {  	v5 =	vsel vm6, v9, v7;
	v0 =	vsel vm2, s2, v29;
	vm2 =	vnez.u8 v6  }
0x13e: {  	[tilespmem:$0x9C90] =	vst v5;
	v5 =	vld [tilespmem:$0x1FFB0];
	v6 =	vsel vm2, s8, v30  }
0x13f: {  	v49 =	vsel vm9, v39, v38;
	v0 =	vsel vm9, v6, v0;
	v6 =	vld [tilespmem:$0x1FFC0]  }
0x140: {  	vm8 =	vgt.f32 v63, v49  }
0x141: {  	v1 =	vsel vm12, v1, v47;
	v19 =	vsel vm8, v63, v49  }
0x142: {  	v1 =	vsel vm4, s9, v1;
	v25 =	vld [tilespmem:$0x1FEC0];
	vm4 =	vgt.f32 v19, v4  }
0x143: {  	v1 =	vsel vm5, v1, v15;
	v7 =	vsel vm3, s9, v21;
	vm3 =	vnez.u8 v5  }
0x144: {  	[tilespmem:$0x9D10] =	vst v1;
	v1 =	vsel vm4, v19, v4;
	v5 =	vsel vm3, s2, v29;
	vm3 =	vnez.u8 v6  }
0x145: {  	v4 =	vsel vm6, v7, v14;
	[tilespmem:$0x9CA0] =	vst v1;
	v1 =	vld [tilespmem:$0x1FFD0];
	v6 =	vsel vm3, s8, v30  }
0x146: {  	[tilespmem:$0x9D20] =	vst v4;
	v4 =	vsel vm7, v6, v5;
	v5 =	vld [tilespmem:$0x1FFE0]  }
0x147: {  	vm1 =	vgt.f32 v25, v50  }
0x148: {  	vm0 =	vgt.f32 v61, v51;
	[tilespmem:$0x9CE0] =	vst v18;
	v18 =	vsel vm1, v25, v50  }
0x149: {  	[tilespmem:$0x9C60] =	vst v8;
	v8 =	vsel vm0, v61, v51;
	vm5 =	vgt.f32 v18, v3  }
0x14a: {  	p0 =	seq.s32 s31, $0x4;
	[tilespmem:$0x9CF0] =	vst v17;
	v3 =	vsel vm5, v18, v3;
	vm2 =	vnez.u8 v1;
	v0 =	vsel vm8, s9, v0  }
0x14b: {  	s10 =	sadd.s32 @!p0 s0, s12;
	[tilespmem:$0x9D00] =	vst v10;
	v1 =	vsel vm2, s2, v29;
	v0 =	vsel vm4, v0, v13;
	vm2 =	vnez.u8 v5  }
0x14c: {  	s11 =	smul.u32 @!p0 $0x2710, s10;
	[tilespmem:$0x9CB0] =	vst v3;
	v4 =	vsel vm1, s9, v4;
	vm1 =	vgt.f32 v8, v2;
	v5 =	vsel vm2, s8, v30  }
0x14d: {  	[tilespmem:$0x9D30] =	vst v0;
	v2 =	vsel vm1, v8, v2;
	v0 =	vsel vm10, v5, v1  }
0x14e: {  	s2 =	sadd.s32 @!p0 s6, s11;
	[tilespmem:$0x9CC0] =	vst v2;
	v1 =	vsel vm5, v4, v11;
	v0 =	vsel vm0, s9, v0  }
0x14f: {  	s11 =	simm.s32 @!p0 $0x0;
	s2 =	sshrl.u32 @!p0 s2, $0x3;
	[tilespmem:$0x9D40] =	vst v1;
	v0 =	vsel vm1, v0, v12  }
0x150: {  	s2 =	sadd.s32 @!p0 s4, s2;
	s8 =	simm.s32 @!p0 $0x90;
	s9 =	simm.s32 @!p0 $0x2710;
	[tilespmem:$0x9D50] =	vst v0  }
0x151: {  	[tilespmem:s11], [sflag:$0x1] =	stream.strided.gather @!p0 [hbm4b:s2+s8], $0x4650, s9, s8, $0x38;
	[tilespmem:$0x9D60] =	vst v63  }
0x152: {  	s2 =	sshll.u32 @!p0 s10, $0x1  }
0x153: {  	s8 =	simm.s32 @!p0 $0x8CA0;
	s2 =	sadd.s32 @!p0 s1, s2  }
0x154: {  	[tilespmem:s8], [sflag:$0x3] =	stream.linear.gather @!p0 [hbm4b:s2+s11], $0x7D0, $0x38;
	[tilespmem:$0x9D60] =	vst v63  }
0x155: {  	_ =	swait.ge [sflag:s24], $0x4650  }
0x156: {  	[sflag:s24] =	ssyncset.done $0x0  }
0x157: {  	[sflag:s24] =	ssyncadd.s32 $0xFFFFB9B0  }
0x158: {  	_ =	swait.ge [sflag:s25], $0x7D0  }
0x159: {  	[sflag:s25] =	ssyncset.done $0x0  }
0x15a: {  	s26 =	simm.s32 $0x9490;
	[sflag:s25] =	ssyncadd.s32 $0xFFFFF830  }
0x15b: {  	s2 =	simm.s32 $0x47B0;
	v0 =	vld [tilespmem:s26+$0x20]  }
0x15c: {  	v1 =	vld [tilespmem:s2+$0xE0]  }
0x15d: {  	v2 =	vld [tilespmem:s2+$0xF0]  }
0x15e: {  	v3 =	vld [tilespmem:s2+$0x100]  }
0x15f: {  	v4 =	vld [tilespmem:s2+$0x110]  }
0x160: {  	v5 =	vld [tilespmem:s2+$0x120]  }
0x161: {  	v6 =	vld [tilespmem:s2+$0x130]  }
0x162: {  	v7 =	vld [tilespmem:s2+$0x140]  }
0x163: {  	v8 =	vld [tilespmem:s2+$0x150]  }
0x164: {  	v9 =	vld [tilespmem:s2+$0x160]  }
0x165: {  	v10 =	vld [tilespmem:s26+$0xFFFFFFE0]  }
0x166: {  	v11 =	vld [tilespmem:s26+$0xFFFFFFF0]  }
0x167: {  	v12 =	vld [tilespmem:s26+$0x0]  }
0x168: {  	v13 =	vld [tilespmem:s26+$0x10]  }
0x169: {  	v14 =	vld [tilespmem:s2+$0xFFFFFEA0]  }
0x16a: {  	v15 =	vld [tilespmem:s2+$0xFFFFFF30]  }
0x16b: {  	v16 =	vld [tilespmem:s2+$0xFFFFFFC0]  }
0x16c: {  	v17 =	vld [tilespmem:s2+$0x50]  }
0x16d: {  	v18 =	vld [tilespmem:s2+$0xFFFFFEB0]  }
0x16e: {  	v20 =	vld [tilespmem:s2+$0xFFFFFF40]  }
0x16f: {  	v29 =	vld [tilespmem:s2+$0xFFFFFFD0]  }
0x170: {  	v30 =	vld [tilespmem:s2+$0x60]  }
0x171: {  	v31 =	vld [tilespmem:s2+$0xFFFFFEC0]  }
0x172: {  	v55 =	vld [tilespmem:s2+$0xFFFFFFE0]  }
0x173: {  	v45 =	vld [tilespmem:s2+$0xFFFFFED0]  }
0x174: {  	v46 =	vld [tilespmem:s2+$0xFFFFFF60];
	v28 =	vmul.f32 v1, v0  }
0x175: {  	v47 =	vld [tilespmem:s2+$0xFFFFFFF0];
	v27 =	vmul.f32 v2, v0;
	v26 =	vmul.f32 v3, v0  }
0x176: {  	v61 =	vmul.f32 v4, v0;
	v60 =	vmul.f32 v5, v0;
	v3 =	vld [tilespmem:s2+$0xFFFFFEF0]  }
0x177: {  	v56 =	vld [tilespmem:s2+$0x30];
	v59 =	vmul.f32 v6, v0;
	v58 =	vmul.f32 v7, v0  }
0x178: {  	v1 =	vld [tilespmem:s2+$0x0];
	v25 =	vmul.f32 v8, v0;
	v57 =	vmul.f32 v9, v0  }
0x179: {  	v5 =	vld [tilespmem:s2+$0x10];
	v0 =	vmul.f32 v14, v10;
	v6 =	vmul.f32 v15, v11  }
0x17a: {  	v15 =	vmul.f32 v18, v10;
	v18 =	vmul.f32 v29, v12;
	v29 =	vld [tilespmem:s2+$0x20]  }
0x17b: {  	v36 =	vmul.f32 v46, v11;
	v46 =	vmul.f32 v3, v10;
	v3 =	vld [tilespmem:s2+$0x40]  }
0x17c: {  	v54 =	vld [tilespmem:s2+$0xFFFFFF50];
	v8 =	vmul.f32 v16, v12;
	v14 =	vmul.f32 v17, v13  }
0x17d: {  	v44 =	vld [tilespmem:s2+$0x70];
	v32 =	vmul.f32 v55, v12;
	v35 =	vmul.f32 v45, v10  }
0x17e: {  	v48 =	vld [tilespmem:s2+$0x80];
	v37 =	vmul.f32 v47, v12;
	v45 =	vmul.f32 v56, v12  }
0x17f: {  	v49 =	vld [tilespmem:s2+$0xFFFFFEE0];
	vm0 =	vgt.f32 v6, v0;
	v1 =	vmul.f32 v1, v12;
	v63 =	vmul.f32 v5, v12  }
0x180: {  	v53 =	vld [tilespmem:s2+$0xFFFFFFA0];
	v29 =	vmul.f32 v29, v12;
	v12 =	vmul.f32 v3, v12;
	v3 =	vimm.s32 $0x0  }
0x181: {  	v50 =	vld [tilespmem:s2+$0xFFFFFF70];
	v16 =	vmul.f32 v20, v11;
	v20 =	vmul.f32 v30, v13;
	v3 =	vsel vm0, $0xFFFFFFFF, v3  }
0x182: {  	v4 =	vld [tilespmem:s2+$0xFFFFFF80];
	v30 =	vmul.f32 v31, v10;
	vm1 =	vgt.f32 v14, v8;
	[tilespmem:$0x1FC60] =	vst v3;
	v3 =	vimm.s32 $0x0  }
0x183: {  	v17 =	vld [tilespmem:s2+$0xFFFFFF90];
	v31 =	vmul.f32 v54, v11;
	v34 =	vmul.f32 v44, v13;
	v3 =	vsel vm1, $0xFFFFFFFF, v3  }
0x184: {  	v54 =	vld [tilespmem:s2+$0xFFFFFFB0];
	v0 =	vsel vm0, v6, v0;
	vm0 =	vgt.f32 v16, v15;
	[tilespmem:$0x1FC70] =	vst v3;
	v3 =	vimm.s32 $0x0  }
0x185: {  	v38 =	vmul.f32 v48, v13;
	v42 =	vmul.f32 v53, v11;
	v3 =	vsel vm0, $0xFFFFFFFF, v3  }
0x186: {  	v52 =	vld [tilespmem:s2+$0xFFFFFF20];
	v53 =	vsel vm0, v16, v15;
	vm0 =	vgt.f32 v20, v18;
	[tilespmem:$0x1FC80] =	vst v3;
	v3 =	vimm.s32 $0x0  }
0x187: {  	v9 =	vld [tilespmem:s2+$0xFFFFFF00];
	v39 =	vmul.f32 v49, v10;
	v40 =	vmul.f32 v50, v11;
	v3 =	vsel vm0, $0xFFFFFFFF, v3  }
0x188: {  	v55 =	vld [tilespmem:s2+$0xB0];
	vm3 =	vgt.f32 v31, v30;
	v49 =	vmul.f32 v4, v11;
	[tilespmem:$0x1FC90] =	vst v3;
	v3 =	vimm.s32 $0x0  }
0x189: {  	v2 =	vld [tilespmem:s2+$0x90];
	v17 =	vmul.f32 v17, v11;
	v11 =	vmul.f32 v54, v11;
	v3 =	vsel vm3, $0xFFFFFFFF, v3  }
0x18a: {  	v7 =	vld [tilespmem:s2+$0xA0];
	v54 =	vsel vm0, v20, v18;
	vm0 =	vgt.f32 v34, v32;
	[tilespmem:$0x1FCA0] =	vst v3;
	v3 =	vimm.s32 $0x0  }
0x18b: {  	v41 =	vmul.f32 v52, v10;
	v52 =	vsel vm1, v14, v8;
	v3 =	vsel vm0, $0xFFFFFFFF, v3  }
0x18c: {  	v56 =	vsel vm0, v34, v32;
	vm0 =	vgt.f32 v36, v35;
	[tilespmem:$0x1FCB0] =	vst v3;
	v3 =	vimm.s32 $0x0  }
0x18d: {  	v62 =	vmul.f32 v9, v10;
	v44 =	vmul.f32 v55, v13;
	v3 =	vsel vm0, $0xFFFFFFFF, v3  }
0x18e: {  	v51 =	vld [tilespmem:s2+$0xFFFFFF10];
	v55 =	vsel vm3, v31, v30;
	vm3 =	vgt.f32 v38, v37;
	[tilespmem:$0x1FCC0] =	vst v3;
	v3 =	vimm.s32 $0x0  }
0x18f: {  	v2 =	vmul.f32 v2, v13;
	v50 =	vmul.f32 v7, v13;
	v3 =	vsel vm3, $0xFFFFFFFF, v3  }
0x190: {  	v31 =	vsel vm0, v36, v35;
	vm0 =	vgt.f32 v40, v39;
	[tilespmem:$0x1FCD0] =	vst v3;
	v3 =	vimm.s32 $0x0  }
0x191: {  	v8 =	vld [tilespmem:$0x9C60];
	v33 =	vsel vm0, v40, v39;
	v3 =	vsel vm0, $0xFFFFFFFF, v3;
	vm0 =	vgt.f32 v2, v1  }
0x192: {  	s19 =	sadd.s32 s0, s7;
	v9 =	vld [tilespmem:s2+$0xC0];
	vm5 =	vgt.f32 v49, v46;
	v34 =	vsel vm0, v2, v1;
	v1 =	vimm.s32 $0x0  }
0x193: {  	s9 =	sadd.s32 $0x2, s19;
	v48 =	vmul.f32 v51, v10;
	v14 =	vimm.s32 $0x0;
	v4 =	vld [tilespmem:s2+$0xD0];
	v1 =	vsel vm5, $0xFFFFFFFF, v1  }
0x194: {  	[dreg:$0x7] =	wrdreg s9;
	v6 =	vld [tilespmem:$0x9C80];
	v14 =	vsel vm0, $0xFFFFFFFF, v14;
	vm0 =	vgt.f32 v50, v63;
	[tilespmem:$0x1FD00] =	vst v1;
	v1 =	vimm.s32 $0x0  }
0x195: {  	s11 =	rddreg [dreg:$0x7];
	v10 =	vld [tilespmem:$0x9C40];
	v1 =	vsel vm0, $0xFFFFFFFF, v1  }
0x196: {  	s14 =	sadd.s32 $0x0, s11;
	vm6 =	vgt.f32 v42, v48;
	v7 =	vld [tilespmem:$0x9C70];
	vm8 =	vgt.f32 v17, v62;
	[tilespmem:$0x1FD10] =	vst v1;
	v1 =	vimm.s32 $0x0  }
0x197: {  	v5 =	vld [tilespmem:$0x9C90];
	v30 =	vmov s14;
	vm9 =	vgt.f32 v44, v29;
	v1 =	vsel vm8, $0xFFFFFFFF, v1  }
0x198: {  	v51 =	vmul.f32 v9, v13;
	v13 =	vmul.f32 v4, v13;
	v9 =	vld [tilespmem:$0x9C50];
	[tilespmem:$0x1FD20] =	vst v1;
	v1 =	vimm.s32 $0x0  }
0x199: {  	v4 =	vld [tilespmem:$0x9CA0];
	vm12 =	vgt.f32 v56, v55;
	v32 =	vsel vm3, v38, v37;
	v1 =	vsel vm9, $0xFFFFFFFF, v1  }
0x19a: {  	s10 =	sadd.s32 $0x0, s19;
	v16 =	vld [tilespmem:$0x9D00];
	v38 =	vsel vm8, v17, v62;
	v36 =	vsel vm5, v49, v46;
	[tilespmem:$0x1FD30] =	vst v1;
	v1 =	vimm.s32 $0x0  }
0x19b: {  	v15 =	vld [tilespmem:$0x9D10];
	v39 =	vsel vm9, v44, v29;
	v29 =	vmov s10;
	v1 =	vsel vm6, $0xFFFFFFFF, v1  }
0x19c: {  	v20 =	vld [tilespmem:$0x9CD0];
	v37 =	vsel vm0, v50, v63;
	vm0 =	vgt.f32 v51, v45;
	[tilespmem:$0x1FD40] =	vst v1;
	v1 =	vimm.s32 $0x0  }
0x19d: {  	v18 =	vld [tilespmem:$0x9CE0];
	v40 =	vsel vm6, v42, v48;
	vm3 =	vgt.f32 v54, v53;
	v1 =	vsel vm0, $0xFFFFFFFF, v1  }
0x19e: {  	v17 =	vld [tilespmem:$0x9CF0];
	vm2 =	vgt.f32 v39, v38;
	vm6 =	vgt.f32 v11, v41;
	[tilespmem:$0x1FD50] =	vst v1;
	v1 =	vimm.s32 $0x0  }
0x19f: {  	[tilespmem:$0x1FCE0] =	vst v3;
	v3 =	vld [tilespmem:$0x9CB0];
	vm5 =	vgt.f32 v32, v31;
	vm4 =	vgt.f32 v34, v33;
	v1 =	vsel vm6, $0xFFFFFFFF, v1  }
0x1a0: {  	v2 =	vld [tilespmem:$0x9CC0];
	v42 =	vsel vm0, v51, v45;
	vm0 =	vgt.f32 v13, v12;
	[tilespmem:$0x1FD60] =	vst v1;
	v1 =	vimm.s32 $0x0  }
0x1a1: {  	[tilespmem:$0x1FCF0] =	vst v14;
	v14 =	vld [tilespmem:$0x9D20];
	vm14 =	vgt.f32 v37, v36;
	v43 =	vsel vm6, v11, v41;
	v1 =	vsel vm0, $0xFFFFFFFF, v1  }
0x1a2: {  	s29 =	simm.s32 $0x0;
	v11 =	vld [tilespmem:$0x9D40];
	v46 =	vsel vm0, v13, v12;
	vm0 =	vgt.f32 v52, v0;
	[tilespmem:$0x1FD70] =	vst v1;
	v1 =	vimm.s32 $0x0  }
0x1a3: {  	s8 =	sadd.s32 $0x3, s19;
	s9 =	simm.s32 $0x94E0;
	s26 =	sadd.s32 $0x1, s19;
	v45 =	vsel vm3, v54, v53;
	vm11 =	vgt.f32 v42, v40;
	v13 =	vld [tilespmem:$0x9D30];
	v1 =	vsel vm0, $0xFFFFFFFF, v1  }
0x1a4: {  	[dreg:$0x6] =	wrdreg s26;
	s26 =	sadd.s32 $0x4, s19;
	s10 =	simm.s32 $0x5;
	v41 =	vsel vm12, v56, v55;
	v12 =	vld [tilespmem:$0x9D50];
	vm1 =	vgt.f32 v46, v43;
	v44 =	vsel vm0, v52, v0;
	[tilespmem:$0x1FD80] =	vst v1  }
.LBB2_5:
0x1a5: {  	v0 =	vimm.s32 $0x0  }
0x1a6: {  	v1 =	vsel vm4, v34, v33;
	v54 =	vsel vm2, v39, v38;
	v55 =	vsel vm11, v42, v40  }
0x1a7: {  	v19 =	vimm.s32 $0x0;
	v56 =	vsel vm1, v46, v43;
	vm0 =	vgt.f32 v28, v44  }
0x1a8: {  	vm13 =	vgt.f32 v27, v45;
	v0 =	vsel vm2, $0xFFFFFFFF, v0;
	v19 =	vsel vm1, $0xFFFFFFFF, v19  }
0x1a9: {  	vm7 =	vgt.f32 v60, v1;
	vm9 =	vgt.f32 v58, v54;
	[tilespmem:$0x1FB80] =	vst v19;
	v19 =	vimm.s32 $0x0  }
0x1aa: {  	vm6 =	vgt.f32 v25, v55;
	[tilespmem:$0x1FB70] =	vst v0;
	v0 =	vimm.s32 $0x0;
	v19 =	vsel vm0, $0xFFFFFFFF, v19  }
0x1ab: {  	vm10 =	vgt.f32 v57, v56;
	v0 =	vsel vm4, $0xFFFFFFFF, v0;
	[tilespmem:$0x1FB90] =	vst v19;
	v19 =	vimm.s32 $0x0  }
0x1ac: {  	v28 =	vsel vm0, v28, v44;
	[tilespmem:$0x1FB60] =	vst v0;
	v0 =	vsel vm5, v32, v31;
	v19 =	vsel vm13, $0xFFFFFFFF, v19  }
0x1ad: {  	v27 =	vsel vm13, v27, v45;
	vm1 =	vgt.f32 v61, v0;
	[tilespmem:$0x1FBA0] =	vst v19;
	v19 =	vimm.s32 $0x0  }
0x1ae: {  	vm2 =	vmmov vm14;
	v1 =	vsel vm7, v60, v1;
	v19 =	vsel vm1, $0xFFFFFFFF, v19  }
0x1af: {  	v22 =	vsel vm9, v58, v54;
	v21 =	vsel vm6, v25, v55;
	[tilespmem:$0x1FBB0] =	vst v19;
	v19 =	vimm.s32 $0x0  }
0x1b0: {  	v24 =	vsel vm10, v57, v56;
	v31 =	vsel vm14, v37, v36;
	v19 =	vsel vm7, $0xFFFFFFFF, v19  }
0x1b1: {  	vm4 =	vgt.f32 v26, v41;
	vm8 =	vgt.f32 v59, v31;
	[tilespmem:$0x1FBC0] =	vst v19;
	v19 =	vimm.s32 $0x0  }
0x1b2: {  	v26 =	vsel vm4, v26, v41;
	vm13 =	vmmov vm4;
	v19 =	vsel vm8, $0xFFFFFFFF, v19  }
0x1b3: {  	vm4 =	vgt.f32 v1, v6;
	v23 =	vsel vm8, v59, v31;
	[tilespmem:$0x1FBD0] =	vst v19;
	v19 =	vimm.s32 $0x0  }
0x1b4: {  	v6 =	vsel vm4, v1, v6;
	v1 =	vld [tilespmem:$0x1FC60];
	vm7 =	vmmov vm3;
	v19 =	vsel vm9, $0xFFFFFFFF, v19  }
0x1b5: {  	v35 =	vld [tilespmem:s9+$0x20];
	vm3 =	vmmov vm11;
	vm11 =	vgt.f32 v21, v3;
	[tilespmem:$0x1FBE0] =	vst v19;
	v19 =	vimm.s32 $0x0  }
0x1b6: {  	v3 =	vsel vm11, v21, v3;
	v21 =	vld [tilespmem:$0x1FC70];
	v19 =	vsel vm6, $0xFFFFFFFF, v19;
	vm6 =	vgt.f32 v22, v4  }
0x1b7: {  	vm14 =	vgt.f32 v24, v2;
	vm8 =	vgt.f32 v23, v5;
	v4 =	vsel vm6, v22, v4;
	v22 =	vld [tilespmem:$0x1FC80]  }
0x1b8: {  	s11 =	rddreg [dreg:$0x6];
	v2 =	vsel vm14, v24, v2;
	v0 =	vsel vm1, v61, v0;
	v5 =	vsel vm8, v23, v5;
	v23 =	vld [tilespmem:$0x1FC90]  }
0x1b9: {  	s11 =	sadd.s32 s11, s29;
	v24 =	vld [tilespmem:$0x1FCA0];
	vm1 =	vgt.f32 v28, v10;
	vm0 =	vnez.u8 v1;
	vm9 =	vgt.f32 v26, v8  }
0x1ba: {  	v25 =	vld [tilespmem:$0x1FCB0];
	v1 =	vsel vm0, s11, v29;
	v8 =	vsel vm9, v26, v8;
	[tilespmem:$0x1FBF0] =	vst v19;
	v19 =	vimm.s32 $0x0  }
0x1bb: {  	s14 =	sadd.s32 s8, s29;
	v26 =	vld [tilespmem:$0x1FCC0];
	vm0 =	vnez.u8 v21;
	v19 =	vsel vm10, $0xFFFFFFFF, v19;
	vm10 =	vgt.f32 v27, v9  }
0x1bc: {  	v21 =	vsel vm0, s14, v30;
	v9 =	vsel vm10, v27, v9;
	v27 =	vld [tilespmem:$0x1FCD0];
	vm0 =	vnez.u8 v22  }
0x1bd: {  	v10 =	vsel vm1, v28, v10;
	v28 =	vld [tilespmem:$0x1FCE0];
	v22 =	vsel vm0, s11, v29;
	vm0 =	vnez.u8 v23  }
0x1be: {  	v47 =	vld [tilespmem:$0x1FCF0];
	v23 =	vsel vm0, s14, v30;
	vm0 =	vnez.u8 v24  }
0x1bf: {  	v48 =	vld [tilespmem:$0x1FD00];
	v24 =	vsel vm0, s11, v29;
	vm0 =	vnez.u8 v25  }
0x1c0: {  	v49 =	vld [tilespmem:$0x1FD10];
	v25 =	vsel vm0, s14, v30;
	vm0 =	vnez.u8 v26  }
0x1c1: {  	v51 =	vld [tilespmem:$0x1FD20];
	v26 =	vsel vm0, s11, v29;
	vm0 =	vnez.u8 v27  }
0x1c2: {  	v52 =	vld [tilespmem:$0x1FD30];
	v27 =	vsel vm0, s14, v30;
	vm0 =	vnez.u8 v28  }
0x1c3: {  	v53 =	vld [tilespmem:$0x1FD40];
	v28 =	vsel vm0, s11, v29;
	vm0 =	vnez.u8 v47  }
0x1c4: {  	v55 =	vld [tilespmem:$0x1FD50];
	v47 =	vsel vm0, s14, v30;
	vm0 =	vnez.u8 v48  }
0x1c5: {  	v56 =	vld [tilespmem:$0x1FD60];
	v48 =	vsel vm0, s11, v29;
	vm0 =	vnez.u8 v49  }
0x1c6: {  	v62 =	vld [tilespmem:$0x1FD70];
	v49 =	vsel vm0, s14, v30;
	vm0 =	vnez.u8 v51  }
0x1c7: {  	v63 =	vld [tilespmem:$0x1FD80];
	v51 =	vsel vm0, s11, v29;
	vm0 =	vnez.u8 v52  }
0x1c8: {  	v33 =	vld [tilespmem:s9+$0x0];
	v52 =	vsel vm0, s14, v30;
	vm0 =	vnez.u8 v53  }
0x1c9: {  	s2 =	sadd.s32 $0x2D0, s2;
	v34 =	vld [tilespmem:s9+$0x10];
	v53 =	vsel vm0, s11, v29;
	vm0 =	vnez.u8 v55  }
0x1ca: {  	v38 =	vld [tilespmem:s2+$0x100];
	v55 =	vsel vm0, s14, v30;
	vm0 =	vnez.u8 v56  }
0x1cb: {  	v39 =	vld [tilespmem:s2+$0x110];
	v29 =	vsel vm0, s11, v29;
	vm0 =	vnez.u8 v62  }
0x1cc: {  	v40 =	vld [tilespmem:s2+$0x120];
	v30 =	vsel vm0, s14, v30;
	vm0 =	vnez.u8 v63  }
0x1cd: {  	v1 =	vsel vm0, v21, v1;
	v21 =	vsel vm7, v23, v22;
	v22 =	vsel vm12, v25, v24;
	v24 =	vld [tilespmem:$0x1FB60]  }
0x1ce: {  	v42 =	vld [tilespmem:s2+$0x140]  }
0x1cf: {  	v43 =	vld [tilespmem:s2+$0x160]  }
0x1d0: {  	v44 =	vld [tilespmem:s2+$0xFFFFFF30]  }
0x1d1: {  	v45 =	vld [tilespmem:s2+$0xFFFFFFC0]  }
0x1d2: {  	v23 =	vsel vm5, v27, v26;
	v26 =	vld [tilespmem:$0x1FB70];
	vm0 =	vnez.u8 v24  }
0x1d3: {  	v24 =	vsel vm0, v47, v28;
	v28 =	vld [tilespmem:$0x1FB80]  }
0x1d4: {  	v50 =	vld [tilespmem:s2+$0xFFFFFEB0]  }
0x1d5: {  	v36 =	vld [tilespmem:s2+$0xE0]  }
0x1d6: {  	v37 =	vld [tilespmem:s2+$0xF0]  }
0x1d7: {  	v32 =	vld [tilespmem:s9+$0xFFFFFFF0];
	vm0 =	vnez.u8 v26  }
0x1d8: {  	v31 =	vld [tilespmem:s9+$0xFFFFFFE0];
	v26 =	vsel vm0, v52, v51;
	vm0 =	vnez.u8 v28  }
0x1d9: {  	vm15 =	vgt.f32 v0, v7;
	v28 =	vsel vm0, v30, v29;
	v30 =	vld [tilespmem:$0x1FB90]  }
0x1da: {  	v7 =	vsel vm15, v0, v7;
	v0 =	vld [tilespmem:s2+$0xFFFFFEA0]  }
0x1db: {  	v63 =	vld [tilespmem:s2+$0xFFFFFED0]  }
0x1dc: {  	v27 =	vsel vm3, v55, v53;
	v55 =	vld [tilespmem:$0x1FBB0]  }
0x1dd: {  	s14 =	sadd.s32 s26, s29;
	v53 =	vld [tilespmem:s2+$0xFFFFFEE0]  }
0x1de: {  	v22 =	vsel vm13, s14, v22;
	vm0 =	vnez.u8 v30;
	v30 =	vld [tilespmem:$0x1FBA0]  }
0x1df: {  	v17 =	vsel vm9, v22, v17;
	v22 =	vmul.f32 v38, v35;
	v38 =	vld [tilespmem:s2+$0xFFFFFEF0]  }
0x1e0: {  	v58 =	vld [tilespmem:$0x1FBC0]  }
0x1e1: {  	v59 =	vld [tilespmem:$0x1FBD0]  }
0x1e2: {  	v0 =	vmul.f32 v0, v31;
	v60 =	vld [tilespmem:$0x1FBE0];
	v25 =	vsel vm2, v49, v48;
	v49 =	vmul.f32 v63, v31  }
0x1e3: {  	v61 =	vld [tilespmem:$0x1FBF0];
	[tilespmem:$0x1FC00] =	vst v19;
	v53 =	vmul.f32 v53, v31;
	v1 =	vsel vm0, s14, v1;
	vm0 =	vnez.u8 v30  }
0x1e4: {  	v62 =	vld [tilespmem:$0x1FC00];
	v38 =	vmul.f32 v38, v31;
	v21 =	vsel vm0, s14, v21;
	vm0 =	vnez.u8 v55  }
0x1e5: {  	v30 =	vld [tilespmem:s2+$0xFFFFFFE0];
	v23 =	vsel vm0, s14, v23;
	vm0 =	vnez.u8 v58;
	v18 =	vsel vm10, v21, v18  }
0x1e6: {  	v19 =	vld [tilespmem:s2+$0x150];
	v21 =	vmul.f32 v39, v35;
	v24 =	vsel vm0, s14, v24;
	vm0 =	vnez.u8 v59  }
0x1e7: {  	v41 =	vld [tilespmem:s2+$0x130];
	v16 =	vsel vm15, v23, v16;
	v25 =	vsel vm0, s14, v25;
	vm0 =	vnez.u8 v60  }
0x1e8: {  	v63 =	vld [tilespmem:s2+$0xFFFFFF20];
	v15 =	vsel vm4, v24, v15;
	v26 =	vsel vm0, s14, v26;
	vm0 =	vnez.u8 v61  }
0x1e9: {  	v47 =	vld [tilespmem:s2+$0xFFFFFEC0];
	v14 =	vsel vm8, v25, v14;
	v27 =	vsel vm0, s14, v27;
	vm0 =	vnez.u8 v62  }
0x1ea: {  	v25 =	vmul.f32 v43, v35;
	v59 =	vmul.f32 v30, v33;
	v30 =	vld [tilespmem:s2+$0xFFFFFF10];
	v28 =	vsel vm0, s14, v28  }
0x1eb: {  	v61 =	vld [tilespmem:s2+$0x30];
	v13 =	vsel vm6, v26, v13;
	v26 =	vmul.f32 v19, v35;
	v12 =	vsel vm14, v28, v12  }
0x1ec: {  	v62 =	vld [tilespmem:s2+$0xC0];
	[tilespmem:$0x1FC30] =	vst v13;
	v11 =	vsel vm11, v27, v11;
	v13 =	vmul.f32 v36, v35;
	v27 =	vmul.f32 v42, v35  }
0x1ed: {  	[tilespmem:$0x1FC40] =	vst v14;
	v19 =	vld [tilespmem:s2+$0xFFFFFFB0];
	v14 =	vmovc v16;
	v16 =	vmov v15;
	v15 =	vmul.f32 v37, v35;
	v28 =	vmul.f32 v41, v35  }
0x1ee: {  	[tilespmem:$0x1FC20] =	vst v12;
	v12 =	vmov v11;
	v11 =	vmul.f32 v40, v35;
	v35 =	vmul.f32 v44, v32;
	v44 =	vld [tilespmem:s2+$0xFFFFFF00]  }
0x1ef: {  	v63 =	vmul.f32 v63, v31;
	v47 =	vmul.f32 v47, v31  }
0x1f0: {  	v42 =	vmul.f32 v45, v33;
	v45 =	vmul.f32 v50, v31  }
0x1f1: {  	v61 =	vmul.f32 v61, v33;
	v62 =	vmul.f32 v62, v34  }
0x1f2: {  	v46 =	vld [tilespmem:s2+$0x50];
	v24 =	vmul.f32 v30, v31;
	v19 =	vmul.f32 v19, v32  }
0x1f3: {  	vm12 =	vgt.f32 v62, v61;
	v44 =	vmul.f32 v44, v31;
	v31 =	vimm.s32 $0x0  }
0x1f4: {  	v54 =	vld [tilespmem:s2+$0xFFFFFF40];
	v31 =	vsel vm12, $0xFFFFFFFF, v31  }
0x1f5: {  	v56 =	vld [tilespmem:s2+$0xFFFFFFD0];
	vm12 =	vgt.f32 v19, v63;
	[tilespmem:$0x1FD50] =	vst v31;
	v31 =	vimm.s32 $0x0  }
0x1f6: {  	v57 =	vld [tilespmem:s2+$0x60];
	v31 =	vsel vm12, $0xFFFFFFFF, v31  }
0x1f7: {  	v51 =	vld [tilespmem:s2+$0xFFFFFFF0];
	v43 =	vmul.f32 v46, v34;
	vm0 =	vgt.f32 v35, v0;
	[tilespmem:$0x1FD60] =	vst v31;
	v31 =	vimm.s32 $0x0  }
0x1f8: {  	v29 =	vld [tilespmem:s2+$0xFFFFFF50];
	v20 =	vsel vm1, v1, v20;
	v31 =	vsel vm0, $0xFFFFFFFF, v31  }
0x1f9: {  	v1 =	vld [tilespmem:s2+$0xFFFFFF60];
	v46 =	vmul.f32 v54, v32;
	vm1 =	vgt.f32 v43, v42;
	[tilespmem:$0x1FC60] =	vst v31;
	v31 =	vimm.s32 $0x0  }
0x1fa: {  	v52 =	vld [tilespmem:s2+$0x80];
	v54 =	vmul.f32 v56, v33;
	v31 =	vsel vm1, $0xFFFFFFFF, v31  }
0x1fb: {  	v55 =	vld [tilespmem:s2+$0xFFFFFF70];
	v56 =	vmul.f32 v57, v34;
	vm2 =	vgt.f32 v46, v45;
	[tilespmem:$0x1FC70] =	vst v31;
	v31 =	vimm.s32 $0x0  }
0x1fc: {  	v31 =	vsel vm2, $0xFFFFFFFF, v31  }
0x1fd: {  	v58 =	vmul.f32 v29, v32;
	v36 =	vld [tilespmem:s2+$0x0];
	vm3 =	vgt.f32 v56, v54;
	[tilespmem:$0x1FC80] =	vst v31;
	v31 =	vimm.s32 $0x0  }
0x1fe: {  	v51 =	vmul.f32 v51, v33;
	v1 =	vmul.f32 v1, v32;
	v37 =	vld [tilespmem:s2+$0x90];
	v31 =	vsel vm3, $0xFFFFFFFF, v31  }
0x1ff: {  	v52 =	vmul.f32 v52, v34;
	v39 =	vld [tilespmem:s2+$0xFFFFFF80];
	vm13 =	vgt.f32 v58, v47;
	[tilespmem:$0x1FC90] =	vst v31;
	v31 =	vimm.s32 $0x0  }
0x200: {  	vm9 =	vgt.f32 v1, v49;
	v55 =	vmul.f32 v55, v32;
	v31 =	vsel vm13, $0xFFFFFFFF, v31  }
0x201: {  	vm5 =	vgt.f32 v52, v51;
	v41 =	vld [tilespmem:s2+$0xA0];
	[tilespmem:$0x1FCA0] =	vst v31;
	v31 =	vsel vm9, v1, v49;
	v1 =	vimm.s32 $0x0  }
0x202: {  	vm7 =	vgt.f32 v55, v53;
	v40 =	vld [tilespmem:s2+$0x10];
	v1 =	vsel vm5, $0xFFFFFFFF, v1  }
0x203: {  	v36 =	vmul.f32 v36, v33;
	v37 =	vmul.f32 v37, v34;
	[tilespmem:$0x1FCD0] =	vst v1;
	v1 =	vimm.s32 $0x0  }
0x204: {  	v50 =	vld [tilespmem:s2+$0xFFFFFF90];
	v39 =	vmul.f32 v39, v32;
	v1 =	vsel vm7, $0xFFFFFFFF, v1  }
0x205: {  	v29 =	vld [tilespmem:s2+$0xB0];
	vm8 =	vgt.f32 v37, v36;
	[tilespmem:$0x1FCE0] =	vst v1;
	v1 =	vimm.s32 $0x0  }
0x206: {  	v57 =	vld [tilespmem:s2+$0x20];
	vm14 =	vgt.f32 v39, v38;
	v1 =	vsel vm8, $0xFFFFFFFF, v1  }
0x207: {  	v41 =	vmul.f32 v41, v34;
	v40 =	vmul.f32 v40, v33;
	[tilespmem:$0x1FCF0] =	vst v1;
	v1 =	vimm.s32 $0x0  }
0x208: {  	v60 =	vld [tilespmem:s2+$0xFFFFFFA0];
	v1 =	vsel vm14, $0xFFFFFFFF, v1  }
0x209: {  	v50 =	vmul.f32 v50, v32;
	vm10 =	vgt.f32 v41, v40;
	[tilespmem:$0x1FD00] =	vst v1;
	v1 =	vimm.s32 $0x0  }
0x20a: {  	v48 =	vld [tilespmem:s2+$0x70];
	[tilespmem:$0x1FC10] =	vst v22;
	v23 =	vmul.f32 v29, v34;
	v1 =	vsel vm10, $0xFFFFFFFF, v1  }
0x20b: {  	v22 =	vld [tilespmem:s2+$0xD0];
	v57 =	vmul.f32 v57, v33;
	vm15 =	vgt.f32 v50, v44;
	[tilespmem:$0x1FD10] =	vst v1;
	v1 =	vimm.s32 $0x0  }
0x20c: {  	[tilespmem:$0x1FC50] =	vst v21;
	v1 =	vsel vm15, $0xFFFFFFFF, v1  }
0x20d: {  	v21 =	vld [tilespmem:s2+$0x40];
	v60 =	vmul.f32 v60, v32;
	vm11 =	vgt.f32 v23, v57;
	[tilespmem:$0x1FD20] =	vst v1;
	v1 =	vimm.s32 $0x0  }
0x20e: {  	v1 =	vsel vm11, $0xFFFFFFFF, v1  }
0x20f: {  	v48 =	vmul.f32 v48, v34;
	vm6 =	vgt.f32 v60, v24;
	[tilespmem:$0x1FD30] =	vst v1;
	v1 =	vimm.s32 $0x0  }
0x210: {  	v22 =	vmul.f32 v22, v34;
	s14 =	sadd.s32 s19, s10;
	v1 =	vsel vm6, $0xFFFFFFFF, v1  }
0x211: {  	s11 =	rddreg [dreg:$0x7];
	v47 =	vsel vm13, v58, v47;
	vm4 =	vgt.f32 v48, v59;
	v29 =	vmov s14;
	[tilespmem:$0x1FD40] =	vst v1;
	v1 =	vld [tilespmem:$0x1FD50]  }
0x212: {  	s11 =	sadd.s32 s11, s10;
	v54 =	vsel vm3, v56, v54;
	v48 =	vsel vm4, v48, v59;
	v21 =	vmul.f32 v21, v33;
	v58 =	vmovc v27  }
0x213: {  	v30 =	vmov s11;
	v45 =	vsel vm2, v46, v45;
	v59 =	vmovc v28;
	v27 =	vmovc v15;
	v15 =	vmov v16  }
0x214: {  	v16 =	vmovc v14;
	v14 =	vimm.s32 $0x0;
	v28 =	vmovc v13;
	v13 =	vimm.s32 $0x0;
	v32 =	vsel vm5, v52, v51  }
0x215: {  	v14 =	vsel vm4, $0xFFFFFFFF, v14;
	v13 =	vsel vm9, $0xFFFFFFFF, v13;
	v0 =	vsel vm0, v35, v0  }
0x216: {  	v35 =	vsel vm1, v43, v42;
	v33 =	vsel vm7, v55, v53;
	vm0 =	vnez.u8 v1;
	v1 =	vld [tilespmem:$0x1FD60]  }
0x217: {  	v34 =	vsel vm8, v37, v36;
	v36 =	vsel vm14, v39, v38;
	v39 =	vsel vm11, v23, v57  }
0x218: {  	vm4 =	vgt.f32 v34, v33;
	vm12 =	vgt.f32 v22, v21;
	v37 =	vsel vm10, v41, v40  }
0x219: {  	v38 =	vsel vm15, v50, v44;
	v40 =	vsel vm6, v60, v24;
	vm3 =	vgt.f32 v54, v45  }
0x21a: {  	p1 =	sne.s32 s10, $0x78;
	v46 =	vsel vm12, v22, v21;
	vm2 =	vgt.f32 v39, v38;
	v45 =	vsel vm3, v54, v45  }
.Ltmp3:
0x21b: {  	[tilespmem:$0x1FCC0] =	vst v13;
	v13 =	vld [tilespmem:$0x1FC30];
	v42 =	vsel vm0, v62, v61;
	vm0 =	vnez.u8 v1;
	v1 =	vimm.s32 $0x0;
	(pc) =	sbr.rel @p1 .LBB2_5-.Ltmp3, $4  }
0x21c: {  	[tilespmem:$0x1FCB0] =	vst v14;
	v14 =	vld [tilespmem:$0x1FC40];
	vm5 =	vgt.f32 v32, v31;
	vm14 =	vgt.f32 v37, v36;
	v1 =	vsel vm12, $0xFFFFFFFF, v1  }
0x21d: {  	v57 =	vmovc v25;
	v25 =	vmovc v26;
	v26 =	vld [tilespmem:$0x1FC10];
	v43 =	vsel vm0, v19, v63;
	vm0 =	vgt.f32 v35, v0;
	[tilespmem:$0x1FD70] =	vst v1;
	v1 =	vimm.s32 $0x0  }
0x21e: {  	v60 =	vmovc v11;
	v11 =	vmovc v12;
	v12 =	vld [tilespmem:$0x1FC20];
	vm11 =	vgt.f32 v42, v40;
	vm12 =	vgt.f32 v48, v47;
	v1 =	vsel vm0, $0xFFFFFFFF, v1  }
0x21f: {  	s9 =	sadd.s32 $0x50, s9;
	s29 =	smov.u32 s10;
	s10 =	sadd.s32 $0x5, s10;
	v61 =	vld [tilespmem:$0x1FC50];
	vm1 =	vgt.f32 v46, v43;
	v44 =	vsel vm0, v35, v0;
	v41 =	vsel vm12, v48, v47;
	[tilespmem:$0x1FD80] =	vst v1  }
0x220: {  	v0 =	vld [tilespmem:$0x1FC60]  }
0x221: {  	v1 =	vld [tilespmem:$0x1FC70]  }
0x222: {  	v19 =	vld [tilespmem:$0x1FC80]  }
0x223: {  	v21 =	vld [tilespmem:$0x1FC90]  }
0x224: {  	v22 =	vld [tilespmem:$0x1FCA0]  }
0x225: {  	v23 =	vld [tilespmem:$0x1FCB0]  }
0x226: {  	v24 =	vld [tilespmem:$0x1FCC0]  }
0x227: {  	v35 =	vld [tilespmem:$0x1FCD0]  }
0x228: {  	v47 =	vld [tilespmem:$0x1FCE0]  }
0x229: {  	v48 =	vld [tilespmem:$0x1FD80];
	v31 =	vsel vm5, v32, v31;
	v33 =	vsel vm4, v34, v33;
	v53 =	vsel vm14, v37, v36  }
0x22a: {  	v49 =	vld [tilespmem:$0x1FD00];
	v55 =	vsel vm2, v39, v38;
	v37 =	vsel vm11, v42, v40;
	v62 =	vsel vm1, v46, v43  }
0x22b: {  	s2 =	rddreg [dreg:$0x6];
	v50 =	vld [tilespmem:$0x1FD10];
	vm0 =	vnez.u8 v0;
	vm7 =	vnez.u8 v1;
	vm8 =	vnez.u8 v19  }
0x22c: {  	v51 =	vld [tilespmem:$0x1FD20];
	s2 =	sadd.s32 s2, s29;
	vm9 =	vnez.u8 v21;
	vm10 =	vnez.u8 v22;
	vm13 =	vnez.u8 v23  }
0x22d: {  	s8 =	sadd.s32 s8, s29;
	v54 =	vld [tilespmem:$0x1FD40];
	vm15 =	vnez.u8 v24;
	vm6 =	vnez.u8 v35;
	v0 =	vsel vm0, s2, v29  }
0x22e: {  	v1 =	vsel vm7, s8, v30;
	v19 =	vsel vm8, s2, v29;
	v21 =	vsel vm9, s8, v30  }
0x22f: {  	v52 =	vld [tilespmem:$0x1FD30];
	v22 =	vsel vm10, s2, v29;
	v23 =	vsel vm13, s8, v30;
	v24 =	vsel vm15, s2, v29  }
0x230: {  	v56 =	vld [tilespmem:$0x1FD50];
	v35 =	vsel vm6, s8, v30;
	vm7 =	vnez.u8 v47;
	vm8 =	vnez.u8 v48  }
0x231: {  	vm10 =	vnez.u8 v49;
	vm13 =	vnez.u8 v50;
	vm15 =	vnez.u8 v51  }
0x232: {  	vm6 =	vnez.u8 v54;
	v47 =	vsel vm7, s2, v29;
	v0 =	vsel vm8, v1, v0  }
0x233: {  	v19 =	vsel vm3, v21, v19;
	v21 =	vsel vm10, s2, v29;
	v22 =	vsel vm12, v23, v22  }
0x234: {  	v23 =	vsel vm13, s8, v30;
	v24 =	vsel vm5, v35, v24;
	v32 =	vsel vm15, s2, v29  }
0x235: {  	vm5 =	vnez.u8 v52;
	vm7 =	vnez.u8 v56;
	vm8 =	vgt.f32 v28, v44  }
0x236: {  	vm3 =	vmmov vm1;
	vm10 =	vgt.f32 v27, v45;
	vm13 =	vgt.f32 v26, v41  }
0x237: {  	vm15 =	vgt.f32 v61, v31;
	v34 =	vsel vm5, s8, v30;
	v21 =	vsel vm14, v23, v21  }
0x238: {  	s29 =	sadd.s32 s26, s29;
	v23 =	vsel vm6, s2, v29;
	v28 =	vsel vm8, v28, v44;
	v27 =	vsel vm10, v27, v45  }
0x239: {  	v42 =	vld [tilespmem:$0x1FD70];
	v0 =	vsel vm8, s29, v0;
	v44 =	vsel vm13, v26, v41;
	v19 =	vsel vm10, s29, v19  }
0x23a: {  	v46 =	vsel vm15, v61, v31;
	vm5 =	vgt.f32 v60, v33;
	v50 =	vsel vm15, s29, v24  }
0x23b: {  	v48 =	vld [tilespmem:$0x1FCF0];
	v32 =	vsel vm2, v34, v32;
	v34 =	vsel vm7, s8, v30;
	vm12 =	vgt.f32 v28, v10  }
0x23c: {  	vm14 =	vgt.f32 v27, v9;
	vm6 =	vgt.f32 v46, v7;
	v10 =	vsel vm12, v28, v10  }
0x23d: {  	v63 =	vld [tilespmem:$0x1FD60];
	v49 =	vsel vm5, v60, v33;
	vm7 =	vgt.f32 v59, v53;
	v0 =	vsel vm12, v0, v20;
	[tilespmem:$0x9C40] =	vst v10  }
0x23e: {  	v23 =	vsel vm11, v34, v23;
	vm11 =	vnez.u8 v42;
	v9 =	vsel vm14, v27, v9;
	[tilespmem:$0x9CD0] =	vst v0  }
0x23f: {  	v45 =	vsel vm14, v19, v18;
	v7 =	vsel vm6, v46, v7;
	v51 =	vsel vm6, v50, v16;
	[tilespmem:$0x9C50] =	vst v9  }
0x240: {  	vm8 =	vgt.f32 v49, v6;
	v52 =	vsel vm7, v59, v53;
	vm9 =	vnez.u8 v48;
	[tilespmem:$0x9CE0] =	vst v45  }
0x241: {  	v43 =	vsel vm11, s8, v30;
	[tilespmem:$0x9C70] =	vst v7;
	v6 =	vsel vm8, v49, v6;
	vm10 =	vgt.f32 v52, v5  }
0x242: {  	[tilespmem:$0x9D00] =	vst v51;
	vm11 =	vgt.f32 v25, v37;
	v1 =	vsel vm9, s8, v30;
	vm9 =	vnez.u8 v63  }
0x243: {  	[tilespmem:$0x9C80] =	vst v6;
	v5 =	vsel vm10, v52, v5;
	v1 =	vsel vm4, v1, v47;
	vm4 =	vgt.f32 v44, v8  }
0x244: {  	v40 =	vsel vm9, s2, v29;
	v47 =	vsel vm13, s29, v22;
	[tilespmem:$0x9C90] =	vst v5;
	v8 =	vsel vm4, v44, v8  }
0x245: {  	vm9 =	vgt.f32 v58, v55;
	v48 =	vsel vm4, v47, v17;
	v1 =	vsel vm5, s29, v1;
	[tilespmem:$0x9C60] =	vst v8  }
0x246: {  	v54 =	vsel vm9, v58, v55;
	v55 =	vsel vm7, s29, v21;
	[tilespmem:$0x9CF0] =	vst v48;
	v53 =	vsel vm8, v1, v15  }
0x247: {  	vm13 =	vgt.f32 v57, v62;
	v56 =	vsel vm10, v55, v14;
	vm12 =	vgt.f32 v54, v4;
	[tilespmem:$0x9D10] =	vst v53  }
0x248: {  	v58 =	vsel vm11, v25, v37;
	v59 =	vsel vm9, s29, v32;
	v1 =	vsel vm12, v54, v4;
	[tilespmem:$0x9D20] =	vst v56  }
0x249: {  	v62 =	vsel vm13, v57, v62;
	vm14 =	vgt.f32 v58, v3;
	v60 =	vsel vm12, v59, v13;
	[tilespmem:$0x9CA0] =	vst v1  }
.Ltmp4:
0x24a: {  	v63 =	vsel vm3, v43, v40;
	vm15 =	vgt.f32 v62, v2;
	v3 =	vsel vm14, v58, v3;
	[tilespmem:$0x9D30] =	vst v60;
	(pc) =	sbr.rel @p0 .LBB2_8-.Ltmp4, $4  }
0x24b: {  	v0 =	vsel vm13, s29, v63;
	v2 =	vsel vm15, v62, v2;
	[tilespmem:$0x9CB0] =	vst v3  }
0x24c: {  	v61 =	vsel vm11, s29, v23;
	v0 =	vsel vm15, v0, v12;
	[tilespmem:$0x9CC0] =	vst v2  }
0x24d: {  	v1 =	vsel vm14, v61, v11;
	[tilespmem:$0x9D50] =	vst v0  }
0x24e: {  	[tilespmem:$0x9D40] =	vst v1  }
0x24f: {  	s0 =	sadd.s32 s0, s13  }
0x250: {  	s2 =	smul.u32 $0x2710, s0;
	_ =	sdelay $0x1  }
0x251: {  	s2 =	sadd.s32 s6, s2  }
.Ltmp5:
0x252: {  	s2 =	sshrl.u32 s2, $0x3;
	(pc) =	sbr.rel .LBB2_2-.Ltmp5, $4  }
0x253: {  	s0 =	sshll.u32 s0, $0x1;
	s2 =	sadd.s32 s4, s2  }
0x254: {  	[tilespmem:s20], [sflag:$0x2] =	stream.strided.gather [hbm4b:s2+s17], $0x4650, s18, s17, $0x38;
	[tilespmem:$0x9D60] =	vst v63  }
0x255: {  	s31 =	sadd.s32 $0x1, s31;
	s0 =	sadd.s32 s1, s0  }
0x256: {  	[tilespmem:s21], [sflag:$0x4] =	stream.linear.gather [hbm4b:s0+s3], $0x7D0, $0x38;
	[tilespmem:$0x9D60] =	vst v63  }
.LBB2_9:
0x257: {  	_ =	sfence.sel $0x180000  }
0x258: {  	[bflag:$0x0] =	sbarrier.arrive $0xFFFF  }
0x259: {  	_ =	strace $0x90000047  }
0x25a: {  	s0 =	stileid.u32;
	[bflag:$0x2] =	sbarrier.arrive $0xFFFF  }
0x25b: {  	p0 =	sne.s32 s0, $0x0;
	s0 =	rddreg [dreg:$0x3]  }
0x25c: {  	s0 =	sadd.s32 @!p0 $0x100000, s0  }
0x25d: {  	[sflag:s0] =	ssyncadd.tile.s32 @!p0 $0x1;
	_ =	shalt  }
.Lfunc_end2:
_tile_overlayer_lowered:
.L_overlay_start_2:
0x25e: {  	(tag) =	ssettag $0x2  }
0x25f: {  	s0 =	rddreg [dreg:$0x0];
	s2 =	stileid.u32  }
0x260: {  	s1 =	rddreg [dreg:$0x1];
	p0 =	sne.s32 s2, $0x0  }
0x261: {  	s3 =	rddreg [dreg:$0x2];
	[bflag:$0x3] =	sbarrier.arrive $0xFFFF;
	s2 =	simm.s32 @!p0 $0x1C05  }
0x262: {  	[timem:s3], [sflag:s2] =	dma.local @!p0 [hbm:s0], s1  }
0x263: {  	s0 =	simm.s32 @!p0 $0x5  }
0x264: {  	_ =	swait.ge @!p0 [sflag:s0], s1  }
0x265: {  	s1 =	ssub.s32 @!p0 $0x0, s1;
	[sflag:s0] =	ssyncset.done @!p0 $0x0  }
0x266: {  	[sflag:s0] =	ssyncadd.s32 @!p0 s1  }
0x267: {  	[bflag:$0x3] =	sbarrier.arrive $0xFFFF  }
0x268: {  	_ =	shalt  }

</sc_bundles>
